<compile_context>
chip_gen: v7x
topology: tpu7x:2x2x1
jax: 0.10.2.dev20260603
libtpu: 0.0.44.dev20260713+nightly
codegen_flags: <defaults>
</compile_context>

<pallas_src>
import functools

import jax
import jax.numpy as jnp
from jax import lax
from jax.experimental import pallas as pl
from jax.experimental.pallas import tpu as pltpu
from jax.experimental.pallas import tpu_sc as plsc

N = 10000
F = 128
C = 40
NP = 10240
CP = 48
K = 128
NWORK = 32
ROWS_PER_TILE = NP // 16


def _mm_body(x_ref, wl_ref, bl_ref, wr_ref, br_ref, wlin_ref, blin_ref,
             xl_ref, xr_ref, lm_ref):
    i = pl.program_id(0)
    xb = x_ref[...]
    rows = i * xb.shape[0] + lax.broadcasted_iota(jnp.int32, (xb.shape[0], 1), 0)
    mask = (rows < N).astype(jnp.float32)
    xl_ref[...] = (jnp.dot(xb, wl_ref[...],
                           preferred_element_type=jnp.float32) + bl_ref[...]) * mask
    xr_ref[...] = (jnp.dot(xb, wr_ref[...],
                           preferred_element_type=jnp.float32) + br_ref[...]) * mask
    lm_ref[...] = jnp.dot(xb, wlin_ref[...],
                          preferred_element_type=jnp.float32) + blin_ref[...]


def _combine_body(n0_ref, n1_ref, d0_ref, d1_ref, bias_ref, out_ref):
    denom = d0_ref[...] + d1_ref[...] + 1e-16
    out_ref[...] = (n0_ref[...] + n1_ref[...]) / denom + bias_ref[...]


def _sc_body(n_chunks, src_hbm, dst_hbm, xl_hbm, xr_hbm, att_hbm,
             numer_out,
             att_v, att_rot, src_v, dst_v, rows_l0, rows_l1, rows_r0, rows_r1,
             srow0, srow1, zbuf, numer_sh,
             semg0, semg1, sems0, sems1):
    cid = lax.axis_index("c")
    sid = lax.axis_index("s")
    wid = sid * 2 + cid
    rows_l = (rows_l0, rows_l1)
    rows_r = (rows_r0, rows_r1)
    srow = (srow0, srow1)
    semg = (semg0, semg1)
    sems = (sems0, sems1)

    pltpu.sync_copy(att_hbm, att_v)
    pltpu.sync_copy(src_hbm.at[wid], src_v)
    pltpu.sync_copy(dst_hbm.at[wid], dst_v)

    zero16 = jnp.zeros((16,), jnp.float32)

    def zrow(j, _):
        for t in range(CP // 16):
            zbuf[j, pl.ds(t * 16, 16)] = zero16
            srow0[j, pl.ds(t * 16, 16)] = zero16
            srow1[j, pl.ds(t * 16, 16)] = zero16
        return 0

    lax.fori_loop(0, K, zrow, 0)
    for k in range(ROWS_PER_TILE // K):
        pltpu.sync_copy(zbuf, numer_sh.at[pl.ds(sid * ROWS_PER_TILE + k * K, K), :])
    plsc.subcore_barrier()

    iota16 = lax.iota(jnp.int32, 16)
    rowid = [iota16 + 16 * g for g in range(K // 16)]

    def arot(ci, _):
        cc = jnp.full((16,), ci, jnp.int32) + iota16
        colv = jnp.where(cc >= C, cc - C, cc)
        att_rot[pl.ds(ci * 16, 16)] = plsc.load_gather(att_v, [colv])
        return 0

    lax.fori_loop(0, C, arot, 0)

    def issue_gather(j, b):
        pltpu.async_copy(xl_hbm.at[src_v.at[j]], rows_l[b], semg[b])
        pltpu.async_copy(xr_hbm.at[dst_v.at[j]], rows_r[b], semg[b])

    def wait_gather(b):
        pltpu.make_async_copy(xl_hbm.at[src_v.at[0]], rows_l[b], semg[b]).wait()
        pltpu.make_async_copy(xr_hbm.at[dst_v.at[0]], rows_r[b], semg[b]).wait()

    def do_chunk(j, b):
        wait_gather(b)

        @pl.when(j + 1 < n_chunks)
        def _():
            issue_gather(j + 1, b ^ 1)

        accs0 = tuple(jnp.zeros((16,), jnp.float32) for _ in range(K // 16))

        @plsc.parallel_loop(0, C, unroll=8, carry=accs0)
        def accs(ci, acc_in):
            cc = jnp.full((16,), ci, jnp.int32) + iota16
            colv = jnp.where(cc >= C, cc - C, cc)
            attv = att_rot[pl.ds(ci * 16, 16)]
            out = []
            for g in range(K // 16):
                a = plsc.load_gather(rows_l[b], [rowid[g], colv])
                r = plsc.load_gather(rows_r[b], [rowid[g], colv])
                t = a + r
                t = jnp.maximum(t, 0.2 * t)
                out.append(acc_in[g] + attv * t)
            return tuple(out)

        exs = [jnp.exp(a) for a in accs]

        @pl.when(j >= 2)
        def _():
            pltpu.make_async_copy(srow[b], numer_sh.at[dst_v.at[0]],
                                  sems[b]).wait()

        col40 = jnp.full((16,), C, jnp.int32)
        for g in range(K // 16):
            plsc.store_scatter(srow[b], [rowid[g], col40], exs[g])

        @plsc.parallel_loop(0, C, unroll=8)
        def _scale(ci):
            cc = jnp.full((16,), ci, jnp.int32) + iota16
            colv = jnp.where(cc >= C, cc - C, cc)
            for g in range(K // 16):
                v = plsc.load_gather(rows_l[b], [rowid[g], colv])
                plsc.store_scatter(srow[b], [rowid[g], colv], v * exs[g])

        pltpu.async_copy(srow[b], numer_sh.at[dst_v.at[j]], sems[b], add=True)

    issue_gather(0, 0)

    def outer(i, _):
        for b in range(2):
            do_chunk(2 * i + b, b)
        return 0

    lax.fori_loop(0, n_chunks // 2, outer, 0)
    for b in range(2):
        pltpu.make_async_copy(srow[b], numer_sh.at[dst_v.at[0]], sems[b]).wait()
    plsc.subcore_barrier()

    row0 = sid * ROWS_PER_TILE
    pltpu.sync_copy(numer_sh.at[pl.ds(row0, ROWS_PER_TILE), :],
                    numer_out.at[cid, pl.ds(row0, ROWS_PER_TILE), :])


def kernel(x, edge_index, W_l, b_l, W_r, b_r, att, bias_gat, W_lin, b_lin):
    e_tot = edge_index.shape[1] + N
    n_chunks = -(-e_tot // (NWORK * K))
    n_chunks += n_chunks % 2
    e_pad = NWORK * K * n_chunks

    src = edge_index[0]
    dst = edge_index[1]
    loop = jnp.arange(N, dtype=jnp.int32)
    fill = jnp.full((e_pad - e_tot,), NP - 1, jnp.int32)
    src_pad = jnp.concatenate([src, loop, fill]).reshape(NWORK, n_chunks, K)
    dst_pad = jnp.concatenate([dst, loop, fill]).reshape(NWORK, n_chunks, K)
    x_pad = jnp.pad(x, ((0, NP - N), (0, 0)))
    wl_p = jnp.pad(W_l, ((0, 0), (0, CP - C)))
    wr_p = jnp.pad(W_r, ((0, 0), (0, CP - C)))
    wlin_p = jnp.pad(W_lin, ((0, 0), (0, CP - C)))
    bl_p = jnp.pad(b_l, (0, CP - C)).reshape(1, CP)
    br_p = jnp.pad(b_r, (0, CP - C)).reshape(1, CP)
    blin_p = jnp.pad(b_lin, (0, CP - C)).reshape(1, CP)
    att_p = jnp.pad(att, (0, 128 - C))
    bias_p = jnp.pad(bias_gat, (0, CP - C)).reshape(1, CP)

    blk = ROWS_PER_TILE
    grid = NP // blk
    xl_pad, xr_pad, lm_pad = pl.pallas_call(
        _mm_body,
        grid=(grid,),
        in_specs=[
            pl.BlockSpec((blk, F), lambda i: (i, 0)),
            pl.BlockSpec((F, CP), lambda i: (0, 0)),
            pl.BlockSpec((1, CP), lambda i: (0, 0)),
            pl.BlockSpec((F, CP), lambda i: (0, 0)),
            pl.BlockSpec((1, CP), lambda i: (0, 0)),
            pl.BlockSpec((F, CP), lambda i: (0, 0)),
            pl.BlockSpec((1, CP), lambda i: (0, 0)),
        ],
        out_specs=[
            pl.BlockSpec((blk, CP), lambda i: (i, 0)),
            pl.BlockSpec((blk, CP), lambda i: (i, 0)),
            pl.BlockSpec((blk, CP), lambda i: (i, 0)),
        ],
        out_shape=[
            jax.ShapeDtypeStruct((NP, CP), jnp.float32),
            jax.ShapeDtypeStruct((NP, CP), jnp.float32),
            jax.ShapeDtypeStruct((NP, CP), jnp.float32),
        ],
    )(x_pad, wl_p, bl_p, wr_p, br_p, wlin_p, blin_p)

    mesh = plsc.VectorSubcoreMesh(core_axis_name="c", subcore_axis_name="s")
    numer_part = pl.kernel(
        functools.partial(_sc_body, n_chunks),
        out_type=jax.ShapeDtypeStruct((2, NP, CP), jnp.float32),
        mesh=mesh,
        scratch_types=[
            pltpu.VMEM((128,), jnp.float32),
            pltpu.VMEM((16 * C,), jnp.float32),
            pltpu.VMEM((n_chunks, K), jnp.int32),
            pltpu.VMEM((n_chunks, K), jnp.int32),
            pltpu.VMEM((K, CP), jnp.float32),
            pltpu.VMEM((K, CP), jnp.float32),
            pltpu.VMEM((K, CP), jnp.float32),
            pltpu.VMEM((K, CP), jnp.float32),
            pltpu.VMEM((K, CP), jnp.float32),
            pltpu.VMEM((K, CP), jnp.float32),
            pltpu.VMEM((K, CP), jnp.float32),
            pltpu.VMEM_SHARED((NP, CP), jnp.float32),
            pltpu.SemaphoreType.DMA,
            pltpu.SemaphoreType.DMA,
            pltpu.SemaphoreType.DMA,
            pltpu.SemaphoreType.DMA,
        ],
        compiler_params=pltpu.CompilerParams(needs_layout_passes=False,
                                             use_tc_tiling_on_sc=False),
    )(src_pad, dst_pad, xl_pad, xr_pad, att_p)

    out_comb = pl.pallas_call(
        _combine_body,
        grid=(grid,),
        in_specs=[
            pl.BlockSpec((blk, CP), lambda i: (i, 0)),
            pl.BlockSpec((blk, CP), lambda i: (i, 0)),
            pl.BlockSpec((blk, 1), lambda i: (i, 0)),
            pl.BlockSpec((blk, 1), lambda i: (i, 0)),
            pl.BlockSpec((1, CP), lambda i: (0, 0)),
        ],
        out_specs=pl.BlockSpec((blk, CP), lambda i: (i, 0)),
        out_shape=jax.ShapeDtypeStruct((NP, CP), jnp.float32),
    )(numer_part[0], numer_part[1],
      numer_part[0, :, C].reshape(NP, 1), numer_part[1, :, C].reshape(NP, 1),
      bias_p)

    out_gnn = out_comb[:N, :C]
    out_lm = lm_pad[:N, :C]
    return (out_gnn, out_lm, x)

# --- scband reference (transcript-rebuilt; emitter-appended) ---
"""Pipeline reference for scband-combined-gnnlinear-8830452761371 (READ-ONLY COPY).

The authoritative reference and input builder live on the scoring server;
editing this copy changes nothing except your own understanding.
"""

import jax, jax.numpy as jnp
import numpy as np

N = 10000
E = 320000
F = 128
C = 40


def setup_inputs(seed: int = 0) -> dict:
    key = jax.random.key(seed)
    ks = jax.random.split(key, 10)
    x = jax.random.normal(ks[0], (N, F), dtype=jnp.float32)
    edge_index = jax.random.randint(ks[1], (2, E), 0, N, dtype=jnp.int32)
    s = 1.0 / np.sqrt(F)
    # GATv2Conv params (heads=1, concat collapses to out_channels=C)
    W_l = jax.random.normal(ks[2], (F, C), dtype=jnp.float32) * s
    b_l = jnp.zeros((C,), dtype=jnp.float32)
    W_r = jax.random.normal(ks[3], (F, C), dtype=jnp.float32) * s
    b_r = jnp.zeros((C,), dtype=jnp.float32)
    att = jax.random.normal(ks[4], (C,), dtype=jnp.float32) * (1.0 / np.sqrt(C))
    bias_gat = jnp.zeros((C,), dtype=jnp.float32)
    # Linear head params
    W_lin = jax.random.normal(ks[5], (F, C), dtype=jnp.float32) * s
    b_lin = jnp.zeros((C,), dtype=jnp.float32)
    return {"x": x, "edge_index": edge_index, "W_l": W_l, "b_l": b_l,
            "W_r": W_r, "b_r": b_r, "att": att, "bias_gat": bias_gat,
            "W_lin": W_lin, "b_lin": b_lin}


def _gatv2(x, edge_index, W_l, b_l, W_r, b_r, att, bias_gat):
    n = x.shape[0]
    src = edge_index[0]
    dst = edge_index[1]
    # add_self_loops=True (GATv2Conv default)
    loop = jnp.arange(n, dtype=src.dtype)
    src = jnp.concatenate([src, loop])
    dst = jnp.concatenate([dst, loop])
    x_l = x @ W_l + b_l  # source transform
    x_r = x @ W_r + b_r  # target transform
    e = x_l[src] + x_r[dst]
    e = jax.nn.leaky_relu(e, negative_slope=0.2)
    logits = e @ att  # [E+N]
    # softmax over incoming edges per destination node
    m = jax.ops.segment_max(logits, dst, num_segments=n)
    m = jnp.where(jnp.isfinite(m), m, 0.0)
    ex = jnp.exp(logits - m[dst])
    denom = jax.ops.segment_sum(ex, dst, num_segments=n)
    alpha = ex / (denom[dst] + 1e-16)
    msg = x_l[src] * alpha[:, None]
    out = jax.ops.segment_sum(msg, dst, num_segments=n)
    return out + bias_gat


def reference(x, edge_index, W_l, b_l, W_r, b_r, att, bias_gat, W_lin, b_lin):
    # MLP = Identity, so x_enc == x; eval-mode random skip-mask copies x into
    # x_enc which is a no-op since they are identical. Dropout is identity in eval.
    x_enc = x
    out_lm = x_enc @ W_lin + b_lin
    out_gnn = _gatv2(x_enc, edge_index, W_l, b_l, W_r, b_r, att, bias_gat)
    return (out_gnn, out_lm, x_enc)

if __name__ == "__main__":
    import jax
    _d = setup_inputs()
    print(jax.jit(kernel)(*tuple(_d.values())))

</pallas_src>

<mosaic_0001>
#map = affine_map<(d0, d1) -> (0, 0, 0)>
#map1 = affine_map<(d0, d1) -> (0, 0)>
#map2 = affine_map<(d0, d1) -> (0)>
module attributes {stable_mosaic.version = 14 : i64} {
  func.func @_sc_body(%arg0: i32, %arg1: i32, %arg2: memref<32x82x128xi32, #tpu.memory_space<hbm>>, %arg3: memref<32x82x128xi32, #tpu.memory_space<hbm>>, %arg4: memref<10240x48xf32, #tpu.memory_space<hbm>>, %arg5: memref<10240x48xf32, #tpu.memory_space<hbm>>, %arg6: memref<128xf32, #tpu.memory_space<hbm>>, %arg7: memref<2x10240x48xf32, #tpu.memory_space<hbm>>, %arg8: memref<128xf32, #tpu.memory_space<vmem>>, %arg9: memref<640xf32, #tpu.memory_space<vmem>>, %arg10: memref<82x128xi32, #tpu.memory_space<vmem>>, %arg11: memref<82x128xi32, #tpu.memory_space<vmem>>, %arg12: memref<128x48xf32, #tpu.memory_space<vmem>>, %arg13: memref<128x48xf32, #tpu.memory_space<vmem>>, %arg14: memref<128x48xf32, #tpu.memory_space<vmem>>, %arg15: memref<128x48xf32, #tpu.memory_space<vmem>>, %arg16: memref<128x48xf32, #tpu.memory_space<vmem>>, %arg17: memref<128x48xf32, #tpu.memory_space<vmem>>, %arg18: memref<128x48xf32, #tpu.memory_space<vmem>>, %arg19: memref<10240x48xf32, #tpu.memory_space<vmem_shared>>, %arg20: memref<!tpu.dma_semaphore, #tpu.memory_space<semaphore_mem>>, %arg21: memref<!tpu.dma_semaphore, #tpu.memory_space<semaphore_mem>>, %arg22: memref<!tpu.dma_semaphore, #tpu.memory_space<semaphore_mem>>, %arg23: memref<!tpu.dma_semaphore, #tpu.memory_space<semaphore_mem>>) attributes {dimension_semantics = [#tpu.dimension_semantics<core_parallel>, #tpu.dimension_semantics<subcore_parallel>], iteration_bounds = array<i64: 2, 16>, scalar_prefetch = 0 : i64, scratch_operands = 16 : i64, tpu.core_type = #tpu.core_type<sc_vector_subcore>, window_params = [{transform_indices = #map}, {transform_indices = #map}, {transform_indices = #map1}, {transform_indices = #map1}, {transform_indices = #map2}, {transform_indices = #map}]} {
    %mul3A = arith.constant 2 : i32
    %mul3A_0 = arith.muli %arg1, %mul3A : i32
    %add3A = arith.addi %mul3A_0, %arg0 : i32
    "tpu.region"() ({
      %run_scoped3A = tpu.sem_alloc : memref<!tpu.dma_semaphore, #tpu.memory_space<semaphore_mem>>
      tpu.enqueue_dma source(%arg6 : memref<128xf32, #tpu.memory_space<hbm>>) target(%arg8 : memref<128xf32, #tpu.memory_space<vmem>>) target_semaphore(%run_scoped3A : memref<!tpu.dma_semaphore, #tpu.memory_space<semaphore_mem>>)
      tpu.wait_dma2 semaphore(%run_scoped3A : memref<!tpu.dma_semaphore, #tpu.memory_space<semaphore_mem>>) src(%arg6 : memref<128xf32, #tpu.memory_space<hbm>>) dst(%arg8 : memref<128xf32, #tpu.memory_space<vmem>>)
      tpu.yield
    }) : () -> ()
    "tpu.region"() ({
      %run_scoped3A = tpu.sem_alloc : memref<!tpu.dma_semaphore, #tpu.memory_space<semaphore_mem>>
      %dma_start3A_95 = arith.constant 0 : i32
      %dma_start3A_96 = arith.constant 0 : i32
      %dma_start3A_97 = tpu.memref_slice %arg2[%add3A, %dma_start3A_95, %dma_start3A_96] : memref<32x82x128xi32, #tpu.memory_space<hbm>> -> memref<1x82x128xi32, #tpu.memory_space<hbm>>
      %dma_start3A_98 = tpu.memref_squeeze %dma_start3A_97 : memref<1x82x128xi32, #tpu.memory_space<hbm>> -> memref<82x128xi32, #tpu.memory_space<hbm>>
      %dma_start3A_99 = arith.constant 0 : i32
      %dma_start3A_100 = arith.constant 0 : i32
      %dma_start3A_101 = tpu.memref_slice %arg2[%add3A, %dma_start3A_99, %dma_start3A_100] : memref<32x82x128xi32, #tpu.memory_space<hbm>> -> memref<1x82x128xi32, #tpu.memory_space<hbm>>
      %dma_start3A_102 = tpu.memref_squeeze %dma_start3A_101 : memref<1x82x128xi32, #tpu.memory_space<hbm>> -> memref<82x128xi32, #tpu.memory_space<hbm>>
      tpu.enqueue_dma source(%dma_start3A_102 : memref<82x128xi32, #tpu.memory_space<hbm>>) target(%arg10 : memref<82x128xi32, #tpu.memory_space<vmem>>) target_semaphore(%run_scoped3A : memref<!tpu.dma_semaphore, #tpu.memory_space<semaphore_mem>>)
      %dma_wait3A_103 = arith.constant 0 : i32
      %dma_wait3A_104 = arith.constant 0 : i32
      %dma_wait3A_105 = tpu.memref_slice %arg2[%add3A, %dma_wait3A_103, %dma_wait3A_104] : memref<32x82x128xi32, #tpu.memory_space<hbm>> -> memref<1x82x128xi32, #tpu.memory_space<hbm>>
      %dma_wait3A_106 = tpu.memref_squeeze %dma_wait3A_105 : memref<1x82x128xi32, #tpu.memory_space<hbm>> -> memref<82x128xi32, #tpu.memory_space<hbm>>
      %dma_wait3A_107 = arith.constant 0 : i32
      %dma_wait3A_108 = arith.constant 0 : i32
      %dma_wait3A_109 = tpu.memref_slice %arg2[%add3A, %dma_wait3A_107, %dma_wait3A_108] : memref<32x82x128xi32, #tpu.memory_space<hbm>> -> memref<1x82x128xi32, #tpu.memory_space<hbm>>
      %dma_wait3A_110 = tpu.memref_squeeze %dma_wait3A_109 : memref<1x82x128xi32, #tpu.memory_space<hbm>> -> memref<82x128xi32, #tpu.memory_space<hbm>>
      tpu.wait_dma2 semaphore(%run_scoped3A : memref<!tpu.dma_semaphore, #tpu.memory_space<semaphore_mem>>) src(%dma_wait3A_110 : memref<82x128xi32, #tpu.memory_space<hbm>>) dst(%arg10 : memref<82x128xi32, #tpu.memory_space<vmem>>)
      tpu.yield
    }) : () -> ()
    "tpu.region"() ({
      %run_scoped3A = tpu.sem_alloc : memref<!tpu.dma_semaphore, #tpu.memory_space<semaphore_mem>>
      %dma_start3A_95 = arith.constant 0 : i32
      %dma_start3A_96 = arith.constant 0 : i32
      %dma_start3A_97 = tpu.memref_slice %arg3[%add3A, %dma_start3A_95, %dma_start3A_96] : memref<32x82x128xi32, #tpu.memory_space<hbm>> -> memref<1x82x128xi32, #tpu.memory_space<hbm>>
      %dma_start3A_98 = tpu.memref_squeeze %dma_start3A_97 : memref<1x82x128xi32, #tpu.memory_space<hbm>> -> memref<82x128xi32, #tpu.memory_space<hbm>>
      %dma_start3A_99 = arith.constant 0 : i32
      %dma_start3A_100 = arith.constant 0 : i32
      %dma_start3A_101 = tpu.memref_slice %arg3[%add3A, %dma_start3A_99, %dma_start3A_100] : memref<32x82x128xi32, #tpu.memory_space<hbm>> -> memref<1x82x128xi32, #tpu.memory_space<hbm>>
      %dma_start3A_102 = tpu.memref_squeeze %dma_start3A_101 : memref<1x82x128xi32, #tpu.memory_space<hbm>> -> memref<82x128xi32, #tpu.memory_space<hbm>>
      tpu.enqueue_dma source(%dma_start3A_102 : memref<82x128xi32, #tpu.memory_space<hbm>>) target(%arg11 : memref<82x128xi32, #tpu.memory_space<vmem>>) target_semaphore(%run_scoped3A : memref<!tpu.dma_semaphore, #tpu.memory_space<semaphore_mem>>)
      %dma_wait3A_103 = arith.constant 0 : i32
      %dma_wait3A_104 = arith.constant 0 : i32
      %dma_wait3A_105 = tpu.memref_slice %arg3[%add3A, %dma_wait3A_103, %dma_wait3A_104] : memref<32x82x128xi32, #tpu.memory_space<hbm>> -> memref<1x82x128xi32, #tpu.memory_space<hbm>>
      %dma_wait3A_106 = tpu.memref_squeeze %dma_wait3A_105 : memref<1x82x128xi32, #tpu.memory_space<hbm>> -> memref<82x128xi32, #tpu.memory_space<hbm>>
      %dma_wait3A_107 = arith.constant 0 : i32
      %dma_wait3A_108 = arith.constant 0 : i32
      %dma_wait3A_109 = tpu.memref_slice %arg3[%add3A, %dma_wait3A_107, %dma_wait3A_108] : memref<32x82x128xi32, #tpu.memory_space<hbm>> -> memref<1x82x128xi32, #tpu.memory_space<hbm>>
      %dma_wait3A_110 = tpu.memref_squeeze %dma_wait3A_109 : memref<1x82x128xi32, #tpu.memory_space<hbm>> -> memref<82x128xi32, #tpu.memory_space<hbm>>
      tpu.wait_dma2 semaphore(%run_scoped3A : memref<!tpu.dma_semaphore, #tpu.memory_space<semaphore_mem>>) src(%dma_wait3A_110 : memref<82x128xi32, #tpu.memory_space<hbm>>) dst(%arg11 : memref<82x128xi32, #tpu.memory_space<vmem>>)
      tpu.yield
    }) : () -> ()
    %broadcast_in_dim3A = arith.constant 0.000000e+00 : f32
    %broadcast_in_dim3A_1 = vector.broadcast %broadcast_in_dim3A : f32 to vector<16xf32>
    %scan3A = arith.constant 0 : i32
    %scan3A_2 = arith.constant 0 : i32
    %scan3A_3 = arith.constant 128 : i32
    %scan3A_4 = arith.addi %scan3A_2, %scan3A_3 : i32
    %scan3A_5 = arith.constant 1 : i32
    %scan3A_6 = scf.for %scan3A_95 = %scan3A_2 to %scan3A_4 step %scan3A_5 iter_args(%scan3A_96 = %scan3A) -> (i32)  : i32 {
      %swap3A = arith.index_cast %scan3A_95 : i32 to index
      %swap3A_97 = arith.constant 0 : index
      %swap3A_98 = tpu.vector_load %arg18[%swap3A, %swap3A_97] {strides = array<i32>} : memref<128x48xf32, #tpu.memory_space<vmem>>, vector<16xf32>,
      tpu.vector_store %arg18[%swap3A, %swap3A_97], %broadcast_in_dim3A_1 {strides = array<i32>} : memref<128x48xf32, #tpu.memory_space<vmem>>, vector<16xf32>,
      %swap3A_99 = arith.index_cast %scan3A_95 : i32 to index
      %swap3A_100 = arith.constant 0 : index
      %swap3A_101 = tpu.vector_load %arg16[%swap3A_99, %swap3A_100] {strides = array<i32>} : memref<128x48xf32, #tpu.memory_space<vmem>>, vector<16xf32>,
      tpu.vector_store %arg16[%swap3A_99, %swap3A_100], %broadcast_in_dim3A_1 {strides = array<i32>} : memref<128x48xf32, #tpu.memory_space<vmem>>, vector<16xf32>,
      %swap3A_102 = arith.index_cast %scan3A_95 : i32 to index
      %swap3A_103 = arith.constant 0 : index
      %swap3A_104 = tpu.vector_load %arg17[%swap3A_102, %swap3A_103] {strides = array<i32>} : memref<128x48xf32, #tpu.memory_space<vmem>>, vector<16xf32>,
      tpu.vector_store %arg17[%swap3A_102, %swap3A_103], %broadcast_in_dim3A_1 {strides = array<i32>} : memref<128x48xf32, #tpu.memory_space<vmem>>, vector<16xf32>,
      %swap3A_105 = arith.index_cast %scan3A_95 : i32 to index
      %swap3A_106 = arith.constant 16 : index
      %swap3A_107 = tpu.vector_load %arg18[%swap3A_105, %swap3A_106] {strides = array<i32>} : memref<128x48xf32, #tpu.memory_space<vmem>>, vector<16xf32>,
      tpu.vector_store %arg18[%swap3A_105, %swap3A_106], %broadcast_in_dim3A_1 {strides = array<i32>} : memref<128x48xf32, #tpu.memory_space<vmem>>, vector<16xf32>,
      %swap3A_108 = arith.index_cast %scan3A_95 : i32 to index
      %swap3A_109 = arith.constant 16 : index
      %swap3A_110 = tpu.vector_load %arg16[%swap3A_108, %swap3A_109] {strides = array<i32>} : memref<128x48xf32, #tpu.memory_space<vmem>>, vector<16xf32>,
      tpu.vector_store %arg16[%swap3A_108, %swap3A_109], %broadcast_in_dim3A_1 {strides = array<i32>} : memref<128x48xf32, #tpu.memory_space<vmem>>, vector<16xf32>,
      %swap3A_111 = arith.index_cast %scan3A_95 : i32 to index
      %swap3A_112 = arith.constant 16 : index
      %swap3A_113 = tpu.vector_load %arg17[%swap3A_111, %swap3A_112] {strides = array<i32>} : memref<128x48xf32, #tpu.memory_space<vmem>>, vector<16xf32>,
      tpu.vector_store %arg17[%swap3A_111, %swap3A_112], %broadcast_in_dim3A_1 {strides = array<i32>} : memref<128x48xf32, #tpu.memory_space<vmem>>, vector<16xf32>,
      %swap3A_114 = arith.index_cast %scan3A_95 : i32 to index
      %swap3A_115 = arith.constant 32 : index
      %swap3A_116 = tpu.vector_load %arg18[%swap3A_114, %swap3A_115] {strides = array<i32>} : memref<128x48xf32, #tpu.memory_space<vmem>>, vector<16xf32>,
      tpu.vector_store %arg18[%swap3A_114, %swap3A_115], %broadcast_in_dim3A_1 {strides = array<i32>} : memref<128x48xf32, #tpu.memory_space<vmem>>, vector<16xf32>,
      %swap3A_117 = arith.index_cast %scan3A_95 : i32 to index
      %swap3A_118 = arith.constant 32 : index
      %swap3A_119 = tpu.vector_load %arg16[%swap3A_117, %swap3A_118] {strides = array<i32>} : memref<128x48xf32, #tpu.memory_space<vmem>>, vector<16xf32>,
      tpu.vector_store %arg16[%swap3A_117, %swap3A_118], %broadcast_in_dim3A_1 {strides = array<i32>} : memref<128x48xf32, #tpu.memory_space<vmem>>, vector<16xf32>,
      %swap3A_120 = arith.index_cast %scan3A_95 : i32 to index
      %swap3A_121 = arith.constant 32 : index
      %swap3A_122 = tpu.vector_load %arg17[%swap3A_120, %swap3A_121] {strides = array<i32>} : memref<128x48xf32, #tpu.memory_space<vmem>>, vector<16xf32>,
      tpu.vector_store %arg17[%swap3A_120, %swap3A_121], %broadcast_in_dim3A_1 {strides = array<i32>} : memref<128x48xf32, #tpu.memory_space<vmem>>, vector<16xf32>,
      %scan3A_123 = arith.constant 0 : i32
      scf.yield %scan3A_123 : i32
    }
    %scan3A_7 = arith.constant 128 : i32
    %mul3A_8 = arith.constant 640 : i32
    %mul3A_9 = arith.muli %arg1, %mul3A_8 : i32
    %add3A_10 = arith.constant 0 : i32
    %add3A_11 = arith.addi %mul3A_9, %add3A_10 : i32
    "tpu.region"() ({
      %run_scoped3A = tpu.sem_alloc : memref<!tpu.dma_semaphore, #tpu.memory_space<semaphore_mem>>
      %dma_start3A_95 = arith.constant 0 : i32
      %dma_start3A_96 = tpu.memref_slice %arg19[%add3A_11, %dma_start3A_95] : memref<10240x48xf32, #tpu.memory_space<vmem_shared>> -> memref<128x48xf32, #tpu.memory_space<vmem_shared>>
      %dma_start3A_97 = arith.constant 0 : i32
      %dma_start3A_98 = tpu.memref_slice %arg19[%add3A_11, %dma_start3A_97] : memref<10240x48xf32, #tpu.memory_space<vmem_shared>> -> memref<128x48xf32, #tpu.memory_space<vmem_shared>>
      tpu.enqueue_dma source(%arg18 : memref<128x48xf32, #tpu.memory_space<vmem>>) target(%dma_start3A_98 : memref<128x48xf32, #tpu.memory_space<vmem_shared>>) target_semaphore(%run_scoped3A : memref<!tpu.dma_semaphore, #tpu.memory_space<semaphore_mem>>)
      %dma_wait3A_99 = arith.constant 0 : i32
      %dma_wait3A_100 = tpu.memref_slice %arg19[%add3A_11, %dma_wait3A_99] : memref<10240x48xf32, #tpu.memory_space<vmem_shared>> -> memref<128x48xf32, #tpu.memory_space<vmem_shared>>
      %dma_wait3A_101 = arith.constant 0 : i32
      %dma_wait3A_102 = tpu.memref_slice %arg19[%add3A_11, %dma_wait3A_101] : memref<10240x48xf32, #tpu.memory_space<vmem_shared>> -> memref<128x48xf32, #tpu.memory_space<vmem_shared>>
      tpu.wait_dma2 semaphore(%run_scoped3A : memref<!tpu.dma_semaphore, #tpu.memory_space<semaphore_mem>>) src(%arg18 : memref<128x48xf32, #tpu.memory_space<vmem>>) dst(%dma_wait3A_102 : memref<128x48xf32, #tpu.memory_space<vmem_shared>>)
      tpu.yield
    }) : () -> ()
    %mul3A_12 = arith.constant 640 : i32
    %mul3A_13 = arith.muli %arg1, %mul3A_12 : i32
    %add3A_14 = arith.constant 128 : i32
    %add3A_15 = arith.addi %mul3A_13, %add3A_14 : i32
    "tpu.region"() ({
      %run_scoped3A = tpu.sem_alloc : memref<!tpu.dma_semaphore, #tpu.memory_space<semaphore_mem>>
      %dma_start3A_95 = arith.constant 0 : i32
      %dma_start3A_96 = tpu.memref_slice %arg19[%add3A_15, %dma_start3A_95] : memref<10240x48xf32, #tpu.memory_space<vmem_shared>> -> memref<128x48xf32, #tpu.memory_space<vmem_shared>>
      %dma_start3A_97 = arith.constant 0 : i32
      %dma_start3A_98 = tpu.memref_slice %arg19[%add3A_15, %dma_start3A_97] : memref<10240x48xf32, #tpu.memory_space<vmem_shared>> -> memref<128x48xf32, #tpu.memory_space<vmem_shared>>
      tpu.enqueue_dma source(%arg18 : memref<128x48xf32, #tpu.memory_space<vmem>>) target(%dma_start3A_98 : memref<128x48xf32, #tpu.memory_space<vmem_shared>>) target_semaphore(%run_scoped3A : memref<!tpu.dma_semaphore, #tpu.memory_space<semaphore_mem>>)
      %dma_wait3A_99 = arith.constant 0 : i32
      %dma_wait3A_100 = tpu.memref_slice %arg19[%add3A_15, %dma_wait3A_99] : memref<10240x48xf32, #tpu.memory_space<vmem_shared>> -> memref<128x48xf32, #tpu.memory_space<vmem_shared>>
      %dma_wait3A_101 = arith.constant 0 : i32
      %dma_wait3A_102 = tpu.memref_slice %arg19[%add3A_15, %dma_wait3A_101] : memref<10240x48xf32, #tpu.memory_space<vmem_shared>> -> memref<128x48xf32, #tpu.memory_space<vmem_shared>>
      tpu.wait_dma2 semaphore(%run_scoped3A : memref<!tpu.dma_semaphore, #tpu.memory_space<semaphore_mem>>) src(%arg18 : memref<128x48xf32, #tpu.memory_space<vmem>>) dst(%dma_wait3A_102 : memref<128x48xf32, #tpu.memory_space<vmem_shared>>)
      tpu.yield
    }) : () -> ()
    %mul3A_16 = arith.constant 640 : i32
    %mul3A_17 = arith.muli %arg1, %mul3A_16 : i32
    %add3A_18 = arith.constant 256 : i32
    %add3A_19 = arith.addi %mul3A_17, %add3A_18 : i32
    "tpu.region"() ({
      %run_scoped3A = tpu.sem_alloc : memref<!tpu.dma_semaphore, #tpu.memory_space<semaphore_mem>>
      %dma_start3A_95 = arith.constant 0 : i32
      %dma_start3A_96 = tpu.memref_slice %arg19[%add3A_19, %dma_start3A_95] : memref<10240x48xf32, #tpu.memory_space<vmem_shared>> -> memref<128x48xf32, #tpu.memory_space<vmem_shared>>
      %dma_start3A_97 = arith.constant 0 : i32
      %dma_start3A_98 = tpu.memref_slice %arg19[%add3A_19, %dma_start3A_97] : memref<10240x48xf32, #tpu.memory_space<vmem_shared>> -> memref<128x48xf32, #tpu.memory_space<vmem_shared>>
      tpu.enqueue_dma source(%arg18 : memref<128x48xf32, #tpu.memory_space<vmem>>) target(%dma_start3A_98 : memref<128x48xf32, #tpu.memory_space<vmem_shared>>) target_semaphore(%run_scoped3A : memref<!tpu.dma_semaphore, #tpu.memory_space<semaphore_mem>>)
      %dma_wait3A_99 = arith.constant 0 : i32
      %dma_wait3A_100 = tpu.memref_slice %arg19[%add3A_19, %dma_wait3A_99] : memref<10240x48xf32, #tpu.memory_space<vmem_shared>> -> memref<128x48xf32, #tpu.memory_space<vmem_shared>>
      %dma_wait3A_101 = arith.constant 0 : i32
      %dma_wait3A_102 = tpu.memref_slice %arg19[%add3A_19, %dma_wait3A_101] : memref<10240x48xf32, #tpu.memory_space<vmem_shared>> -> memref<128x48xf32, #tpu.memory_space<vmem_shared>>
      tpu.wait_dma2 semaphore(%run_scoped3A : memref<!tpu.dma_semaphore, #tpu.memory_space<semaphore_mem>>) src(%arg18 : memref<128x48xf32, #tpu.memory_space<vmem>>) dst(%dma_wait3A_102 : memref<128x48xf32, #tpu.memory_space<vmem_shared>>)
      tpu.yield
    }) : () -> ()
    %mul3A_20 = arith.constant 640 : i32
    %mul3A_21 = arith.muli %arg1, %mul3A_20 : i32
    %add3A_22 = arith.constant 384 : i32
    %add3A_23 = arith.addi %mul3A_21, %add3A_22 : i32
    "tpu.region"() ({
      %run_scoped3A = tpu.sem_alloc : memref<!tpu.dma_semaphore, #tpu.memory_space<semaphore_mem>>
      %dma_start3A_95 = arith.constant 0 : i32
      %dma_start3A_96 = tpu.memref_slice %arg19[%add3A_23, %dma_start3A_95] : memref<10240x48xf32, #tpu.memory_space<vmem_shared>> -> memref<128x48xf32, #tpu.memory_space<vmem_shared>>
      %dma_start3A_97 = arith.constant 0 : i32
      %dma_start3A_98 = tpu.memref_slice %arg19[%add3A_23, %dma_start3A_97] : memref<10240x48xf32, #tpu.memory_space<vmem_shared>> -> memref<128x48xf32, #tpu.memory_space<vmem_shared>>
      tpu.enqueue_dma source(%arg18 : memref<128x48xf32, #tpu.memory_space<vmem>>) target(%dma_start3A_98 : memref<128x48xf32, #tpu.memory_space<vmem_shared>>) target_semaphore(%run_scoped3A : memref<!tpu.dma_semaphore, #tpu.memory_space<semaphore_mem>>)
      %dma_wait3A_99 = arith.constant 0 : i32
      %dma_wait3A_100 = tpu.memref_slice %arg19[%add3A_23, %dma_wait3A_99] : memref<10240x48xf32, #tpu.memory_space<vmem_shared>> -> memref<128x48xf32, #tpu.memory_space<vmem_shared>>
      %dma_wait3A_101 = arith.constant 0 : i32
      %dma_wait3A_102 = tpu.memref_slice %arg19[%add3A_23, %dma_wait3A_101] : memref<10240x48xf32, #tpu.memory_space<vmem_shared>> -> memref<128x48xf32, #tpu.memory_space<vmem_shared>>
      tpu.wait_dma2 semaphore(%run_scoped3A : memref<!tpu.dma_semaphore, #tpu.memory_space<semaphore_mem>>) src(%arg18 : memref<128x48xf32, #tpu.memory_space<vmem>>) dst(%dma_wait3A_102 : memref<128x48xf32, #tpu.memory_space<vmem_shared>>)
      tpu.yield
    }) : () -> ()
    %mul3A_24 = arith.constant 640 : i32
    %mul3A_25 = arith.muli %arg1, %mul3A_24 : i32
    %add3A_26 = arith.constant 512 : i32
    %add3A_27 = arith.addi %mul3A_25, %add3A_26 : i32
    "tpu.region"() ({
      %run_scoped3A = tpu.sem_alloc : memref<!tpu.dma_semaphore, #tpu.memory_space<semaphore_mem>>
      %dma_start3A_95 = arith.constant 0 : i32
      %dma_start3A_96 = tpu.memref_slice %arg19[%add3A_27, %dma_start3A_95] : memref<10240x48xf32, #tpu.memory_space<vmem_shared>> -> memref<128x48xf32, #tpu.memory_space<vmem_shared>>
      %dma_start3A_97 = arith.constant 0 : i32
      %dma_start3A_98 = tpu.memref_slice %arg19[%add3A_27, %dma_start3A_97] : memref<10240x48xf32, #tpu.memory_space<vmem_shared>> -> memref<128x48xf32, #tpu.memory_space<vmem_shared>>
      tpu.enqueue_dma source(%arg18 : memref<128x48xf32, #tpu.memory_space<vmem>>) target(%dma_start3A_98 : memref<128x48xf32, #tpu.memory_space<vmem_shared>>) target_semaphore(%run_scoped3A : memref<!tpu.dma_semaphore, #tpu.memory_space<semaphore_mem>>)
      %dma_wait3A_99 = arith.constant 0 : i32
      %dma_wait3A_100 = tpu.memref_slice %arg19[%add3A_27, %dma_wait3A_99] : memref<10240x48xf32, #tpu.memory_space<vmem_shared>> -> memref<128x48xf32, #tpu.memory_space<vmem_shared>>
      %dma_wait3A_101 = arith.constant 0 : i32
      %dma_wait3A_102 = tpu.memref_slice %arg19[%add3A_27, %dma_wait3A_101] : memref<10240x48xf32, #tpu.memory_space<vmem_shared>> -> memref<128x48xf32, #tpu.memory_space<vmem_shared>>
      tpu.wait_dma2 semaphore(%run_scoped3A : memref<!tpu.dma_semaphore, #tpu.memory_space<semaphore_mem>>) src(%arg18 : memref<128x48xf32, #tpu.memory_space<vmem>>) dst(%dma_wait3A_102 : memref<128x48xf32, #tpu.memory_space<vmem_shared>>)
      tpu.yield
    }) : () -> ()
    %barrier3A = arith.constant 0 : index
    tpu.barrier barrier_id(%barrier3A)
    %iota3A = tpu.iota {dimensions = array<i32: 0>} : vector<16xi32>
    %add3A_28 = arith.constant 0 : i32
    %add3A_29 = vector.broadcast %add3A_28 : i32 to vector<16xi32>
    %add3A_30 = arith.addi %iota3A, %add3A_29 : vector<16xi32>
    %add3A_31 = arith.constant 16 : i32
    %add3A_32 = vector.broadcast %add3A_31 : i32 to vector<16xi32>
    %add3A_33 = arith.addi %iota3A, %add3A_32 : vector<16xi32>
    %add3A_34 = arith.constant 32 : i32
    %add3A_35 = vector.broadcast %add3A_34 : i32 to vector<16xi32>
    %add3A_36 = arith.addi %iota3A, %add3A_35 : vector<16xi32>
    %add3A_37 = arith.constant 48 : i32
    %add3A_38 = vector.broadcast %add3A_37 : i32 to vector<16xi32>
    %add3A_39 = arith.addi %iota3A, %add3A_38 : vector<16xi32>
    %add3A_40 = arith.constant 64 : i32
    %add3A_41 = vector.broadcast %add3A_40 : i32 to vector<16xi32>
    %add3A_42 = arith.addi %iota3A, %add3A_41 : vector<16xi32>
    %add3A_43 = arith.constant 80 : i32
    %add3A_44 = vector.broadcast %add3A_43 : i32 to vector<16xi32>
    %add3A_45 = arith.addi %iota3A, %add3A_44 : vector<16xi32>
    %add3A_46 = arith.constant 96 : i32
    %add3A_47 = vector.broadcast %add3A_46 : i32 to vector<16xi32>
    %add3A_48 = arith.addi %iota3A, %add3A_47 : vector<16xi32>
    %add3A_49 = arith.constant 112 : i32
    %add3A_50 = vector.broadcast %add3A_49 : i32 to vector<16xi32>
    %add3A_51 = arith.addi %iota3A, %add3A_50 : vector<16xi32>
    %scan3A_52 = arith.constant 0 : i32
    %scan3A_53 = arith.constant 0 : i32
    %scan3A_54 = arith.constant 40 : i32
    %scan3A_55 = arith.addi %scan3A_53, %scan3A_54 : i32
    %scan3A_56 = arith.constant 1 : i32
    %scan3A_57 = scf.for %scan3A_95 = %scan3A_53 to %scan3A_55 step %scan3A_56 iter_args(%scan3A_96 = %scan3A_52) -> (i32)  : i32 {
      %broadcast_in_dim3A_97 = vector.broadcast %scan3A_95 : i32 to vector<16xi32>
      %add3A_98 = arith.addi %broadcast_in_dim3A_97, %iota3A : vector<16xi32>
      %ge3A = arith.constant 40 : i32
      %ge3A_99 = vector.broadcast %ge3A : i32 to vector<16xi32>
      %ge3A_100 = arith.cmpi sge, %add3A_98, %ge3A_99 : vector<16xi32>
      %sub3A = arith.constant 40 : i32
      %sub3A_101 = vector.broadcast %sub3A : i32 to vector<16xi32>
      %sub3A_102 = arith.subi %add3A_98, %sub3A_101 : vector<16xi32>
      %select_n3A = arith.select %ge3A_100, %sub3A_102, %add3A_98 : vector<16xi1>, vector<16xi32>
      %gather3A = tpu.vector_load_idx %arg8[%select_n3A] : memref<128xf32, #tpu.memory_space<vmem>>[vector<16xi32>], vector<16xf32>,
      %mul3A_103 = arith.constant 16 : i32
      %mul3A_104 = arith.muli %scan3A_95, %mul3A_103 : i32
      %swap3A = arith.index_cast %mul3A_104 : i32 to index
      %swap3A_105 = tpu.vector_load %arg9[%swap3A] {strides = array<i32>} : memref<640xf32, #tpu.memory_space<vmem>>, vector<16xf32>,
      tpu.vector_store %arg9[%swap3A], %gather3A {strides = array<i32>} : memref<640xf32, #tpu.memory_space<vmem>>, vector<16xf32>,
      %scan3A_106 = arith.constant 0 : i32
      scf.yield %scan3A_106 : i32
    }
    %scan3A_58 = arith.constant 40 : i32
    %dma_start3A = arith.constant 0 : i32
    %dma_start3A_59 = arith.constant 0 : i32
    %dma_start3A_60 = tpu.memref_slice %arg10[%dma_start3A, %dma_start3A_59] : memref<82x128xi32, #tpu.memory_space<vmem>> -> memref<1x128xi32, #tpu.memory_space<vmem>>
    %dma_start3A_61 = tpu.memref_squeeze %dma_start3A_60 : memref<1x128xi32, #tpu.memory_space<vmem>> -> memref<128xi32, #tpu.memory_space<vmem>>
    %dma_start3A_62 = arith.constant 0 : i32
    %dma_start3A_63 = arith.constant 0 : i32
    %dma_start3A_64 = tpu.memref_slice %arg4[%dma_start3A_62, %dma_start3A_63] : memref<10240x48xf32, #tpu.memory_space<hbm>> -> memref<10240x48xf32, #tpu.memory_space<hbm>>
    tpu.enqueue_indirect_dma source(%dma_start3A_64 : memref<10240x48xf32, #tpu.memory_space<hbm>>) target(%arg12 : memref<128x48xf32, #tpu.memory_space<vmem>>) offsets(%dma_start3A_61 : memref<128xi32, #tpu.memory_space<vmem>>) semaphore(%arg20 : memref<!tpu.dma_semaphore, #tpu.memory_space<semaphore_mem>>)
    %dma_start3A_65 = arith.constant 0 : i32
    %dma_start3A_66 = arith.constant 0 : i32
    %dma_start3A_67 = tpu.memref_slice %arg11[%dma_start3A_65, %dma_start3A_66] : memref<82x128xi32, #tpu.memory_space<vmem>> -> memref<1x128xi32, #tpu.memory_space<vmem>>
    %dma_start3A_68 = tpu.memref_squeeze %dma_start3A_67 : memref<1x128xi32, #tpu.memory_space<vmem>> -> memref<128xi32, #tpu.memory_space<vmem>>
    %dma_start3A_69 = arith.constant 0 : i32
    %dma_start3A_70 = arith.constant 0 : i32
    %dma_start3A_71 = tpu.memref_slice %arg5[%dma_start3A_69, %dma_start3A_70] : memref<10240x48xf32, #tpu.memory_space<hbm>> -> memref<10240x48xf32, #tpu.memory_space<hbm>>
    tpu.enqueue_indirect_dma source(%dma_start3A_71 : memref<10240x48xf32, #tpu.memory_space<hbm>>) target(%arg14 : memref<128x48xf32, #tpu.memory_space<vmem>>) offsets(%dma_start3A_68 : memref<128xi32, #tpu.memory_space<vmem>>) semaphore(%arg20 : memref<!tpu.dma_semaphore, #tpu.memory_space<semaphore_mem>>)
    %scan3A_72 = arith.constant 0 : i32
    %scan3A_73 = arith.constant 0 : i32
    %scan3A_74 = arith.constant 41 : i32
    %scan3A_75 = arith.addi %scan3A_73, %scan3A_74 : i32
    %scan3A_76 = arith.constant 1 : i32
    %scan3A_77 = scf.for %scan3A_95 = %scan3A_73 to %scan3A_75 step %scan3A_76 iter_args(%scan3A_96 = %scan3A_72) -> (i32)  : i32 {
      %mul3A_97 = arith.constant 2 : i32
      %mul3A_98 = arith.muli %mul3A_97, %scan3A_95 : i32
      %add3A_99 = arith.constant 0 : i32
      %add3A_100 = arith.addi %mul3A_98, %add3A_99 : i32
      %dma_wait3A_101 = arith.constant 0 : i32
      %dma_wait3A_102 = arith.constant 0 : i32
      %dma_wait3A_103 = tpu.memref_slice %arg10[%dma_wait3A_101, %dma_wait3A_102] : memref<82x128xi32, #tpu.memory_space<vmem>> -> memref<1x128xi32, #tpu.memory_space<vmem>>
      %dma_wait3A_104 = tpu.memref_squeeze %dma_wait3A_103 : memref<1x128xi32, #tpu.memory_space<vmem>> -> memref<128xi32, #tpu.memory_space<vmem>>
      %dma_wait3A_105 = arith.constant 0 : i32
      %dma_wait3A_106 = arith.constant 0 : i32
      %dma_wait3A_107 = tpu.memref_slice %arg4[%dma_wait3A_105, %dma_wait3A_106] : memref<10240x48xf32, #tpu.memory_space<hbm>> -> memref<10240x48xf32, #tpu.memory_space<hbm>>
      tpu.wait_indirect_dma semaphore(%arg20 : memref<!tpu.dma_semaphore, #tpu.memory_space<semaphore_mem>>) src(%dma_wait3A_107 : memref<10240x48xf32, #tpu.memory_space<hbm>>) dst(%arg12 : memref<128x48xf32, #tpu.memory_space<vmem>>)
      %dma_wait3A_108 = arith.constant 0 : i32
      %dma_wait3A_109 = arith.constant 0 : i32
      %dma_wait3A_110 = tpu.memref_slice %arg11[%dma_wait3A_108, %dma_wait3A_109] : memref<82x128xi32, #tpu.memory_space<vmem>> -> memref<1x128xi32, #tpu.memory_space<vmem>>
      %dma_wait3A_111 = tpu.memref_squeeze %dma_wait3A_110 : memref<1x128xi32, #tpu.memory_space<vmem>> -> memref<128xi32, #tpu.memory_space<vmem>>
      %dma_wait3A_112 = arith.constant 0 : i32
      %dma_wait3A_113 = arith.constant 0 : i32
      %dma_wait3A_114 = tpu.memref_slice %arg5[%dma_wait3A_112, %dma_wait3A_113] : memref<10240x48xf32, #tpu.memory_space<hbm>> -> memref<10240x48xf32, #tpu.memory_space<hbm>>
      tpu.wait_indirect_dma semaphore(%arg20 : memref<!tpu.dma_semaphore, #tpu.memory_space<semaphore_mem>>) src(%dma_wait3A_114 : memref<10240x48xf32, #tpu.memory_space<hbm>>) dst(%arg14 : memref<128x48xf32, #tpu.memory_space<vmem>>)
      %add3A_115 = arith.constant 1 : i32
      %add3A_116 = arith.addi %add3A_100, %add3A_115 : i32
      %lt3A = arith.constant 82 : i32
      %lt3A_117 = arith.cmpi slt, %add3A_116, %lt3A : i32
      %convert_element_type3A = arith.extui %lt3A_117 : i1 to i32
      %cond3A = arith.constant 0 : i32
      %cond3A_118 = arith.cmpi ne, %convert_element_type3A, %cond3A : i32
      scf.if %cond3A_118 {
        %add3A_230 = arith.constant 1 : i32
        %add3A_231 = arith.addi %add3A_100, %add3A_230 : i32
        %dma_start3A_232 = arith.constant 0 : i32
        %dma_start3A_233 = tpu.memref_slice %arg10[%add3A_231, %dma_start3A_232] : memref<82x128xi32, #tpu.memory_space<vmem>> -> memref<1x128xi32, #tpu.memory_space<vmem>>
        %dma_start3A_234 = tpu.memref_squeeze %dma_start3A_233 : memref<1x128xi32, #tpu.memory_space<vmem>> -> memref<128xi32, #tpu.memory_space<vmem>>
        %dma_start3A_235 = arith.constant 0 : i32
        %dma_start3A_236 = arith.constant 0 : i32
        %dma_start3A_237 = tpu.memref_slice %arg4[%dma_start3A_235, %dma_start3A_236] : memref<10240x48xf32, #tpu.memory_space<hbm>> -> memref<10240x48xf32, #tpu.memory_space<hbm>>
        tpu.enqueue_indirect_dma source(%dma_start3A_237 : memref<10240x48xf32, #tpu.memory_space<hbm>>) target(%arg13 : memref<128x48xf32, #tpu.memory_space<vmem>>) offsets(%dma_start3A_234 : memref<128xi32, #tpu.memory_space<vmem>>) semaphore(%arg21 : memref<!tpu.dma_semaphore, #tpu.memory_space<semaphore_mem>>)
        %dma_start3A_238 = arith.constant 0 : i32
        %dma_start3A_239 = tpu.memref_slice %arg11[%add3A_231, %dma_start3A_238] : memref<82x128xi32, #tpu.memory_space<vmem>> -> memref<1x128xi32, #tpu.memory_space<vmem>>
        %dma_start3A_240 = tpu.memref_squeeze %dma_start3A_239 : memref<1x128xi32, #tpu.memory_space<vmem>> -> memref<128xi32, #tpu.memory_space<vmem>>
        %dma_start3A_241 = arith.constant 0 : i32
        %dma_start3A_242 = arith.constant 0 : i32
        %dma_start3A_243 = tpu.memref_slice %arg5[%dma_start3A_241, %dma_start3A_242] : memref<10240x48xf32, #tpu.memory_space<hbm>> -> memref<10240x48xf32, #tpu.memory_space<hbm>>
        tpu.enqueue_indirect_dma source(%dma_start3A_243 : memref<10240x48xf32, #tpu.memory_space<hbm>>) target(%arg15 : memref<128x48xf32, #tpu.memory_space<vmem>>) offsets(%dma_start3A_240 : memref<128xi32, #tpu.memory_space<vmem>>) semaphore(%arg21 : memref<!tpu.dma_semaphore, #tpu.memory_space<semaphore_mem>>)
      } else {
      }
      %broadcast_in_dim3A_119 = arith.constant 0.000000e+00 : f32
      %broadcast_in_dim3A_120 = vector.broadcast %broadcast_in_dim3A_119 : f32 to vector<16xf32>
      %broadcast_in_dim3A_121 = arith.constant 0.000000e+00 : f32
      %broadcast_in_dim3A_122 = vector.broadcast %broadcast_in_dim3A_121 : f32 to vector<16xf32>
      %broadcast_in_dim3A_123 = arith.constant 0.000000e+00 : f32
      %broadcast_in_dim3A_124 = vector.broadcast %broadcast_in_dim3A_123 : f32 to vector<16xf32>
      %broadcast_in_dim3A_125 = arith.constant 0.000000e+00 : f32
      %broadcast_in_dim3A_126 = vector.broadcast %broadcast_in_dim3A_125 : f32 to vector<16xf32>
      %broadcast_in_dim3A_127 = arith.constant 0.000000e+00 : f32
      %broadcast_in_dim3A_128 = vector.broadcast %broadcast_in_dim3A_127 : f32 to vector<16xf32>
      %broadcast_in_dim3A_129 = arith.constant 0.000000e+00 : f32
      %broadcast_in_dim3A_130 = vector.broadcast %broadcast_in_dim3A_129 : f32 to vector<16xf32>
      %broadcast_in_dim3A_131 = arith.constant 0.000000e+00 : f32
      %broadcast_in_dim3A_132 = vector.broadcast %broadcast_in_dim3A_131 : f32 to vector<16xf32>
      %broadcast_in_dim3A_133 = arith.constant 0.000000e+00 : f32
      %broadcast_in_dim3A_134 = vector.broadcast %broadcast_in_dim3A_133 : f32 to vector<16xf32>
      %parallel_loop3A = arith.constant 0 : i32
      %parallel_loop3A_135 = arith.constant 40 : i32
      %parallel_loop3A_136 = arith.constant 1 : i32
      %parallel_loop3A_137:8 = scf.for %parallel_loop3A_230 = %parallel_loop3A to %parallel_loop3A_135 step %parallel_loop3A_136 iter_args(%parallel_loop3A_231 = %broadcast_in_dim3A_120, %parallel_loop3A_232 = %broadcast_in_dim3A_122, %parallel_loop3A_233 = %broadcast_in_dim3A_124, %parallel_loop3A_234 = %broadcast_in_dim3A_126, %parallel_loop3A_235 = %broadcast_in_dim3A_128, %parallel_loop3A_236 = %broadcast_in_dim3A_130, %parallel_loop3A_237 = %broadcast_in_dim3A_132, %parallel_loop3A_238 = %broadcast_in_dim3A_134) -> (vector<16xf32>, vector<16xf32>, vector<16xf32>, vector<16xf32>, vector<16xf32>, vector<16xf32>, vector<16xf32>, vector<16xf32>)  : i32 {
        %parallel_loop3A_239 = vector.broadcast %parallel_loop3A_230 : i32 to vector<16xi32>
        %parallel_loop3A_240 = arith.addi %parallel_loop3A_239, %iota3A : vector<16xi32>
        %parallel_loop3A_241 = arith.constant 40 : i32
        %parallel_loop3A_242 = vector.broadcast %parallel_loop3A_241 : i32 to vector<16xi32>
        %parallel_loop3A_243 = arith.cmpi sge, %parallel_loop3A_240, %parallel_loop3A_242 : vector<16xi32>
        %parallel_loop3A_244 = arith.constant 40 : i32
        %parallel_loop3A_245 = vector.broadcast %parallel_loop3A_244 : i32 to vector<16xi32>
        %parallel_loop3A_246 = arith.subi %parallel_loop3A_240, %parallel_loop3A_245 : vector<16xi32>
        %parallel_loop3A_247 = arith.select %parallel_loop3A_243, %parallel_loop3A_246, %parallel_loop3A_240 : vector<16xi1>, vector<16xi32>
        %parallel_loop3A_248 = arith.constant 16 : i32
        %parallel_loop3A_249 = arith.muli %parallel_loop3A_230, %parallel_loop3A_248 : i32
        %parallel_loop3A_250 = arith.index_cast %parallel_loop3A_249 : i32 to index
        %parallel_loop3A_251 = tpu.vector_load %arg9[%parallel_loop3A_250] {strides = array<i32>} : memref<640xf32, #tpu.memory_space<vmem>>, vector<16xf32>,
        %parallel_loop3A_252 = tpu.vector_load_idx %arg12[%add3A_30, %parallel_loop3A_247] : memref<128x48xf32, #tpu.memory_space<vmem>>[vector<16xi32>, vector<16xi32>], vector<16xf32>,
        %parallel_loop3A_253 = tpu.vector_load_idx %arg14[%add3A_30, %parallel_loop3A_247] : memref<128x48xf32, #tpu.memory_space<vmem>>[vector<16xi32>, vector<16xi32>], vector<16xf32>,
        %parallel_loop3A_254 = arith.addf %parallel_loop3A_252, %parallel_loop3A_253 : vector<16xf32>
        %parallel_loop3A_255 = arith.constant 2.000000e-01 : f32
        %parallel_loop3A_256 = vector.broadcast %parallel_loop3A_255 : f32 to vector<16xf32>
        %parallel_loop3A_257 = arith.mulf %parallel_loop3A_256, %parallel_loop3A_254 : vector<16xf32>
        %parallel_loop3A_258 = arith.maximumf %parallel_loop3A_254, %parallel_loop3A_257 : vector<16xf32>
        %parallel_loop3A_259 = arith.mulf %parallel_loop3A_251, %parallel_loop3A_258 : vector<16xf32>
        %parallel_loop3A_260 = arith.addf %parallel_loop3A_231, %parallel_loop3A_259 : vector<16xf32>
        %parallel_loop3A_261 = tpu.vector_load_idx %arg12[%add3A_33, %parallel_loop3A_247] : memref<128x48xf32, #tpu.memory_space<vmem>>[vector<16xi32>, vector<16xi32>], vector<16xf32>,
        %parallel_loop3A_262 = tpu.vector_load_idx %arg14[%add3A_33, %parallel_loop3A_247] : memref<128x48xf32, #tpu.memory_space<vmem>>[vector<16xi32>, vector<16xi32>], vector<16xf32>,
        %parallel_loop3A_263 = arith.addf %parallel_loop3A_261, %parallel_loop3A_262 : vector<16xf32>
        %parallel_loop3A_264 = arith.constant 2.000000e-01 : f32
        %parallel_loop3A_265 = vector.broadcast %parallel_loop3A_264 : f32 to vector<16xf32>
        %parallel_loop3A_266 = arith.mulf %parallel_loop3A_265, %parallel_loop3A_263 : vector<16xf32>
        %parallel_loop3A_267 = arith.maximumf %parallel_loop3A_263, %parallel_loop3A_266 : vector<16xf32>
        %parallel_loop3A_268 = arith.mulf %parallel_loop3A_251, %parallel_loop3A_267 : vector<16xf32>
        %parallel_loop3A_269 = arith.addf %parallel_loop3A_232, %parallel_loop3A_268 : vector<16xf32>
        %parallel_loop3A_270 = tpu.vector_load_idx %arg12[%add3A_36, %parallel_loop3A_247] : memref<128x48xf32, #tpu.memory_space<vmem>>[vector<16xi32>, vector<16xi32>], vector<16xf32>,
        %parallel_loop3A_271 = tpu.vector_load_idx %arg14[%add3A_36, %parallel_loop3A_247] : memref<128x48xf32, #tpu.memory_space<vmem>>[vector<16xi32>, vector<16xi32>], vector<16xf32>,
        %parallel_loop3A_272 = arith.addf %parallel_loop3A_270, %parallel_loop3A_271 : vector<16xf32>
        %parallel_loop3A_273 = arith.constant 2.000000e-01 : f32
        %parallel_loop3A_274 = vector.broadcast %parallel_loop3A_273 : f32 to vector<16xf32>
        %parallel_loop3A_275 = arith.mulf %parallel_loop3A_274, %parallel_loop3A_272 : vector<16xf32>
        %parallel_loop3A_276 = arith.maximumf %parallel_loop3A_272, %parallel_loop3A_275 : vector<16xf32>
        %parallel_loop3A_277 = arith.mulf %parallel_loop3A_251, %parallel_loop3A_276 : vector<16xf32>
        %parallel_loop3A_278 = arith.addf %parallel_loop3A_233, %parallel_loop3A_277 : vector<16xf32>
        %parallel_loop3A_279 = tpu.vector_load_idx %arg12[%add3A_39, %parallel_loop3A_247] : memref<128x48xf32, #tpu.memory_space<vmem>>[vector<16xi32>, vector<16xi32>], vector<16xf32>,
        %parallel_loop3A_280 = tpu.vector_load_idx %arg14[%add3A_39, %parallel_loop3A_247] : memref<128x48xf32, #tpu.memory_space<vmem>>[vector<16xi32>, vector<16xi32>], vector<16xf32>,
        %parallel_loop3A_281 = arith.addf %parallel_loop3A_279, %parallel_loop3A_280 : vector<16xf32>
        %parallel_loop3A_282 = arith.constant 2.000000e-01 : f32
        %parallel_loop3A_283 = vector.broadcast %parallel_loop3A_282 : f32 to vector<16xf32>
        %parallel_loop3A_284 = arith.mulf %parallel_loop3A_283, %parallel_loop3A_281 : vector<16xf32>
        %parallel_loop3A_285 = arith.maximumf %parallel_loop3A_281, %parallel_loop3A_284 : vector<16xf32>
        %parallel_loop3A_286 = arith.mulf %parallel_loop3A_251, %parallel_loop3A_285 : vector<16xf32>
        %parallel_loop3A_287 = arith.addf %parallel_loop3A_234, %parallel_loop3A_286 : vector<16xf32>
        %parallel_loop3A_288 = tpu.vector_load_idx %arg12[%add3A_42, %parallel_loop3A_247] : memref<128x48xf32, #tpu.memory_space<vmem>>[vector<16xi32>, vector<16xi32>], vector<16xf32>,
        %parallel_loop3A_289 = tpu.vector_load_idx %arg14[%add3A_42, %parallel_loop3A_247] : memref<128x48xf32, #tpu.memory_space<vmem>>[vector<16xi32>, vector<16xi32>], vector<16xf32>,
        %parallel_loop3A_290 = arith.addf %parallel_loop3A_288, %parallel_loop3A_289 : vector<16xf32>
        %parallel_loop3A_291 = arith.constant 2.000000e-01 : f32
        %parallel_loop3A_292 = vector.broadcast %parallel_loop3A_291 : f32 to vector<16xf32>
        %parallel_loop3A_293 = arith.mulf %parallel_loop3A_292, %parallel_loop3A_290 : vector<16xf32>
        %parallel_loop3A_294 = arith.maximumf %parallel_loop3A_290, %parallel_loop3A_293 : vector<16xf32>
        %parallel_loop3A_295 = arith.mulf %parallel_loop3A_251, %parallel_loop3A_294 : vector<16xf32>
        %parallel_loop3A_296 = arith.addf %parallel_loop3A_235, %parallel_loop3A_295 : vector<16xf32>
        %parallel_loop3A_297 = tpu.vector_load_idx %arg12[%add3A_45, %parallel_loop3A_247] : memref<128x48xf32, #tpu.memory_space<vmem>>[vector<16xi32>, vector<16xi32>], vector<16xf32>,
        %parallel_loop3A_298 = tpu.vector_load_idx %arg14[%add3A_45, %parallel_loop3A_247] : memref<128x48xf32, #tpu.memory_space<vmem>>[vector<16xi32>, vector<16xi32>], vector<16xf32>,
        %parallel_loop3A_299 = arith.addf %parallel_loop3A_297, %parallel_loop3A_298 : vector<16xf32>
        %parallel_loop3A_300 = arith.constant 2.000000e-01 : f32
        %parallel_loop3A_301 = vector.broadcast %parallel_loop3A_300 : f32 to vector<16xf32>
        %parallel_loop3A_302 = arith.mulf %parallel_loop3A_301, %parallel_loop3A_299 : vector<16xf32>
        %parallel_loop3A_303 = arith.maximumf %parallel_loop3A_299, %parallel_loop3A_302 : vector<16xf32>
        %parallel_loop3A_304 = arith.mulf %parallel_loop3A_251, %parallel_loop3A_303 : vector<16xf32>
        %parallel_loop3A_305 = arith.addf %parallel_loop3A_236, %parallel_loop3A_304 : vector<16xf32>
        %parallel_loop3A_306 = tpu.vector_load_idx %arg12[%add3A_48, %parallel_loop3A_247] : memref<128x48xf32, #tpu.memory_space<vmem>>[vector<16xi32>, vector<16xi32>], vector<16xf32>,
        %parallel_loop3A_307 = tpu.vector_load_idx %arg14[%add3A_48, %parallel_loop3A_247] : memref<128x48xf32, #tpu.memory_space<vmem>>[vector<16xi32>, vector<16xi32>], vector<16xf32>,
        %parallel_loop3A_308 = arith.addf %parallel_loop3A_306, %parallel_loop3A_307 : vector<16xf32>
        %parallel_loop3A_309 = arith.constant 2.000000e-01 : f32
        %parallel_loop3A_310 = vector.broadcast %parallel_loop3A_309 : f32 to vector<16xf32>
        %parallel_loop3A_311 = arith.mulf %parallel_loop3A_310, %parallel_loop3A_308 : vector<16xf32>
        %parallel_loop3A_312 = arith.maximumf %parallel_loop3A_308, %parallel_loop3A_311 : vector<16xf32>
        %parallel_loop3A_313 = arith.mulf %parallel_loop3A_251, %parallel_loop3A_312 : vector<16xf32>
        %parallel_loop3A_314 = arith.addf %parallel_loop3A_237, %parallel_loop3A_313 : vector<16xf32>
        %parallel_loop3A_315 = tpu.vector_load_idx %arg12[%add3A_51, %parallel_loop3A_247] : memref<128x48xf32, #tpu.memory_space<vmem>>[vector<16xi32>, vector<16xi32>], vector<16xf32>,
        %parallel_loop3A_316 = tpu.vector_load_idx %arg14[%add3A_51, %parallel_loop3A_247] : memref<128x48xf32, #tpu.memory_space<vmem>>[vector<16xi32>, vector<16xi32>], vector<16xf32>,
        %parallel_loop3A_317 = arith.addf %parallel_loop3A_315, %parallel_loop3A_316 : vector<16xf32>
        %parallel_loop3A_318 = arith.constant 2.000000e-01 : f32
        %parallel_loop3A_319 = vector.broadcast %parallel_loop3A_318 : f32 to vector<16xf32>
        %parallel_loop3A_320 = arith.mulf %parallel_loop3A_319, %parallel_loop3A_317 : vector<16xf32>
        %parallel_loop3A_321 = arith.maximumf %parallel_loop3A_317, %parallel_loop3A_320 : vector<16xf32>
        %parallel_loop3A_322 = arith.mulf %parallel_loop3A_251, %parallel_loop3A_321 : vector<16xf32>
        %parallel_loop3A_323 = arith.addf %parallel_loop3A_238, %parallel_loop3A_322 : vector<16xf32>
        scf.yield %parallel_loop3A_260, %parallel_loop3A_269, %parallel_loop3A_278, %parallel_loop3A_287, %parallel_loop3A_296, %parallel_loop3A_305, %parallel_loop3A_314, %parallel_loop3A_323 : vector<16xf32>, vector<16xf32>, vector<16xf32>, vector<16xf32>, vector<16xf32>, vector<16xf32>, vector<16xf32>, vector<16xf32>
      } {sc.loop_unroll_factor = 8 : i64, sc.parallel_access}
      %exp3A = math.exp %parallel_loop3A_137#0 : vector<16xf32>
      %exp3A_138 = math.exp %parallel_loop3A_137#1 : vector<16xf32>
      %exp3A_139 = math.exp %parallel_loop3A_137#2 : vector<16xf32>
      %exp3A_140 = math.exp %parallel_loop3A_137#3 : vector<16xf32>
      %exp3A_141 = math.exp %parallel_loop3A_137#4 : vector<16xf32>
      %exp3A_142 = math.exp %parallel_loop3A_137#5 : vector<16xf32>
      %exp3A_143 = math.exp %parallel_loop3A_137#6 : vector<16xf32>
      %exp3A_144 = math.exp %parallel_loop3A_137#7 : vector<16xf32>
      %ge3A = arith.constant 2 : i32
      %ge3A_145 = arith.cmpi sge, %add3A_100, %ge3A : i32
      %convert_element_type3A_146 = arith.extui %ge3A_145 : i1 to i32
      %cond3A_147 = arith.constant 0 : i32
      %cond3A_148 = arith.cmpi ne, %convert_element_type3A_146, %cond3A_147 : i32
      scf.if %cond3A_148 {
        %dma_wait3A_230 = arith.constant 0 : i32
        %dma_wait3A_231 = arith.constant 0 : i32
        %dma_wait3A_232 = tpu.memref_slice %arg11[%dma_wait3A_230, %dma_wait3A_231] : memref<82x128xi32, #tpu.memory_space<vmem>> -> memref<1x128xi32, #tpu.memory_space<vmem>>
        %dma_wait3A_233 = tpu.memref_squeeze %dma_wait3A_232 : memref<1x128xi32, #tpu.memory_space<vmem>> -> memref<128xi32, #tpu.memory_space<vmem>>
        %dma_wait3A_234 = arith.constant 0 : i32
        %dma_wait3A_235 = arith.constant 0 : i32
        %dma_wait3A_236 = tpu.memref_slice %arg19[%dma_wait3A_234, %dma_wait3A_235] : memref<10240x48xf32, #tpu.memory_space<vmem_shared>> -> memref<10240x48xf32, #tpu.memory_space<vmem_shared>>
        tpu.wait_indirect_dma semaphore(%arg22 : memref<!tpu.dma_semaphore, #tpu.memory_space<semaphore_mem>>) src(%arg16 : memref<128x48xf32, #tpu.memory_space<vmem>>) dst(%dma_wait3A_236 : memref<10240x48xf32, #tpu.memory_space<vmem_shared>>)
      } else {
      }
      %broadcast_in_dim3A_149 = arith.constant 40 : i32
      %broadcast_in_dim3A_150 = vector.broadcast %broadcast_in_dim3A_149 : i32 to vector<16xi32>
      tpu.vector_store_idx %arg16[%add3A_30, %broadcast_in_dim3A_150], %exp3A : memref<128x48xf32, #tpu.memory_space<vmem>>[vector<16xi32>, vector<16xi32>], vector<16xf32>,
      tpu.vector_store_idx %arg16[%add3A_33, %broadcast_in_dim3A_150], %exp3A_138 : memref<128x48xf32, #tpu.memory_space<vmem>>[vector<16xi32>, vector<16xi32>], vector<16xf32>,
      tpu.vector_store_idx %arg16[%add3A_36, %broadcast_in_dim3A_150], %exp3A_139 : memref<128x48xf32, #tpu.memory_space<vmem>>[vector<16xi32>, vector<16xi32>], vector<16xf32>,
      tpu.vector_store_idx %arg16[%add3A_39, %broadcast_in_dim3A_150], %exp3A_140 : memref<128x48xf32, #tpu.memory_space<vmem>>[vector<16xi32>, vector<16xi32>], vector<16xf32>,
      tpu.vector_store_idx %arg16[%add3A_42, %broadcast_in_dim3A_150], %exp3A_141 : memref<128x48xf32, #tpu.memory_space<vmem>>[vector<16xi32>, vector<16xi32>], vector<16xf32>,
      tpu.vector_store_idx %arg16[%add3A_45, %broadcast_in_dim3A_150], %exp3A_142 : memref<128x48xf32, #tpu.memory_space<vmem>>[vector<16xi32>, vector<16xi32>], vector<16xf32>,
      tpu.vector_store_idx %arg16[%add3A_48, %broadcast_in_dim3A_150], %exp3A_143 : memref<128x48xf32, #tpu.memory_space<vmem>>[vector<16xi32>, vector<16xi32>], vector<16xf32>,
      tpu.vector_store_idx %arg16[%add3A_51, %broadcast_in_dim3A_150], %exp3A_144 : memref<128x48xf32, #tpu.memory_space<vmem>>[vector<16xi32>, vector<16xi32>], vector<16xf32>,
      %parallel_loop3A_151 = arith.constant 0 : i32
      %parallel_loop3A_152 = arith.constant 40 : i32
      %parallel_loop3A_153 = arith.constant 1 : i32
      scf.for %parallel_loop3A_230 = %parallel_loop3A_151 to %parallel_loop3A_152 step %parallel_loop3A_153  : i32 {
        %parallel_loop3A_231 = vector.broadcast %parallel_loop3A_230 : i32 to vector<16xi32>
        %parallel_loop3A_232 = arith.addi %parallel_loop3A_231, %iota3A : vector<16xi32>
        %parallel_loop3A_233 = arith.constant 40 : i32
        %parallel_loop3A_234 = vector.broadcast %parallel_loop3A_233 : i32 to vector<16xi32>
        %parallel_loop3A_235 = arith.cmpi sge, %parallel_loop3A_232, %parallel_loop3A_234 : vector<16xi32>
        %parallel_loop3A_236 = arith.constant 40 : i32
        %parallel_loop3A_237 = vector.broadcast %parallel_loop3A_236 : i32 to vector<16xi32>
        %parallel_loop3A_238 = arith.subi %parallel_loop3A_232, %parallel_loop3A_237 : vector<16xi32>
        %parallel_loop3A_239 = arith.select %parallel_loop3A_235, %parallel_loop3A_238, %parallel_loop3A_232 : vector<16xi1>, vector<16xi32>
        %parallel_loop3A_240 = tpu.vector_load_idx %arg12[%add3A_30, %parallel_loop3A_239] : memref<128x48xf32, #tpu.memory_space<vmem>>[vector<16xi32>, vector<16xi32>], vector<16xf32>,
        %parallel_loop3A_241 = arith.mulf %parallel_loop3A_240, %exp3A : vector<16xf32>
        tpu.vector_store_idx %arg16[%add3A_30, %parallel_loop3A_239], %parallel_loop3A_241 : memref<128x48xf32, #tpu.memory_space<vmem>>[vector<16xi32>, vector<16xi32>], vector<16xf32>,
        %parallel_loop3A_242 = tpu.vector_load_idx %arg12[%add3A_33, %parallel_loop3A_239] : memref<128x48xf32, #tpu.memory_space<vmem>>[vector<16xi32>, vector<16xi32>], vector<16xf32>,
        %parallel_loop3A_243 = arith.mulf %parallel_loop3A_242, %exp3A_138 : vector<16xf32>
        tpu.vector_store_idx %arg16[%add3A_33, %parallel_loop3A_239], %parallel_loop3A_243 : memref<128x48xf32, #tpu.memory_space<vmem>>[vector<16xi32>, vector<16xi32>], vector<16xf32>,
        %parallel_loop3A_244 = tpu.vector_load_idx %arg12[%add3A_36, %parallel_loop3A_239] : memref<128x48xf32, #tpu.memory_space<vmem>>[vector<16xi32>, vector<16xi32>], vector<16xf32>,
        %parallel_loop3A_245 = arith.mulf %parallel_loop3A_244, %exp3A_139 : vector<16xf32>
        tpu.vector_store_idx %arg16[%add3A_36, %parallel_loop3A_239], %parallel_loop3A_245 : memref<128x48xf32, #tpu.memory_space<vmem>>[vector<16xi32>, vector<16xi32>], vector<16xf32>,
        %parallel_loop3A_246 = tpu.vector_load_idx %arg12[%add3A_39, %parallel_loop3A_239] : memref<128x48xf32, #tpu.memory_space<vmem>>[vector<16xi32>, vector<16xi32>], vector<16xf32>,
        %parallel_loop3A_247 = arith.mulf %parallel_loop3A_246, %exp3A_140 : vector<16xf32>
        tpu.vector_store_idx %arg16[%add3A_39, %parallel_loop3A_239], %parallel_loop3A_247 : memref<128x48xf32, #tpu.memory_space<vmem>>[vector<16xi32>, vector<16xi32>], vector<16xf32>,
        %parallel_loop3A_248 = tpu.vector_load_idx %arg12[%add3A_42, %parallel_loop3A_239] : memref<128x48xf32, #tpu.memory_space<vmem>>[vector<16xi32>, vector<16xi32>], vector<16xf32>,
        %parallel_loop3A_249 = arith.mulf %parallel_loop3A_248, %exp3A_141 : vector<16xf32>
        tpu.vector_store_idx %arg16[%add3A_42, %parallel_loop3A_239], %parallel_loop3A_249 : memref<128x48xf32, #tpu.memory_space<vmem>>[vector<16xi32>, vector<16xi32>], vector<16xf32>,
        %parallel_loop3A_250 = tpu.vector_load_idx %arg12[%add3A_45, %parallel_loop3A_239] : memref<128x48xf32, #tpu.memory_space<vmem>>[vector<16xi32>, vector<16xi32>], vector<16xf32>,
        %parallel_loop3A_251 = arith.mulf %parallel_loop3A_250, %exp3A_142 : vector<16xf32>
        tpu.vector_store_idx %arg16[%add3A_45, %parallel_loop3A_239], %parallel_loop3A_251 : memref<128x48xf32, #tpu.memory_space<vmem>>[vector<16xi32>, vector<16xi32>], vector<16xf32>,
        %parallel_loop3A_252 = tpu.vector_load_idx %arg12[%add3A_48, %parallel_loop3A_239] : memref<128x48xf32, #tpu.memory_space<vmem>>[vector<16xi32>, vector<16xi32>], vector<16xf32>,
        %parallel_loop3A_253 = arith.mulf %parallel_loop3A_252, %exp3A_143 : vector<16xf32>
        tpu.vector_store_idx %arg16[%add3A_48, %parallel_loop3A_239], %parallel_loop3A_253 : memref<128x48xf32, #tpu.memory_space<vmem>>[vector<16xi32>, vector<16xi32>], vector<16xf32>,
        %parallel_loop3A_254 = tpu.vector_load_idx %arg12[%add3A_51, %parallel_loop3A_239] : memref<128x48xf32, #tpu.memory_space<vmem>>[vector<16xi32>, vector<16xi32>], vector<16xf32>,
        %parallel_loop3A_255 = arith.mulf %parallel_loop3A_254, %exp3A_144 : vector<16xf32>
        tpu.vector_store_idx %arg16[%add3A_51, %parallel_loop3A_239], %parallel_loop3A_255 : memref<128x48xf32, #tpu.memory_space<vmem>>[vector<16xi32>, vector<16xi32>], vector<16xf32>,
      } {sc.loop_unroll_factor = 8 : i64, sc.parallel_access}
      %dma_start3A_154 = arith.constant 0 : i32
      %dma_start3A_155 = tpu.memref_slice %arg11[%add3A_100, %dma_start3A_154] : memref<82x128xi32, #tpu.memory_space<vmem>> -> memref<1x128xi32, #tpu.memory_space<vmem>>
      %dma_start3A_156 = tpu.memref_squeeze %dma_start3A_155 : memref<1x128xi32, #tpu.memory_space<vmem>> -> memref<128xi32, #tpu.memory_space<vmem>>
      %dma_start3A_157 = arith.constant 0 : i32
      %dma_start3A_158 = arith.constant 0 : i32
      %dma_start3A_159 = tpu.memref_slice %arg19[%dma_start3A_157, %dma_start3A_158] : memref<10240x48xf32, #tpu.memory_space<vmem_shared>> -> memref<10240x48xf32, #tpu.memory_space<vmem_shared>>
      tpu.enqueue_indirect_dma source(%arg16 : memref<128x48xf32, #tpu.memory_space<vmem>>) target(%dma_start3A_159 : memref<10240x48xf32, #tpu.memory_space<vmem_shared>>) offsets(%dma_start3A_156 : memref<128xi32, #tpu.memory_space<vmem>>) semaphore(%arg22 : memref<!tpu.dma_semaphore, #tpu.memory_space<semaphore_mem>>) {add = true}
      %mul3A_160 = arith.constant 2 : i32
      %mul3A_161 = arith.muli %mul3A_160, %scan3A_95 : i32
      %add3A_162 = arith.constant 1 : i32
      %add3A_163 = arith.addi %mul3A_161, %add3A_162 : i32
      %dma_wait3A_164 = arith.constant 0 : i32
      %dma_wait3A_165 = arith.constant 0 : i32
      %dma_wait3A_166 = tpu.memref_slice %arg10[%dma_wait3A_164, %dma_wait3A_165] : memref<82x128xi32, #tpu.memory_space<vmem>> -> memref<1x128xi32, #tpu.memory_space<vmem>>
      %dma_wait3A_167 = tpu.memref_squeeze %dma_wait3A_166 : memref<1x128xi32, #tpu.memory_space<vmem>> -> memref<128xi32, #tpu.memory_space<vmem>>
      %dma_wait3A_168 = arith.constant 0 : i32
      %dma_wait3A_169 = arith.constant 0 : i32
      %dma_wait3A_170 = tpu.memref_slice %arg4[%dma_wait3A_168, %dma_wait3A_169] : memref<10240x48xf32, #tpu.memory_space<hbm>> -> memref<10240x48xf32, #tpu.memory_space<hbm>>
      tpu.wait_indirect_dma semaphore(%arg21 : memref<!tpu.dma_semaphore, #tpu.memory_space<semaphore_mem>>) src(%dma_wait3A_170 : memref<10240x48xf32, #tpu.memory_space<hbm>>) dst(%arg13 : memref<128x48xf32, #tpu.memory_space<vmem>>)
      %dma_wait3A_171 = arith.constant 0 : i32
      %dma_wait3A_172 = arith.constant 0 : i32
      %dma_wait3A_173 = tpu.memref_slice %arg11[%dma_wait3A_171, %dma_wait3A_172] : memref<82x128xi32, #tpu.memory_space<vmem>> -> memref<1x128xi32, #tpu.memory_space<vmem>>
      %dma_wait3A_174 = tpu.memref_squeeze %dma_wait3A_173 : memref<1x128xi32, #tpu.memory_space<vmem>> -> memref<128xi32, #tpu.memory_space<vmem>>
      %dma_wait3A_175 = arith.constant 0 : i32
      %dma_wait3A_176 = arith.constant 0 : i32
      %dma_wait3A_177 = tpu.memref_slice %arg5[%dma_wait3A_175, %dma_wait3A_176] : memref<10240x48xf32, #tpu.memory_space<hbm>> -> memref<10240x48xf32, #tpu.memory_space<hbm>>
      tpu.wait_indirect_dma semaphore(%arg21 : memref<!tpu.dma_semaphore, #tpu.memory_space<semaphore_mem>>) src(%dma_wait3A_177 : memref<10240x48xf32, #tpu.memory_space<hbm>>) dst(%arg15 : memref<128x48xf32, #tpu.memory_space<vmem>>)
      %add3A_178 = arith.constant 1 : i32
      %add3A_179 = arith.addi %add3A_163, %add3A_178 : i32
      %lt3A_180 = arith.constant 82 : i32
      %lt3A_181 = arith.cmpi slt, %add3A_179, %lt3A_180 : i32
      %convert_element_type3A_182 = arith.extui %lt3A_181 : i1 to i32
      %cond3A_183 = arith.constant 0 : i32
      %cond3A_184 = arith.cmpi ne, %convert_element_type3A_182, %cond3A_183 : i32
      scf.if %cond3A_184 {
        %add3A_230 = arith.constant 1 : i32
        %add3A_231 = arith.addi %add3A_163, %add3A_230 : i32
        %dma_start3A_232 = arith.constant 0 : i32
        %dma_start3A_233 = tpu.memref_slice %arg10[%add3A_231, %dma_start3A_232] : memref<82x128xi32, #tpu.memory_space<vmem>> -> memref<1x128xi32, #tpu.memory_space<vmem>>
        %dma_start3A_234 = tpu.memref_squeeze %dma_start3A_233 : memref<1x128xi32, #tpu.memory_space<vmem>> -> memref<128xi32, #tpu.memory_space<vmem>>
        %dma_start3A_235 = arith.constant 0 : i32
        %dma_start3A_236 = arith.constant 0 : i32
        %dma_start3A_237 = tpu.memref_slice %arg4[%dma_start3A_235, %dma_start3A_236] : memref<10240x48xf32, #tpu.memory_space<hbm>> -> memref<10240x48xf32, #tpu.memory_space<hbm>>
        tpu.enqueue_indirect_dma source(%dma_start3A_237 : memref<10240x48xf32, #tpu.memory_space<hbm>>) target(%arg12 : memref<128x48xf32, #tpu.memory_space<vmem>>) offsets(%dma_start3A_234 : memref<128xi32, #tpu.memory_space<vmem>>) semaphore(%arg20 : memref<!tpu.dma_semaphore, #tpu.memory_space<semaphore_mem>>)
        %dma_start3A_238 = arith.constant 0 : i32
        %dma_start3A_239 = tpu.memref_slice %arg11[%add3A_231, %dma_start3A_238] : memref<82x128xi32, #tpu.memory_space<vmem>> -> memref<1x128xi32, #tpu.memory_space<vmem>>
        %dma_start3A_240 = tpu.memref_squeeze %dma_start3A_239 : memref<1x128xi32, #tpu.memory_space<vmem>> -> memref<128xi32, #tpu.memory_space<vmem>>
        %dma_start3A_241 = arith.constant 0 : i32
        %dma_start3A_242 = arith.constant 0 : i32
        %dma_start3A_243 = tpu.memref_slice %arg5[%dma_start3A_241, %dma_start3A_242] : memref<10240x48xf32, #tpu.memory_space<hbm>> -> memref<10240x48xf32, #tpu.memory_space<hbm>>
        tpu.enqueue_indirect_dma source(%dma_start3A_243 : memref<10240x48xf32, #tpu.memory_space<hbm>>) target(%arg14 : memref<128x48xf32, #tpu.memory_space<vmem>>) offsets(%dma_start3A_240 : memref<128xi32, #tpu.memory_space<vmem>>) semaphore(%arg20 : memref<!tpu.dma_semaphore, #tpu.memory_space<semaphore_mem>>)
      } else {
      }
      %broadcast_in_dim3A_185 = arith.constant 0.000000e+00 : f32
      %broadcast_in_dim3A_186 = vector.broadcast %broadcast_in_dim3A_185 : f32 to vector<16xf32>
      %broadcast_in_dim3A_187 = arith.constant 0.000000e+00 : f32
      %broadcast_in_dim3A_188 = vector.broadcast %broadcast_in_dim3A_187 : f32 to vector<16xf32>
      %broadcast_in_dim3A_189 = arith.constant 0.000000e+00 : f32
      %broadcast_in_dim3A_190 = vector.broadcast %broadcast_in_dim3A_189 : f32 to vector<16xf32>
      %broadcast_in_dim3A_191 = arith.constant 0.000000e+00 : f32
      %broadcast_in_dim3A_192 = vector.broadcast %broadcast_in_dim3A_191 : f32 to vector<16xf32>
      %broadcast_in_dim3A_193 = arith.constant 0.000000e+00 : f32
      %broadcast_in_dim3A_194 = vector.broadcast %broadcast_in_dim3A_193 : f32 to vector<16xf32>
      %broadcast_in_dim3A_195 = arith.constant 0.000000e+00 : f32
      %broadcast_in_dim3A_196 = vector.broadcast %broadcast_in_dim3A_195 : f32 to vector<16xf32>
      %broadcast_in_dim3A_197 = arith.constant 0.000000e+00 : f32
      %broadcast_in_dim3A_198 = vector.broadcast %broadcast_in_dim3A_197 : f32 to vector<16xf32>
      %broadcast_in_dim3A_199 = arith.constant 0.000000e+00 : f32
      %broadcast_in_dim3A_200 = vector.broadcast %broadcast_in_dim3A_199 : f32 to vector<16xf32>
      %parallel_loop3A_201 = arith.constant 0 : i32
      %parallel_loop3A_202 = arith.constant 40 : i32
      %parallel_loop3A_203 = arith.constant 1 : i32
      %parallel_loop3A_204:8 = scf.for %parallel_loop3A_230 = %parallel_loop3A_201 to %parallel_loop3A_202 step %parallel_loop3A_203 iter_args(%parallel_loop3A_231 = %broadcast_in_dim3A_186, %parallel_loop3A_232 = %broadcast_in_dim3A_188, %parallel_loop3A_233 = %broadcast_in_dim3A_190, %parallel_loop3A_234 = %broadcast_in_dim3A_192, %parallel_loop3A_235 = %broadcast_in_dim3A_194, %parallel_loop3A_236 = %broadcast_in_dim3A_196, %parallel_loop3A_237 = %broadcast_in_dim3A_198, %parallel_loop3A_238 = %broadcast_in_dim3A_200) -> (vector<16xf32>, vector<16xf32>, vector<16xf32>, vector<16xf32>, vector<16xf32>, vector<16xf32>, vector<16xf32>, vector<16xf32>)  : i32 {
        %parallel_loop3A_239 = vector.broadcast %parallel_loop3A_230 : i32 to vector<16xi32>
        %parallel_loop3A_240 = arith.addi %parallel_loop3A_239, %iota3A : vector<16xi32>
        %parallel_loop3A_241 = arith.constant 40 : i32
        %parallel_loop3A_242 = vector.broadcast %parallel_loop3A_241 : i32 to vector<16xi32>
        %parallel_loop3A_243 = arith.cmpi sge, %parallel_loop3A_240, %parallel_loop3A_242 : vector<16xi32>
        %parallel_loop3A_244 = arith.constant 40 : i32
        %parallel_loop3A_245 = vector.broadcast %parallel_loop3A_244 : i32 to vector<16xi32>
        %parallel_loop3A_246 = arith.subi %parallel_loop3A_240, %parallel_loop3A_245 : vector<16xi32>
        %parallel_loop3A_247 = arith.select %parallel_loop3A_243, %parallel_loop3A_246, %parallel_loop3A_240 : vector<16xi1>, vector<16xi32>
        %parallel_loop3A_248 = arith.constant 16 : i32
        %parallel_loop3A_249 = arith.muli %parallel_loop3A_230, %parallel_loop3A_248 : i32
        %parallel_loop3A_250 = arith.index_cast %parallel_loop3A_249 : i32 to index
        %parallel_loop3A_251 = tpu.vector_load %arg9[%parallel_loop3A_250] {strides = array<i32>} : memref<640xf32, #tpu.memory_space<vmem>>, vector<16xf32>,
        %parallel_loop3A_252 = tpu.vector_load_idx %arg13[%add3A_30, %parallel_loop3A_247] : memref<128x48xf32, #tpu.memory_space<vmem>>[vector<16xi32>, vector<16xi32>], vector<16xf32>,
        %parallel_loop3A_253 = tpu.vector_load_idx %arg15[%add3A_30, %parallel_loop3A_247] : memref<128x48xf32, #tpu.memory_space<vmem>>[vector<16xi32>, vector<16xi32>], vector<16xf32>,
        %parallel_loop3A_254 = arith.addf %parallel_loop3A_252, %parallel_loop3A_253 : vector<16xf32>
        %parallel_loop3A_255 = arith.constant 2.000000e-01 : f32
        %parallel_loop3A_256 = vector.broadcast %parallel_loop3A_255 : f32 to vector<16xf32>
        %parallel_loop3A_257 = arith.mulf %parallel_loop3A_256, %parallel_loop3A_254 : vector<16xf32>
        %parallel_loop3A_258 = arith.maximumf %parallel_loop3A_254, %parallel_loop3A_257 : vector<16xf32>
        %parallel_loop3A_259 = arith.mulf %parallel_loop3A_251, %parallel_loop3A_258 : vector<16xf32>
        %parallel_loop3A_260 = arith.addf %parallel_loop3A_231, %parallel_loop3A_259 : vector<16xf32>
        %parallel_loop3A_261 = tpu.vector_load_idx %arg13[%add3A_33, %parallel_loop3A_247] : memref<128x48xf32, #tpu.memory_space<vmem>>[vector<16xi32>, vector<16xi32>], vector<16xf32>,
        %parallel_loop3A_262 = tpu.vector_load_idx %arg15[%add3A_33, %parallel_loop3A_247] : memref<128x48xf32, #tpu.memory_space<vmem>>[vector<16xi32>, vector<16xi32>], vector<16xf32>,
        %parallel_loop3A_263 = arith.addf %parallel_loop3A_261, %parallel_loop3A_262 : vector<16xf32>
        %parallel_loop3A_264 = arith.constant 2.000000e-01 : f32
        %parallel_loop3A_265 = vector.broadcast %parallel_loop3A_264 : f32 to vector<16xf32>
        %parallel_loop3A_266 = arith.mulf %parallel_loop3A_265, %parallel_loop3A_263 : vector<16xf32>
        %parallel_loop3A_267 = arith.maximumf %parallel_loop3A_263, %parallel_loop3A_266 : vector<16xf32>
        %parallel_loop3A_268 = arith.mulf %parallel_loop3A_251, %parallel_loop3A_267 : vector<16xf32>
        %parallel_loop3A_269 = arith.addf %parallel_loop3A_232, %parallel_loop3A_268 : vector<16xf32>
        %parallel_loop3A_270 = tpu.vector_load_idx %arg13[%add3A_36, %parallel_loop3A_247] : memref<128x48xf32, #tpu.memory_space<vmem>>[vector<16xi32>, vector<16xi32>], vector<16xf32>,
        %parallel_loop3A_271 = tpu.vector_load_idx %arg15[%add3A_36, %parallel_loop3A_247] : memref<128x48xf32, #tpu.memory_space<vmem>>[vector<16xi32>, vector<16xi32>], vector<16xf32>,
        %parallel_loop3A_272 = arith.addf %parallel_loop3A_270, %parallel_loop3A_271 : vector<16xf32>
        %parallel_loop3A_273 = arith.constant 2.000000e-01 : f32
        %parallel_loop3A_274 = vector.broadcast %parallel_loop3A_273 : f32 to vector<16xf32>
        %parallel_loop3A_275 = arith.mulf %parallel_loop3A_274, %parallel_loop3A_272 : vector<16xf32>
        %parallel_loop3A_276 = arith.maximumf %parallel_loop3A_272, %parallel_loop3A_275 : vector<16xf32>
        %parallel_loop3A_277 = arith.mulf %parallel_loop3A_251, %parallel_loop3A_276 : vector<16xf32>
        %parallel_loop3A_278 = arith.addf %parallel_loop3A_233, %parallel_loop3A_277 : vector<16xf32>
        %parallel_loop3A_279 = tpu.vector_load_idx %arg13[%add3A_39, %parallel_loop3A_247] : memref<128x48xf32, #tpu.memory_space<vmem>>[vector<16xi32>, vector<16xi32>], vector<16xf32>,
        %parallel_loop3A_280 = tpu.vector_load_idx %arg15[%add3A_39, %parallel_loop3A_247] : memref<128x48xf32, #tpu.memory_space<vmem>>[vector<16xi32>, vector<16xi32>], vector<16xf32>,
        %parallel_loop3A_281 = arith.addf %parallel_loop3A_279, %parallel_loop3A_280 : vector<16xf32>
        %parallel_loop3A_282 = arith.constant 2.000000e-01 : f32
        %parallel_loop3A_283 = vector.broadcast %parallel_loop3A_282 : f32 to vector<16xf32>
        %parallel_loop3A_284 = arith.mulf %parallel_loop3A_283, %parallel_loop3A_281 : vector<16xf32>
        %parallel_loop3A_285 = arith.maximumf %parallel_loop3A_281, %parallel_loop3A_284 : vector<16xf32>
        %parallel_loop3A_286 = arith.mulf %parallel_loop3A_251, %parallel_loop3A_285 : vector<16xf32>
        %parallel_loop3A_287 = arith.addf %parallel_loop3A_234, %parallel_loop3A_286 : vector<16xf32>
        %parallel_loop3A_288 = tpu.vector_load_idx %arg13[%add3A_42, %parallel_loop3A_247] : memref<128x48xf32, #tpu.memory_space<vmem>>[vector<16xi32>, vector<16xi32>], vector<16xf32>,
        %parallel_loop3A_289 = tpu.vector_load_idx %arg15[%add3A_42, %parallel_loop3A_247] : memref<128x48xf32, #tpu.memory_space<vmem>>[vector<16xi32>, vector<16xi32>], vector<16xf32>,
        %parallel_loop3A_290 = arith.addf %parallel_loop3A_288, %parallel_loop3A_289 : vector<16xf32>
        %parallel_loop3A_291 = arith.constant 2.000000e-01 : f32
        %parallel_loop3A_292 = vector.broadcast %parallel_loop3A_291 : f32 to vector<16xf32>
        %parallel_loop3A_293 = arith.mulf %parallel_loop3A_292, %parallel_loop3A_290 : vector<16xf32>
        %parallel_loop3A_294 = arith.maximumf %parallel_loop3A_290, %parallel_loop3A_293 : vector<16xf32>
        %parallel_loop3A_295 = arith.mulf %parallel_loop3A_251, %parallel_loop3A_294 : vector<16xf32>
        %parallel_loop3A_296 = arith.addf %parallel_loop3A_235, %parallel_loop3A_295 : vector<16xf32>
        %parallel_loop3A_297 = tpu.vector_load_idx %arg13[%add3A_45, %parallel_loop3A_247] : memref<128x48xf32, #tpu.memory_space<vmem>>[vector<16xi32>, vector<16xi32>], vector<16xf32>,
        %parallel_loop3A_298 = tpu.vector_load_idx %arg15[%add3A_45, %parallel_loop3A_247] : memref<128x48xf32, #tpu.memory_space<vmem>>[vector<16xi32>, vector<16xi32>], vector<16xf32>,
        %parallel_loop3A_299 = arith.addf %parallel_loop3A_297, %parallel_loop3A_298 : vector<16xf32>
        %parallel_loop3A_300 = arith.constant 2.000000e-01 : f32
        %parallel_loop3A_301 = vector.broadcast %parallel_loop3A_300 : f32 to vector<16xf32>
        %parallel_loop3A_302 = arith.mulf %parallel_loop3A_301, %parallel_loop3A_299 : vector<16xf32>
        %parallel_loop3A_303 = arith.maximumf %parallel_loop3A_299, %parallel_loop3A_302 : vector<16xf32>
        %parallel_loop3A_304 = arith.mulf %parallel_loop3A_251, %parallel_loop3A_303 : vector<16xf32>
        %parallel_loop3A_305 = arith.addf %parallel_loop3A_236, %parallel_loop3A_304 : vector<16xf32>
        %parallel_loop3A_306 = tpu.vector_load_idx %arg13[%add3A_48, %parallel_loop3A_247] : memref<128x48xf32, #tpu.memory_space<vmem>>[vector<16xi32>, vector<16xi32>], vector<16xf32>,
        %parallel_loop3A_307 = tpu.vector_load_idx %arg15[%add3A_48, %parallel_loop3A_247] : memref<128x48xf32, #tpu.memory_space<vmem>>[vector<16xi32>, vector<16xi32>], vector<16xf32>,
        %parallel_loop3A_308 = arith.addf %parallel_loop3A_306, %parallel_loop3A_307 : vector<16xf32>
        %parallel_loop3A_309 = arith.constant 2.000000e-01 : f32
        %parallel_loop3A_310 = vector.broadcast %parallel_loop3A_309 : f32 to vector<16xf32>
        %parallel_loop3A_311 = arith.mulf %parallel_loop3A_310, %parallel_loop3A_308 : vector<16xf32>
        %parallel_loop3A_312 = arith.maximumf %parallel_loop3A_308, %parallel_loop3A_311 : vector<16xf32>
        %parallel_loop3A_313 = arith.mulf %parallel_loop3A_251, %parallel_loop3A_312 : vector<16xf32>
        %parallel_loop3A_314 = arith.addf %parallel_loop3A_237, %parallel_loop3A_313 : vector<16xf32>
        %parallel_loop3A_315 = tpu.vector_load_idx %arg13[%add3A_51, %parallel_loop3A_247] : memref<128x48xf32, #tpu.memory_space<vmem>>[vector<16xi32>, vector<16xi32>], vector<16xf32>,
        %parallel_loop3A_316 = tpu.vector_load_idx %arg15[%add3A_51, %parallel_loop3A_247] : memref<128x48xf32, #tpu.memory_space<vmem>>[vector<16xi32>, vector<16xi32>], vector<16xf32>,
        %parallel_loop3A_317 = arith.addf %parallel_loop3A_315, %parallel_loop3A_316 : vector<16xf32>
        %parallel_loop3A_318 = arith.constant 2.000000e-01 : f32
        %parallel_loop3A_319 = vector.broadcast %parallel_loop3A_318 : f32 to vector<16xf32>
        %parallel_loop3A_320 = arith.mulf %parallel_loop3A_319, %parallel_loop3A_317 : vector<16xf32>
        %parallel_loop3A_321 = arith.maximumf %parallel_loop3A_317, %parallel_loop3A_320 : vector<16xf32>
        %parallel_loop3A_322 = arith.mulf %parallel_loop3A_251, %parallel_loop3A_321 : vector<16xf32>
        %parallel_loop3A_323 = arith.addf %parallel_loop3A_238, %parallel_loop3A_322 : vector<16xf32>
        scf.yield %parallel_loop3A_260, %parallel_loop3A_269, %parallel_loop3A_278, %parallel_loop3A_287, %parallel_loop3A_296, %parallel_loop3A_305, %parallel_loop3A_314, %parallel_loop3A_323 : vector<16xf32>, vector<16xf32>, vector<16xf32>, vector<16xf32>, vector<16xf32>, vector<16xf32>, vector<16xf32>, vector<16xf32>
      } {sc.loop_unroll_factor = 8 : i64, sc.parallel_access}
      %exp3A_205 = math.exp %parallel_loop3A_204#0 : vector<16xf32>
      %exp3A_206 = math.exp %parallel_loop3A_204#1 : vector<16xf32>
      %exp3A_207 = math.exp %parallel_loop3A_204#2 : vector<16xf32>
      %exp3A_208 = math.exp %parallel_loop3A_204#3 : vector<16xf32>
      %exp3A_209 = math.exp %parallel_loop3A_204#4 : vector<16xf32>
      %exp3A_210 = math.exp %parallel_loop3A_204#5 : vector<16xf32>
      %exp3A_211 = math.exp %parallel_loop3A_204#6 : vector<16xf32>
      %exp3A_212 = math.exp %parallel_loop3A_204#7 : vector<16xf32>
      %ge3A_213 = arith.constant 2 : i32
      %ge3A_214 = arith.cmpi sge, %add3A_163, %ge3A_213 : i32
      %convert_element_type3A_215 = arith.extui %ge3A_214 : i1 to i32
      %cond3A_216 = arith.constant 0 : i32
      %cond3A_217 = arith.cmpi ne, %convert_element_type3A_215, %cond3A_216 : i32
      scf.if %cond3A_217 {
        %dma_wait3A_230 = arith.constant 0 : i32
        %dma_wait3A_231 = arith.constant 0 : i32
        %dma_wait3A_232 = tpu.memref_slice %arg11[%dma_wait3A_230, %dma_wait3A_231] : memref<82x128xi32, #tpu.memory_space<vmem>> -> memref<1x128xi32, #tpu.memory_space<vmem>>
        %dma_wait3A_233 = tpu.memref_squeeze %dma_wait3A_232 : memref<1x128xi32, #tpu.memory_space<vmem>> -> memref<128xi32, #tpu.memory_space<vmem>>
        %dma_wait3A_234 = arith.constant 0 : i32
        %dma_wait3A_235 = arith.constant 0 : i32
        %dma_wait3A_236 = tpu.memref_slice %arg19[%dma_wait3A_234, %dma_wait3A_235] : memref<10240x48xf32, #tpu.memory_space<vmem_shared>> -> memref<10240x48xf32, #tpu.memory_space<vmem_shared>>
        tpu.wait_indirect_dma semaphore(%arg23 : memref<!tpu.dma_semaphore, #tpu.memory_space<semaphore_mem>>) src(%arg17 : memref<128x48xf32, #tpu.memory_space<vmem>>) dst(%dma_wait3A_236 : memref<10240x48xf32, #tpu.memory_space<vmem_shared>>)
      } else {
      }
      %broadcast_in_dim3A_218 = arith.constant 40 : i32
      %broadcast_in_dim3A_219 = vector.broadcast %broadcast_in_dim3A_218 : i32 to vector<16xi32>
      tpu.vector_store_idx %arg17[%add3A_30, %broadcast_in_dim3A_219], %exp3A_205 : memref<128x48xf32, #tpu.memory_space<vmem>>[vector<16xi32>, vector<16xi32>], vector<16xf32>,
      tpu.vector_store_idx %arg17[%add3A_33, %broadcast_in_dim3A_219], %exp3A_206 : memref<128x48xf32, #tpu.memory_space<vmem>>[vector<16xi32>, vector<16xi32>], vector<16xf32>,
      tpu.vector_store_idx %arg17[%add3A_36, %broadcast_in_dim3A_219], %exp3A_207 : memref<128x48xf32, #tpu.memory_space<vmem>>[vector<16xi32>, vector<16xi32>], vector<16xf32>,
      tpu.vector_store_idx %arg17[%add3A_39, %broadcast_in_dim3A_219], %exp3A_208 : memref<128x48xf32, #tpu.memory_space<vmem>>[vector<16xi32>, vector<16xi32>], vector<16xf32>,
      tpu.vector_store_idx %arg17[%add3A_42, %broadcast_in_dim3A_219], %exp3A_209 : memref<128x48xf32, #tpu.memory_space<vmem>>[vector<16xi32>, vector<16xi32>], vector<16xf32>,
      tpu.vector_store_idx %arg17[%add3A_45, %broadcast_in_dim3A_219], %exp3A_210 : memref<128x48xf32, #tpu.memory_space<vmem>>[vector<16xi32>, vector<16xi32>], vector<16xf32>,
      tpu.vector_store_idx %arg17[%add3A_48, %broadcast_in_dim3A_219], %exp3A_211 : memref<128x48xf32, #tpu.memory_space<vmem>>[vector<16xi32>, vector<16xi32>], vector<16xf32>,
      tpu.vector_store_idx %arg17[%add3A_51, %broadcast_in_dim3A_219], %exp3A_212 : memref<128x48xf32, #tpu.memory_space<vmem>>[vector<16xi32>, vector<16xi32>], vector<16xf32>,
      %parallel_loop3A_220 = arith.constant 0 : i32
      %parallel_loop3A_221 = arith.constant 40 : i32
      %parallel_loop3A_222 = arith.constant 1 : i32
      scf.for %parallel_loop3A_230 = %parallel_loop3A_220 to %parallel_loop3A_221 step %parallel_loop3A_222  : i32 {
        %parallel_loop3A_231 = vector.broadcast %parallel_loop3A_230 : i32 to vector<16xi32>
        %parallel_loop3A_232 = arith.addi %parallel_loop3A_231, %iota3A : vector<16xi32>
        %parallel_loop3A_233 = arith.constant 40 : i32
        %parallel_loop3A_234 = vector.broadcast %parallel_loop3A_233 : i32 to vector<16xi32>
        %parallel_loop3A_235 = arith.cmpi sge, %parallel_loop3A_232, %parallel_loop3A_234 : vector<16xi32>
        %parallel_loop3A_236 = arith.constant 40 : i32
        %parallel_loop3A_237 = vector.broadcast %parallel_loop3A_236 : i32 to vector<16xi32>
        %parallel_loop3A_238 = arith.subi %parallel_loop3A_232, %parallel_loop3A_237 : vector<16xi32>
        %parallel_loop3A_239 = arith.select %parallel_loop3A_235, %parallel_loop3A_238, %parallel_loop3A_232 : vector<16xi1>, vector<16xi32>
        %parallel_loop3A_240 = tpu.vector_load_idx %arg13[%add3A_30, %parallel_loop3A_239] : memref<128x48xf32, #tpu.memory_space<vmem>>[vector<16xi32>, vector<16xi32>], vector<16xf32>,
        %parallel_loop3A_241 = arith.mulf %parallel_loop3A_240, %exp3A_205 : vector<16xf32>
        tpu.vector_store_idx %arg17[%add3A_30, %parallel_loop3A_239], %parallel_loop3A_241 : memref<128x48xf32, #tpu.memory_space<vmem>>[vector<16xi32>, vector<16xi32>], vector<16xf32>,
        %parallel_loop3A_242 = tpu.vector_load_idx %arg13[%add3A_33, %parallel_loop3A_239] : memref<128x48xf32, #tpu.memory_space<vmem>>[vector<16xi32>, vector<16xi32>], vector<16xf32>,
        %parallel_loop3A_243 = arith.mulf %parallel_loop3A_242, %exp3A_206 : vector<16xf32>
        tpu.vector_store_idx %arg17[%add3A_33, %parallel_loop3A_239], %parallel_loop3A_243 : memref<128x48xf32, #tpu.memory_space<vmem>>[vector<16xi32>, vector<16xi32>], vector<16xf32>,
        %parallel_loop3A_244 = tpu.vector_load_idx %arg13[%add3A_36, %parallel_loop3A_239] : memref<128x48xf32, #tpu.memory_space<vmem>>[vector<16xi32>, vector<16xi32>], vector<16xf32>,
        %parallel_loop3A_245 = arith.mulf %parallel_loop3A_244, %exp3A_207 : vector<16xf32>
        tpu.vector_store_idx %arg17[%add3A_36, %parallel_loop3A_239], %parallel_loop3A_245 : memref<128x48xf32, #tpu.memory_space<vmem>>[vector<16xi32>, vector<16xi32>], vector<16xf32>,
        %parallel_loop3A_246 = tpu.vector_load_idx %arg13[%add3A_39, %parallel_loop3A_239] : memref<128x48xf32, #tpu.memory_space<vmem>>[vector<16xi32>, vector<16xi32>], vector<16xf32>,
        %parallel_loop3A_247 = arith.mulf %parallel_loop3A_246, %exp3A_208 : vector<16xf32>
        tpu.vector_store_idx %arg17[%add3A_39, %parallel_loop3A_239], %parallel_loop3A_247 : memref<128x48xf32, #tpu.memory_space<vmem>>[vector<16xi32>, vector<16xi32>], vector<16xf32>,
        %parallel_loop3A_248 = tpu.vector_load_idx %arg13[%add3A_42, %parallel_loop3A_239] : memref<128x48xf32, #tpu.memory_space<vmem>>[vector<16xi32>, vector<16xi32>], vector<16xf32>,
        %parallel_loop3A_249 = arith.mulf %parallel_loop3A_248, %exp3A_209 : vector<16xf32>
        tpu.vector_store_idx %arg17[%add3A_42, %parallel_loop3A_239], %parallel_loop3A_249 : memref<128x48xf32, #tpu.memory_space<vmem>>[vector<16xi32>, vector<16xi32>], vector<16xf32>,
        %parallel_loop3A_250 = tpu.vector_load_idx %arg13[%add3A_45, %parallel_loop3A_239] : memref<128x48xf32, #tpu.memory_space<vmem>>[vector<16xi32>, vector<16xi32>], vector<16xf32>,
        %parallel_loop3A_251 = arith.mulf %parallel_loop3A_250, %exp3A_210 : vector<16xf32>
        tpu.vector_store_idx %arg17[%add3A_45, %parallel_loop3A_239], %parallel_loop3A_251 : memref<128x48xf32, #tpu.memory_space<vmem>>[vector<16xi32>, vector<16xi32>], vector<16xf32>,
        %parallel_loop3A_252 = tpu.vector_load_idx %arg13[%add3A_48, %parallel_loop3A_239] : memref<128x48xf32, #tpu.memory_space<vmem>>[vector<16xi32>, vector<16xi32>], vector<16xf32>,
        %parallel_loop3A_253 = arith.mulf %parallel_loop3A_252, %exp3A_211 : vector<16xf32>
        tpu.vector_store_idx %arg17[%add3A_48, %parallel_loop3A_239], %parallel_loop3A_253 : memref<128x48xf32, #tpu.memory_space<vmem>>[vector<16xi32>, vector<16xi32>], vector<16xf32>,
        %parallel_loop3A_254 = tpu.vector_load_idx %arg13[%add3A_51, %parallel_loop3A_239] : memref<128x48xf32, #tpu.memory_space<vmem>>[vector<16xi32>, vector<16xi32>], vector<16xf32>,
        %parallel_loop3A_255 = arith.mulf %parallel_loop3A_254, %exp3A_212 : vector<16xf32>
        tpu.vector_store_idx %arg17[%add3A_51, %parallel_loop3A_239], %parallel_loop3A_255 : memref<128x48xf32, #tpu.memory_space<vmem>>[vector<16xi32>, vector<16xi32>], vector<16xf32>,
      } {sc.loop_unroll_factor = 8 : i64, sc.parallel_access}
      %dma_start3A_223 = arith.constant 0 : i32
      %dma_start3A_224 = tpu.memref_slice %arg11[%add3A_163, %dma_start3A_223] : memref<82x128xi32, #tpu.memory_space<vmem>> -> memref<1x128xi32, #tpu.memory_space<vmem>>
      %dma_start3A_225 = tpu.memref_squeeze %dma_start3A_224 : memref<1x128xi32, #tpu.memory_space<vmem>> -> memref<128xi32, #tpu.memory_space<vmem>>
      %dma_start3A_226 = arith.constant 0 : i32
      %dma_start3A_227 = arith.constant 0 : i32
      %dma_start3A_228 = tpu.memref_slice %arg19[%dma_start3A_226, %dma_start3A_227] : memref<10240x48xf32, #tpu.memory_space<vmem_shared>> -> memref<10240x48xf32, #tpu.memory_space<vmem_shared>>
      tpu.enqueue_indirect_dma source(%arg17 : memref<128x48xf32, #tpu.memory_space<vmem>>) target(%dma_start3A_228 : memref<10240x48xf32, #tpu.memory_space<vmem_shared>>) offsets(%dma_start3A_225 : memref<128xi32, #tpu.memory_space<vmem>>) semaphore(%arg23 : memref<!tpu.dma_semaphore, #tpu.memory_space<semaphore_mem>>) {add = true}
      %scan3A_229 = arith.constant 0 : i32
      scf.yield %scan3A_229 : i32
    }
    %scan3A_78 = arith.constant 41 : i32
    %dma_wait3A = arith.constant 0 : i32
    %dma_wait3A_79 = arith.constant 0 : i32
    %dma_wait3A_80 = tpu.memref_slice %arg11[%dma_wait3A, %dma_wait3A_79] : memref<82x128xi32, #tpu.memory_space<vmem>> -> memref<1x128xi32, #tpu.memory_space<vmem>>
    %dma_wait3A_81 = tpu.memref_squeeze %dma_wait3A_80 : memref<1x128xi32, #tpu.memory_space<vmem>> -> memref<128xi32, #tpu.memory_space<vmem>>
    %dma_wait3A_82 = arith.constant 0 : i32
    %dma_wait3A_83 = arith.constant 0 : i32
    %dma_wait3A_84 = tpu.memref_slice %arg19[%dma_wait3A_82, %dma_wait3A_83] : memref<10240x48xf32, #tpu.memory_space<vmem_shared>> -> memref<10240x48xf32, #tpu.memory_space<vmem_shared>>
    tpu.wait_indirect_dma semaphore(%arg22 : memref<!tpu.dma_semaphore, #tpu.memory_space<semaphore_mem>>) src(%arg16 : memref<128x48xf32, #tpu.memory_space<vmem>>) dst(%dma_wait3A_84 : memref<10240x48xf32, #tpu.memory_space<vmem_shared>>)
    %dma_wait3A_85 = arith.constant 0 : i32
    %dma_wait3A_86 = arith.constant 0 : i32
    %dma_wait3A_87 = tpu.memref_slice %arg11[%dma_wait3A_85, %dma_wait3A_86] : memref<82x128xi32, #tpu.memory_space<vmem>> -> memref<1x128xi32, #tpu.memory_space<vmem>>
    %dma_wait3A_88 = tpu.memref_squeeze %dma_wait3A_87 : memref<1x128xi32, #tpu.memory_space<vmem>> -> memref<128xi32, #tpu.memory_space<vmem>>
    %dma_wait3A_89 = arith.constant 0 : i32
    %dma_wait3A_90 = arith.constant 0 : i32
    %dma_wait3A_91 = tpu.memref_slice %arg19[%dma_wait3A_89, %dma_wait3A_90] : memref<10240x48xf32, #tpu.memory_space<vmem_shared>> -> memref<10240x48xf32, #tpu.memory_space<vmem_shared>>
    tpu.wait_indirect_dma semaphore(%arg23 : memref<!tpu.dma_semaphore, #tpu.memory_space<semaphore_mem>>) src(%arg17 : memref<128x48xf32, #tpu.memory_space<vmem>>) dst(%dma_wait3A_91 : memref<10240x48xf32, #tpu.memory_space<vmem_shared>>)
    %barrier3A_92 = arith.constant 0 : index
    tpu.barrier barrier_id(%barrier3A_92)
    %mul3A_93 = arith.constant 640 : i32
    %mul3A_94 = arith.muli %arg1, %mul3A_93 : i32
    "tpu.region"() ({
      %run_scoped3A = tpu.sem_alloc : memref<!tpu.dma_semaphore, #tpu.memory_space<semaphore_mem>>
      %dma_start3A_95 = arith.constant 0 : i32
      %dma_start3A_96 = tpu.memref_slice %arg7[%arg0, %mul3A_94, %dma_start3A_95] : memref<2x10240x48xf32, #tpu.memory_space<hbm>> -> memref<1x640x48xf32, #tpu.memory_space<hbm>>
      %dma_start3A_97 = tpu.memref_squeeze %dma_start3A_96 : memref<1x640x48xf32, #tpu.memory_space<hbm>> -> memref<640x48xf32, #tpu.memory_space<hbm>>
      %dma_start3A_98 = arith.constant 0 : i32
      %dma_start3A_99 = tpu.memref_slice %arg19[%mul3A_94, %dma_start3A_98] : memref<10240x48xf32, #tpu.memory_space<vmem_shared>> -> memref<640x48xf32, #tpu.memory_space<vmem_shared>>
      tpu.enqueue_dma source(%dma_start3A_99 : memref<640x48xf32, #tpu.memory_space<vmem_shared>>) target(%dma_start3A_97 : memref<640x48xf32, #tpu.memory_space<hbm>>) target_semaphore(%run_scoped3A : memref<!tpu.dma_semaphore, #tpu.memory_space<semaphore_mem>>)
      %dma_wait3A_100 = arith.constant 0 : i32
      %dma_wait3A_101 = tpu.memref_slice %arg7[%arg0, %mul3A_94, %dma_wait3A_100] : memref<2x10240x48xf32, #tpu.memory_space<hbm>> -> memref<1x640x48xf32, #tpu.memory_space<hbm>>
      %dma_wait3A_102 = tpu.memref_squeeze %dma_wait3A_101 : memref<1x640x48xf32, #tpu.memory_space<hbm>> -> memref<640x48xf32, #tpu.memory_space<hbm>>
      %dma_wait3A_103 = arith.constant 0 : i32
      %dma_wait3A_104 = tpu.memref_slice %arg19[%mul3A_94, %dma_wait3A_103] : memref<10240x48xf32, #tpu.memory_space<vmem_shared>> -> memref<640x48xf32, #tpu.memory_space<vmem_shared>>
      tpu.wait_dma2 semaphore(%run_scoped3A : memref<!tpu.dma_semaphore, #tpu.memory_space<semaphore_mem>>) src(%dma_wait3A_104 : memref<640x48xf32, #tpu.memory_space<vmem_shared>>) dst(%dma_wait3A_102 : memref<640x48xf32, #tpu.memory_space<hbm>>)
      tpu.yield
    }) : () -> ()
    return
  }
}

module attributes {stable_mosaic.version = 14 : i64} {
  func.func @_mm_body(%arg0: i32, %arg1: memref<640x128xf32, #tpu.memory_space<vmem>>, %arg2: memref<128x48xf32, #tpu.memory_space<vmem>>, %arg3: memref<1x48xf32, #tpu.memory_space<vmem>>, %arg4: memref<128x48xf32, #tpu.memory_space<vmem>>, %arg5: memref<1x48xf32, #tpu.memory_space<vmem>>, %arg6: memref<128x48xf32, #tpu.memory_space<vmem>>, %arg7: memref<1x48xf32, #tpu.memory_space<vmem>>, %arg8: memref<640x48xf32, #tpu.memory_space<vmem>>, %arg9: memref<640x48xf32, #tpu.memory_space<vmem>>, %arg10: memref<640x48xf32, #tpu.memory_space<vmem>>) attributes {dimension_semantics = [#tpu.dimension_semantics<arbitrary>], iteration_bounds = array<i64: 16>, scalar_prefetch = 0 : i64, scratch_operands = 0 : i64, tpu.core_type = #tpu.core_type<tc>, window_params = [{transform_indices = @transform_0, window_bounds = array<i64: 640, 128>}, {pipeline_mode = #tpu.pipeline_mode<synchronous>, transform_indices = @transform_1, window_bounds = array<i64: 128, 48>}, {pipeline_mode = #tpu.pipeline_mode<synchronous>, transform_indices = @transform_2, window_bounds = array<i64: 1, 48>}, {pipeline_mode = #tpu.pipeline_mode<synchronous>, transform_indices = @transform_3, window_bounds = array<i64: 128, 48>}, {pipeline_mode = #tpu.pipeline_mode<synchronous>, transform_indices = @transform_4, window_bounds = array<i64: 1, 48>}, {pipeline_mode = #tpu.pipeline_mode<synchronous>, transform_indices = @transform_5, window_bounds = array<i64: 128, 48>}, {pipeline_mode = #tpu.pipeline_mode<synchronous>, transform_indices = @transform_6, window_bounds = array<i64: 1, 48>}, {transform_indices = @transform_7, window_bounds = array<i64: 640, 48>}, {transform_indices = @transform_8, window_bounds = array<i64: 640, 48>}, {transform_indices = @transform_9, window_bounds = array<i64: 640, 48>}]} {
    %get3A = arith.constant 0 : index
    %get3A_0 = arith.constant 0 : index
    %get3A_1 = vector.load %arg1[%get3A, %get3A_0] : memref<640x128xf32, #tpu.memory_space<vmem>>, vector<640x128xf32>
    %mul3A = arith.constant 640 : i32
    %mul3A_2 = arith.muli %arg0, %mul3A : i32
    %iota3A = tpu.iota {dimensions = array<i32: 0>} : vector<640x1xi32>
    %add3A = vector.broadcast %mul3A_2 : i32 to vector<640x1xi32>
    %add3A_3 = arith.addi %add3A, %iota3A : vector<640x1xi32>
    %lt3A = arith.constant 10000 : i32
    %lt3A_4 = vector.broadcast %lt3A : i32 to vector<640x1xi32>
    %lt3A_5 = arith.cmpi slt, %add3A_3, %lt3A_4 : vector<640x1xi32>
    %convert_element_type3A = arith.extui %lt3A_5 : vector<640x1xi1> to vector<640x1xi32>
    %convert_element_type3A_6 = arith.sitofp %convert_element_type3A : vector<640x1xi32> to vector<640x1xf32>
    %get3A_7 = arith.constant 0 : index
    %get3A_8 = arith.constant 0 : index
    %get3A_9 = vector.load %arg2[%get3A_7, %get3A_8] : memref<128x48xf32, #tpu.memory_space<vmem>>, vector<128x48xf32>
    %dot_general3A = arith.constant dense<0.000000e+00> : vector<640x48xf32>
    %dot_general3A_10 = tpu.matmul %get3A_1, %get3A_9, %dot_general3A {dimension_numbers = #tpu.dot_dimension_numbers<[1], [0], [0], [1], [0, 0, 1, 1], [], []>, transpose_lhs_hint = false} : vector<640x128xf32>, vector<128x48xf32>, vector<640x48xf32> -> vector<640x48xf32>
    %get3A_11 = arith.constant 0 : index
    %get3A_12 = arith.constant 0 : index
    %get3A_13 = vector.load %arg3[%get3A_11, %get3A_12] : memref<1x48xf32, #tpu.memory_space<vmem>>, vector<1x48xf32>
    %add3A_14 = vector.broadcast %get3A_13 : vector<1x48xf32> to vector<640x48xf32>
    %add3A_15 = arith.addf %dot_general3A_10, %add3A_14 : vector<640x48xf32>
    %mul3A_16 = vector.broadcast %convert_element_type3A_6 : vector<640x1xf32> to vector<640x48xf32>
    %mul3A_17 = arith.mulf %add3A_15, %mul3A_16 : vector<640x48xf32>
    %swap3A = arith.constant 0 : index
    %swap3A_18 = arith.constant 0 : index
    %swap3A_19 = vector.load %arg8[%swap3A, %swap3A_18] : memref<640x48xf32, #tpu.memory_space<vmem>>, vector<640x48xf32>
    tpu.vector_store %arg8[%swap3A, %swap3A_18], %mul3A_17 {strides = array<i32>} : memref<640x48xf32, #tpu.memory_space<vmem>>, vector<640x48xf32>,
    %get3A_20 = arith.constant 0 : index
    %get3A_21 = arith.constant 0 : index
    %get3A_22 = vector.load %arg4[%get3A_20, %get3A_21] : memref<128x48xf32, #tpu.memory_space<vmem>>, vector<128x48xf32>
    %dot_general3A_23 = arith.constant dense<0.000000e+00> : vector<640x48xf32>
    %dot_general3A_24 = tpu.matmul %get3A_1, %get3A_22, %dot_general3A_23 {dimension_numbers = #tpu.dot_dimension_numbers<[1], [0], [0], [1], [0, 0, 1, 1], [], []>, transpose_lhs_hint = false} : vector<640x128xf32>, vector<128x48xf32>, vector<640x48xf32> -> vector<640x48xf32>
    %get3A_25 = arith.constant 0 : index
    %get3A_26 = arith.constant 0 : index
    %get3A_27 = vector.load %arg5[%get3A_25, %get3A_26] : memref<1x48xf32, #tpu.memory_space<vmem>>, vector<1x48xf32>
    %add3A_28 = vector.broadcast %get3A_27 : vector<1x48xf32> to vector<640x48xf32>
    %add3A_29 = arith.addf %dot_general3A_24, %add3A_28 : vector<640x48xf32>
    %mul3A_30 = vector.broadcast %convert_element_type3A_6 : vector<640x1xf32> to vector<640x48xf32>
    %mul3A_31 = arith.mulf %add3A_29, %mul3A_30 : vector<640x48xf32>
    %swap3A_32 = arith.constant 0 : index
    %swap3A_33 = arith.constant 0 : index
    %swap3A_34 = vector.load %arg9[%swap3A_32, %swap3A_33] : memref<640x48xf32, #tpu.memory_space<vmem>>, vector<640x48xf32>
    tpu.vector_store %arg9[%swap3A_32, %swap3A_33], %mul3A_31 {strides = array<i32>} : memref<640x48xf32, #tpu.memory_space<vmem>>, vector<640x48xf32>,
    %get3A_35 = arith.constant 0 : index
    %get3A_36 = arith.constant 0 : index
    %get3A_37 = vector.load %arg6[%get3A_35, %get3A_36] : memref<128x48xf32, #tpu.memory_space<vmem>>, vector<128x48xf32>
    %dot_general3A_38 = arith.constant dense<0.000000e+00> : vector<640x48xf32>
    %dot_general3A_39 = tpu.matmul %get3A_1, %get3A_37, %dot_general3A_38 {dimension_numbers = #tpu.dot_dimension_numbers<[1], [0], [0], [1], [0, 0, 1, 1], [], []>, transpose_lhs_hint = false} : vector<640x128xf32>, vector<128x48xf32>, vector<640x48xf32> -> vector<640x48xf32>
    %get3A_40 = arith.constant 0 : index
    %get3A_41 = arith.constant 0 : index
    %get3A_42 = vector.load %arg7[%get3A_40, %get3A_41] : memref<1x48xf32, #tpu.memory_space<vmem>>, vector<1x48xf32>
    %add3A_43 = vector.broadcast %get3A_42 : vector<1x48xf32> to vector<640x48xf32>
    %add3A_44 = arith.addf %dot_general3A_39, %add3A_43 : vector<640x48xf32>
    %swap3A_45 = arith.constant 0 : index
    %swap3A_46 = arith.constant 0 : index
    %swap3A_47 = vector.load %arg10[%swap3A_45, %swap3A_46] : memref<640x48xf32, #tpu.memory_space<vmem>>, vector<640x48xf32>
    tpu.vector_store %arg10[%swap3A_45, %swap3A_46], %add3A_44 {strides = array<i32>} : memref<640x48xf32, #tpu.memory_space<vmem>>, vector<640x48xf32>,
    return
  }
  func.func @transform_0(%arg0: i32) -> (i32, i32) {
    %c0_i32 = arith.constant 0 : i32
    %c0_i32_0 = arith.constant 0 : i32
    return %arg0, %c0_i32 : i32, i32
  }
  func.func @transform_1(%arg0: i32) -> (i32, i32) {
    %c0_i32 = arith.constant 0 : i32
    %c0_i32_0 = arith.constant 0 : i32
    %c0_i32_1 = arith.constant 0 : i32
    return %c0_i32, %c0_i32_0 : i32, i32
  }
  func.func @transform_2(%arg0: i32) -> (i32, i32) {
    %c0_i32 = arith.constant 0 : i32
    %c0_i32_0 = arith.constant 0 : i32
    %c0_i32_1 = arith.constant 0 : i32
    return %c0_i32, %c0_i32_0 : i32, i32
  }
  func.func @transform_3(%arg0: i32) -> (i32, i32) {
    %c0_i32 = arith.constant 0 : i32
    %c0_i32_0 = arith.constant 0 : i32
    %c0_i32_1 = arith.constant 0 : i32
    return %c0_i32, %c0_i32_0 : i32, i32
  }
  func.func @transform_4(%arg0: i32) -> (i32, i32) {
    %c0_i32 = arith.constant 0 : i32
    %c0_i32_0 = arith.constant 0 : i32
    %c0_i32_1 = arith.constant 0 : i32
    return %c0_i32, %c0_i32_0 : i32, i32
  }
  func.func @transform_5(%arg0: i32) -> (i32, i32) {
    %c0_i32 = arith.constant 0 : i32
    %c0_i32_0 = arith.constant 0 : i32
    %c0_i32_1 = arith.constant 0 : i32
    return %c0_i32, %c0_i32_0 : i32, i32
  }
  func.func @transform_6(%arg0: i32) -> (i32, i32) {
    %c0_i32 = arith.constant 0 : i32
    %c0_i32_0 = arith.constant 0 : i32
    %c0_i32_1 = arith.constant 0 : i32
    return %c0_i32, %c0_i32_0 : i32, i32
  }
  func.func @transform_7(%arg0: i32) -> (i32, i32) {
    %c0_i32 = arith.constant 0 : i32
    %c0_i32_0 = arith.constant 0 : i32
    return %arg0, %c0_i32 : i32, i32
  }
  func.func @transform_8(%arg0: i32) -> (i32, i32) {
    %c0_i32 = arith.constant 0 : i32
    %c0_i32_0 = arith.constant 0 : i32
    return %arg0, %c0_i32 : i32, i32
  }
  func.func @transform_9(%arg0: i32) -> (i32, i32) {
    %c0_i32 = arith.constant 0 : i32
    %c0_i32_0 = arith.constant 0 : i32
    return %arg0, %c0_i32 : i32, i32
  }
}

module attributes {stable_mosaic.version = 14 : i64} {
  func.func @_combine_body(%arg0: i32, %arg1: memref<640x48xf32, #tpu.memory_space<vmem>>, %arg2: memref<640x48xf32, #tpu.memory_space<vmem>>, %arg3: memref<640x1xf32, #tpu.memory_space<vmem>>, %arg4: memref<640x1xf32, #tpu.memory_space<vmem>>, %arg5: memref<1x48xf32, #tpu.memory_space<vmem>>, %arg6: memref<640x48xf32, #tpu.memory_space<vmem>>) attributes {dimension_semantics = [#tpu.dimension_semantics<arbitrary>], iteration_bounds = array<i64: 16>, scalar_prefetch = 0 : i64, scratch_operands = 0 : i64, tpu.core_type = #tpu.core_type<tc>, window_params = [{transform_indices = @transform_0, window_bounds = array<i64: 640, 48>}, {transform_indices = @transform_1, window_bounds = array<i64: 640, 48>}, {transform_indices = @transform_2, window_bounds = array<i64: 640, 1>}, {transform_indices = @transform_3, window_bounds = array<i64: 640, 1>}, {pipeline_mode = #tpu.pipeline_mode<synchronous>, transform_indices = @transform_4, window_bounds = array<i64: 1, 48>}, {transform_indices = @transform_5, window_bounds = array<i64: 640, 48>}]} {
    %get3A = arith.constant 0 : index
    %get3A_0 = arith.constant 0 : index
    %get3A_1 = vector.load %arg3[%get3A, %get3A_0] : memref<640x1xf32, #tpu.memory_space<vmem>>, vector<640x1xf32>
    %get3A_2 = arith.constant 0 : index
    %get3A_3 = arith.constant 0 : index
    %get3A_4 = vector.load %arg4[%get3A_2, %get3A_3] : memref<640x1xf32, #tpu.memory_space<vmem>>, vector<640x1xf32>
    %add3A = arith.addf %get3A_1, %get3A_4 : vector<640x1xf32>
    %add3A_5 = arith.constant 1.000000e-16 : f32
    %add3A_6 = vector.broadcast %add3A_5 : f32 to vector<640x1xf32>
    %add3A_7 = arith.addf %add3A, %add3A_6 : vector<640x1xf32>
    %get3A_8 = arith.constant 0 : index
    %get3A_9 = arith.constant 0 : index
    %get3A_10 = vector.load %arg1[%get3A_8, %get3A_9] : memref<640x48xf32, #tpu.memory_space<vmem>>, vector<640x48xf32>
    %get3A_11 = arith.constant 0 : index
    %get3A_12 = arith.constant 0 : index
    %get3A_13 = vector.load %arg2[%get3A_11, %get3A_12] : memref<640x48xf32, #tpu.memory_space<vmem>>, vector<640x48xf32>
    %add3A_14 = arith.addf %get3A_10, %get3A_13 : vector<640x48xf32>
    %div3A = vector.broadcast %add3A_7 : vector<640x1xf32> to vector<640x48xf32>
    %div3A_15 = arith.divf %add3A_14, %div3A : vector<640x48xf32>
    %get3A_16 = arith.constant 0 : index
    %get3A_17 = arith.constant 0 : index
    %get3A_18 = vector.load %arg5[%get3A_16, %get3A_17] : memref<1x48xf32, #tpu.memory_space<vmem>>, vector<1x48xf32>
    %add3A_19 = vector.broadcast %get3A_18 : vector<1x48xf32> to vector<640x48xf32>
    %add3A_20 = arith.addf %div3A_15, %add3A_19 : vector<640x48xf32>
    %swap3A = arith.constant 0 : index
    %swap3A_21 = arith.constant 0 : index
    %swap3A_22 = vector.load %arg6[%swap3A, %swap3A_21] : memref<640x48xf32, #tpu.memory_space<vmem>>, vector<640x48xf32>
    tpu.vector_store %arg6[%swap3A, %swap3A_21], %add3A_20 {strides = array<i32>} : memref<640x48xf32, #tpu.memory_space<vmem>>, vector<640x48xf32>,
    return
  }
  func.func @transform_0(%arg0: i32) -> (i32, i32) {
    %c0_i32 = arith.constant 0 : i32
    %c0_i32_0 = arith.constant 0 : i32
    return %arg0, %c0_i32 : i32, i32
  }
  func.func @transform_1(%arg0: i32) -> (i32, i32) {
    %c0_i32 = arith.constant 0 : i32
    %c0_i32_0 = arith.constant 0 : i32
    return %arg0, %c0_i32 : i32, i32
  }
  func.func @transform_2(%arg0: i32) -> (i32, i32) {
    %c0_i32 = arith.constant 0 : i32
    %c0_i32_0 = arith.constant 0 : i32
    return %arg0, %c0_i32 : i32, i32
  }
  func.func @transform_3(%arg0: i32) -> (i32, i32) {
    %c0_i32 = arith.constant 0 : i32
    %c0_i32_0 = arith.constant 0 : i32
    return %arg0, %c0_i32 : i32, i32
  }
  func.func @transform_4(%arg0: i32) -> (i32, i32) {
    %c0_i32 = arith.constant 0 : i32
    %c0_i32_0 = arith.constant 0 : i32
    %c0_i32_1 = arith.constant 0 : i32
    return %c0_i32, %c0_i32_0 : i32, i32
  }
  func.func @transform_5(%arg0: i32) -> (i32, i32) {
    %c0_i32 = arith.constant 0 : i32
    %c0_i32_0 = arith.constant 0 : i32
    return %arg0, %c0_i32 : i32, i32
  }
}

</mosaic_0001>

<sc_bundles>
// kernel: kernel.5.cloned.1.call-start
scs
__scs_entry_jumppad:
0x0: {  	(pc) =	sbr.rel $0x88, $3  }
0x1: {  	(tag) =	ssettag $0x0;
	lr =	simm.s32 $0x1  }
0x2: {  	[smem:$0x3F97] =	sst lr;
	_ =	strace $0xD0000000  }
0x3: {  	_ = 	snop  }
0x4: {  	_ = 	snop  }
0x5: {  	_ = 	snop  }
0x6: {  	_ = 	snop  }
0x7: {  	_ = 	snop  }
__scs_overlays_trampoline_lowered:
0x8: {  	[smem:$0x3FA6] =	sst s0  }
0x9: {  	[smem:$0x3FA7] =	sst s1  }
0xa: {  	[smem:$0x3FA8] =	sst s2  }
0xb: {  	[smem:$0x3FA9] =	sst s3  }
0xc: {  	[smem:$0x3FAA] =	sst s4  }
0xd: {  	[smem:$0x3FAB] =	sst s5  }
0xe: {  	[smem:$0x3FAC] =	sst s6  }
0xf: {  	[smem:$0x3FAD] =	sst s7  }
0x10: {  	[smem:$0x3FAE] =	sst s8  }
0x11: {  	[smem:$0x3FAF] =	sst s9;
	s0 =	simm.s32 @!p0 $0x0  }
0x12: {  	s1 =	sld [smem:$0x3F95];
	s0 =	simm.s32 @p0 $0x1  }
0x13: {  	[smem:$0x3FB0] =	sst s0;
	s0 =	simm.s32 @!p1 $0x0  }
0x14: {  	s2 =	sld [smem:$0x3F94];
	s0 =	simm.s32 @p1 $0x1  }
0x15: {  	[smem:$0x3FB1] =	sst s0;
	s0 =	simm.s32 @!p2 $0x0  }
0x16: {  	s3 =	sld [smem:$0x3FDB];
	s0 =	simm.s32 @p2 $0x1  }
0x17: {  	s4 =	simm.s32 $0x1BF5;
	[smem:$0x3FB3] =	sst s0  }
0x18: {  	s0 =	sld [smem:$0x3F96];
	_ =	swait.ge [sflag:s4], $0x0  }
0x19: {  	s7 =	sld [smem:$0x3F97]  }
0x1a: {  	s8 =	sadd.s32 $0xFFFFE003, lr  }
0x1b: {  	s9 =	sadd.s32 $0xFFFFFEF7, lr;
	s5 =	simm.s32 $0xFFFFFFFF;
	p2 =	slt.u32 s8, $0xFFFFF086  }
0x1c: {  	p1 =	slt.u32 s9, $0xF7A;
	s5 =	simm.s32 @!p2 $0x0  }
0x1d: {  	s5 =	simm.s32 @p1 $0x1;
	p0 =	seq.s32 s7, s2  }
0x1e: {  	s7 =	smul.u32 @!p0 $0xF7A, s2;
	p2 =	seq.s32 @!p0 s5, $0x0  }
0x1f: {  	s9 =	smul.u32 $0xF7A, s1;
	s8 =	simm.s32 @!p0 $0x1BF5;
	p2 =	por !p2, p0  }
0x20: {  	[sflag:s8] =	ssyncset.s32 @!p0 $0xFFFFF086;
	s6 =	sadd.s32 @!p0 s3, s7;
	s7 =	simm.s32 @!p0 $0x108  }
0x21: {  	s3 =	sadd.s32 s3, s9;
	s6 =	sadd.s32 @!p0 $0x88, s6;
	s7 =	simm.s32 @p2 $0x1082  }
0x22: {  	[simem:s7], [sflag:s8] =	dma.local @!p0 [hbm:s6], $0xF7A  }
0x23: {  	s9 =	sor.u32 $0xD0000000, s2;
	s6 =	simm.s32 $0x108;
	_ =	swait.ge @!p0 [sflag:s8], $0x0  }
0x24: {  	s3 =	sadd.s32 $0x88, s3;
	s6 =	simm.s32 @!p1 $0x1082;
	[sflag:s4] =	ssyncset.s32 $0xFFFFF086  }
0x25: {  	[simem:s6], [sflag:s4] =	dma.local [hbm:s3], $0xF7A  }
0x26: {  	[smem:$0x3F97] =	sst s1;
	(tag) =	ssettag s2;
	_ =	strace s9  }
0x27: {  	s1 =	sld [smem:$0x3FA7]  }
0x28: {  	s2 =	sld [smem:$0x3FA8]  }
0x29: {  	s4 =	sld [smem:$0x3FAA]  }
0x2a: {  	p0 =	seq.s32 s5, $0x0;
	s5 =	sld [smem:$0x3FAB]  }
0x2b: {  	s6 =	sld [smem:$0x3FAC]  }
0x2c: {  	s7 =	sld [smem:$0x3FAD]  }
0x2d: {  	s3 =	simm.s32 $0x108;
	s8 =	sld [smem:$0x3FAE]  }
0x2e: {  	s3 =	simm.s32 @!p0 $0x1082;
	s9 =	sld [smem:$0x3FAF]  }
0x2f: {  	lr =	sadd.s32 s0, s3;
	s0 =	sld [smem:$0x3FA6]  }
0x30: {  	s3 =	sld [smem:$0x3FA9]  }
0x31: {  	[smem:$0x3FB2] =	sst s10  }
0x32: {  	s10 =	sld [smem:$0x3FB0];
	_ =	sdelay $0x3  }
0x33: {  	p0 =	seq.s32 s10, $0x1;
	s10 =	sld [smem:$0x3FB2];
	_ =	sdelay $0x3  }
0x34: {  	[smem:$0x3FB2] =	sst s10  }
0x35: {  	s10 =	sld [smem:$0x3FB1];
	_ =	sdelay $0x3  }
0x36: {  	p1 =	seq.s32 s10, $0x1;
	s10 =	sld [smem:$0x3FB2];
	_ =	sdelay $0x3  }
0x37: {  	[smem:$0x3FB2] =	sst s10  }
0x38: {  	s10 =	sld [smem:$0x3FB3]  }
0x39: {  	_ = 	snop;
	(pc) =	sbr.ind lr, $3  }
0x3a: {  	_ = 	snop  }
0x3b: {  	_ = 	snop  }
0x3c: {  	p2 =	seq.s32 s10, $0x1;
	s10 =	sld [smem:$0x3FB2]  }
0x3d: {  	_ =	shalt  }
0x3e: {  	_ =	shalt  }
0x3f: {  	_ =	shalt  }
0x40: {  	_ =	shalt  }
0x41: {  	_ =	shalt  }
0x42: {  	_ =	shalt  }
0x43: {  	_ =	shalt  }
0x44: {  	_ =	shalt  }
0x45: {  	_ =	shalt  }
0x46: {  	_ =	shalt  }
0x47: {  	_ =	shalt  }
0x48: {  	_ =	shalt  }
0x49: {  	_ =	shalt  }
0x4a: {  	_ =	shalt  }
0x4b: {  	_ =	shalt  }
0x4c: {  	_ =	shalt  }
0x4d: {  	_ =	shalt  }
0x4e: {  	_ =	shalt  }
0x4f: {  	_ =	shalt  }
0x50: {  	_ =	shalt  }
0x51: {  	_ =	shalt  }
0x52: {  	_ =	shalt  }
0x53: {  	_ =	shalt  }
0x54: {  	_ =	shalt  }
0x55: {  	_ =	shalt  }
0x56: {  	_ =	shalt  }
0x57: {  	_ =	shalt  }
0x58: {  	_ =	shalt  }
0x59: {  	_ =	shalt  }
0x5a: {  	_ =	shalt  }
0x5b: {  	_ =	shalt  }
0x5c: {  	_ =	shalt  }
0x5d: {  	_ =	shalt  }
0x5e: {  	_ =	shalt  }
0x5f: {  	_ =	shalt  }
0x60: {  	_ =	shalt  }
0x61: {  	_ =	shalt  }
0x62: {  	_ =	shalt  }
0x63: {  	_ =	shalt  }
0x64: {  	_ =	shalt  }
0x65: {  	_ =	shalt  }
0x66: {  	_ =	shalt  }
0x67: {  	_ =	shalt  }
0x68: {  	_ =	shalt  }
0x69: {  	_ =	shalt  }
0x6a: {  	_ =	shalt  }
0x6b: {  	_ =	shalt  }
0x6c: {  	_ =	shalt  }
0x6d: {  	_ =	shalt  }
0x6e: {  	_ =	shalt  }
0x6f: {  	_ =	shalt  }
0x70: {  	_ =	shalt  }
0x71: {  	_ =	shalt  }
0x72: {  	_ =	shalt  }
0x73: {  	_ =	shalt  }
0x74: {  	_ =	shalt  }
0x75: {  	_ =	shalt  }
0x76: {  	_ =	shalt  }
0x77: {  	_ =	shalt  }
0x78: {  	_ =	shalt  }
0x79: {  	_ =	shalt  }
0x7a: {  	_ =	shalt  }
0x7b: {  	_ =	shalt  }
0x7c: {  	_ =	shalt  }
0x7d: {  	_ =	shalt  }
0x7e: {  	_ =	shalt  }
0x7f: {  	_ =	shalt  }
0x80: {  	_ =	shalt  }
0x81: {  	_ =	shalt  }
0x82: {  	_ =	shalt  }
0x83: {  	_ =	shalt  }
0x84: {  	_ =	shalt  }
0x85: {  	_ =	shalt  }
0x86: {  	_ =	shalt  }
0x87: {  	_ =	shalt  }
.Lfunc_end0:
.L_simem_size_0:
called_computation_lowered:
.L_overlay_start_0:
0x88: {  	s2 =	sld [smem:$0x3FD9]  }
0x89: {  	s3 =	sld [smem:$0x3FFE];
	_ =	sdelay $0x1  }
0x8a: {  	s1 =	srdreg.scid  }
0x8b: {  	s0 =	sand.u32 $0x1, s1  }
0x8c: {  	s14 =	sshll.u32 s0, $0xA;
	s2 =	sadd.s32 s3, s2  }
0x8d: {  	s2 =	sadd.s32 s2, s14  }
0x8e: {  	[smem:$0x3FBE] =	sst s2  }
0x8f: {  	_ = 	snop  }
0x90: {  	s2 =	sld [smem:$0x3FD0];
	_ =	sdelay $0x2  }
0x91: {  	s15 =	simm.s32 $0xA;
	s4 =	simm.s32 $0x10  }
0x92: {  	[smem:s4], [sflag:s15] =	dma.local [hbm:s2], $0x1  }
0x93: {  	_ =	swait.eq [sflag:s15], $0x1  }
0x94: {  	[sflag:s15] =	ssyncset.done $0x0  }
0x95: {  	s16 =	sld [smem:$0x10];
	[sflag:s15] =	ssyncadd.s32 $0xFFFFFFFF  }
0x96: {  	s17 =	sld [smem:$0x12];
	(tm) =	ssettm $0x1  }
0x97: {  	s18 =	sld [smem:$0x3FFB];
	_ =	sdelay $0x3  }
0x98: {  	_ =	strace s18  }
0x99: {  	s4 =	sld [smem:$0x3FFC];
	_ =	sdelay $0x3  }
0x9a: {  	_ =	strace s4  }
0x9b: {  	s4 =	sld [smem:$0x3FFD];
	_ =	sdelay $0x3  }
0x9c: {  	_ =	strace s4  }
0x9d: {  	_ =	strace $0x8FFFFFFF  }
0x9e: {  	s19 =	sld [smem:$0x3FDB];
	_ =	sdelay $0x1  }
0x9f: {  	s5 =	simm.s32 $_scs_section_size  }
0xa0: {  	s6 =	simm.s32 $_size__tile_overlayer_lowered;
	s7 =	simm.s32 $_tile_overlayer_lowered  }
0xa1: {  	s22 =	simm.s32 $0x1BFF;
	s21 =	sshll.u32 s7, $0x1;
	s4 =	sadd.s32 s5, s19  }
0xa2: {  	s8 =	simm.s32 $0x0;
	s20 =	sshll.u32 s6, $0x1;
	s6 =	sadd.s32 s21, s4  }
0xa3: {  	[timem:s8], [sflag:s22] =	dma.local [hbm:s6], s20  }
0xa4: {  	_ =	swait.ge [sflag:s22], s20  }
0xa5: {  	s5 =	ssub.s32 $0x0, s20;
	[sflag:s22] =	ssyncset.done $0x0  }
0xa6: {  	[sflag:s22] =	ssyncadd.s32 s5;
	_ =	sdelay $0x1  }
0xa7: {  	s23 =	simm.s32 $0x1B8B  }
0xa8: {  	_ =	swait.ge [sflag:s23], $0x1  }
0xa9: {  	[sflag:s23] =	ssyncset.done $0x0  }
0xaa: {  	s25 =	simm.s32 $0x1B8E;
	s24 =	sld [smem:$0x3FFE];
	[sflag:s23] =	ssyncadd.s32 $0xFFFFFFFF  }
0xab: {  	s26 =	simm.s32 $execute0_lowered;
	[smem:$0x3FD2] =	sst s25  }
0xac: {  	s6 =	sshll.u32 s26, $0x1;
	_ =	strace $0x80000046;
	[dreg:$0x1] =	wrdreg $0xFFFFFFFF  }
0xad: {  	s28 =	simm.s32 $_size_execute0_lowered;
	s4 =	sadd.s32 s4, s6;
	[dreg:$0x0] =	wrdreg $0x0  }
0xae: {  	s6 =	sshll.u32 s28, $0x1;
	[dreg:$0x2] =	wrdreg s4  }
0xaf: {  	[dreg:$0x3] =	wrdreg s6  }
0xb0: {  	[dreg:$0x4] =	wrdreg $0xC0  }
0xb1: {  	_ =	task [dreg:s8], $0x5FFFF  }
0xb2: {  	[dreg:$0x1] =	wrdreg $0xFFFFFFFF  }
0xb3: {  	[dreg:$0x0] =	wrdreg $0x60  }
0xb4: {  	[dreg:$0x2] =	wrdreg s16  }
0xb5: {  	[dreg:$0x3] =	wrdreg s24  }
0xb6: {  	[dreg:$0x4] =	wrdreg s17  }
0xb7: {  	[dreg:$0x5] =	wrdreg $0xFD000  }
0xb8: {  	[dreg:$0x6] =	wrdreg $0x9  }
0xb9: {  	_ =	task.clear_ibuf [dreg:s8], $0x7FFFF;
	_ =	strace $0x90000046  }
0xba: {  	s29 =	simm.s32 $0x9;
	_ =	strace $0x80000048  }
0xbb: {  	_ =	swait.ge [sflag:s29], $0x1  }
0xbc: {  	[sflag:s29] =	ssyncadd.s32 $0xFFFFFFFF  }
0xbd: {  	_ =	strace $0x90000048  }
0xbe: {  	_ =	sfence  }
0xbf: {  	s30 =	sld [smem:$0x0];
	_ =	sdelay $0x2  }
0xc0: {  	s31 =	sshll.u32 s1, $0xD;
	s1 =	sshrl.u32 s1, $0x2  }
0xc1: {  	s3 =	sand.u32 $0x4000, s31;
	s1 =	sadd.s32 s1, s30  }
0xc2: {  	s0 =	sor.u32 s3, s0;
	s1 =	sshll.u32 s1, $0x11  }
0xc3: {  	s0 =	sor.u32 s1, s0  }
0xc4: {  	s0 =	sadd.s32 $0x8F2B, s0  }
0xc5: {  	[sflag:s0] =	ssyncadd.remote.s32 $0x1  }
0xc6: {  	_ =	sfence.sel $0xFFFF  }
0xc7: {  	[dreg:$0x0] =	wrdreg $0xFFFFFFFF;
	(pc) =	sbr.abs _section_cstart, $3  }
0xc8: {  	[dreg:$0x1] =	wrdreg $0xFFFFFFFF  }
0xc9: {  	_ =	task.clear_ibuf [dreg:s8], $0x2FFFF;
	_ =	strace $0x9FFFFFFF  }
0xca: {  	(tm) =	ssettm $0x7FFFFFFF  }
0xcb: {  	_ =	shalt  }
tec
execute0_lowered:
.L_overlay_start_1:
0x0: {  	(tag) =	ssettag $0x1  }
0x1: {  	s0 =	rddreg [dreg:$0x0]  }
0x2: {  	s1 =	rddreg [dreg:$0x1]  }
0x3: {  	s6 =	rddreg [dreg:$0x2];
	s3 =	srdreg.scid  }
0x4: {  	s13 =	stileid.u32;
	s2 =	rddreg [dreg:$0x3]  }
0x5: {  	s16 =	simm.s32 $0x5;
	s19 =	simm.s32 $0xE500;
	s28 =	simm.s32 $0x2  }
0x6: {  	s29 =	simm.s32 $0xCD00;
	s30 =	simm.s32 $0x3;
	s31 =	simm.s32 $0x4  }
0x7: {  	s8 =	sand.u32 $0x1, s3;
	s4 =	sshll.u32 s13, $0x1;
	s12 =	smul.u32 $0x1E000, s13  }
0x8: {  	s3 =	simm.s32 $0x0;
	s5 =	sadd.s32 $0x1C00, s1;
	s13 =	smul.u32 $0x7800, s13  }
0x9: {  	s4 =	sor.u32 s8, s4;
	[smem:$0x7FF] =	sst s3;
	s22 =	smul.u32 $0x78000, s8  }
0xa: {  	s10 =	ssub.s32 $0x2, s8;
	s8 =	simm.s32 $0x2C00;
	s7 =	smul.u32 $0x520, s4  }
0xb: {  	_ =	strace $0x80000047;
	s4 =	sadd.s32 $0x10C00, s1;
	s11 =	sshrl.u32 s10, $0x1  }
0xc: {  	s21 =	sshrl.u32 s12, $0x2;
	s20 =	ssub.s32 s10, s11;
	s14 =	sadd.s32 s13, s22  }
0xd: {  	s22 =	simm.s32 $0x8500;
	s9 =	sadd.s32 s7, s1;
	s1 =	sadd.s32 $0x2A000, s1  }
0xe: {  	s0 =	sadd.s32 s0, s7;
	s26 =	sshrl.u32 s14, $0x3;
	s15 =	smax.u32 s20, $0x1  }
0xf: {  	s7 =	simm.s32 $0x300;
	s20 =	simm.s32 $0x80;
	[dreg:$0x5] =	wrdreg s1  }
0x10: {  	v6 =	vlaneseq.u32;
	[dreg:$0x6] =	wrdreg s0;
	s23 =	sadd.s32 $0x1FC00, s9;
	s9 =	sadd.s32 s13, s2  }
0x11: {  	v4 =	vmul.u32 $0x30, v6;
	s0 =	sadd.s32 s21, s2;
	s14 =	sadd.s32 s6, s26;
	s21 =	simm.s32 $0x5500  }
0x12: {  	s26 =	simm.s32 $0xB500;
	s1 =	simm.s32 $0x0;
	[dreg:$0x7] =	wrdreg s23  }
0x13: {  	v0 =	vimm.f32 $0.0e+00;
	v7 =	vadd.s32 $0xFFFFFFD8, v6;
	v8 =	vadd.s32 $0x300, v4;
	s24 =	sadd.s32 $0x1800, s0;
	s25 =	sadd.s32 $0x3000, s0;
	s12 =	sadd.s32 $0x4800, s0  }
0x14: {  	v9 =	vadd.s32 $0x600, v4;
	v10 =	vadd.s32 $0x900, v4;
	v62 =	vadd.s32 $0xF00, v4;
	s13 =	sadd.s32 $0x6000, s0;
	s23 =	simm.s32 $0x1;
	[dreg:$0x8] =	wrdreg s24  }
0x15: {  	v5 =	vor.u32 $0xC00, v4;
	v63 =	vadd.s32 $0x1200, v4;
	v61 =	vadd.s32 $0x1500, v4;
	[tilespmem:$0x1FFF0] =	vst v62;
	[dreg:$0x9] =	wrdreg s25;
	s24 =	simm.s32 $0x6D00;
	s25 =	simm.s32 $0x9D00  }
.LBB2_1:
0x16: {  	s0 =	rddreg [dreg:$0x5]  }
0x17: {  	[tilespmem:s3], [sflag:$0x5] =	stream.linear.gather [hbm4b:s0+s3], $0x80, $0x38;
	[tilespmem:$0x17500] =	vst v63  }
0x18: {  	_ =	swait.ge [sflag:s16], $0x80  }
0x19: {  	[sflag:s16] =	ssyncset.done $0x0  }
0x1a: {  	s17 =	rddreg [dreg:$0x6];
	[sflag:s16] =	ssyncadd.s32 $0xFFFFFF80  }
0x1b: {  	[tilespmem:s7], [sflag:$0x5] =	stream.linear.gather [hbm4b:s17+s3], $0x2900, $0x38;
	[tilespmem:$0x17500] =	vst v63  }
0x1c: {  	_ =	swait.ge [sflag:s16], $0x2900  }
0x1d: {  	[sflag:s16] =	ssyncset.done $0x0  }
0x1e: {  	s18 =	rddreg [dreg:$0x7];
	[sflag:s16] =	ssyncadd.s32 $0xFFFFD700  }
0x1f: {  	[tilespmem:s8], [sflag:$0x5] =	stream.linear.gather [hbm4b:s18+s3], $0x2900, $0x38;
	[tilespmem:$0x17500] =	vst v63  }
0x20: {  	_ =	swait.ge [sflag:s16], $0x2900  }
0x21: {  	[sflag:s16] =	ssyncset.done $0x0  }
0x22: {  	s6 =	simm.s32 $0xC0;
	s0 =	simm.s32 $0x0;
	[sflag:s16] =	ssyncadd.s32 $0xFFFFD700  }
.LBB2_2:
0x23: {  	p0 =	sne.s32 s6, $0x5F40;
	[tilespmem:s0+$0xCD20] =	vst v0  }
0x24: {  	[tilespmem:s0+$0xE500] =	vst v0  }
0x25: {  	[tilespmem:s0+$0xB500] =	vst v0  }
0x26: {  	[tilespmem:s0+$0xCD00] =	vst v0  }
.Ltmp0:
0x27: {  	[tilespmem:s0+$0xE510] =	vst v0;
	(pc) =	sbr.rel @p0 .LBB2_2-.Ltmp0, $4  }
0x28: {  	[tilespmem:s0+$0xB510] =	vst v0  }
0x29: {  	[tilespmem:s0+$0xCD10] =	vst v0  }
0x2a: {  	[tilespmem:s0+$0xE520] =	vst v0  }
0x2b: {  	[tilespmem:s0+$0xB520] =	vst v0;
	s0 =	sshra.s32 s6, $0x2;
	s6 =	sadd.s32 $0xC0, s6  }
0x2c: {  	[tilespmem:s0+$0xCD20] =	vst v0  }
0x2d: {  	[tilespmem:s0+$0xE500] =	vst v0  }
0x2e: {  	[tilespmem:s0+$0xB500] =	vst v0  }
0x2f: {  	[tilespmem:s0+$0xCD00] =	vst v0  }
0x30: {  	[tilespmem:s0+$0xE510] =	vst v0  }
0x31: {  	[tilespmem:s0+$0xB510] =	vst v0  }
0x32: {  	[tilespmem:s0+$0xCD10] =	vst v0  }
0x33: {  	[tilespmem:s0+$0xE520] =	vst v0  }
0x34: {  	[tilespmem:s0+$0xB520] =	vst v0  }
0x35: {  	[spmem:s9] =	stream.linear.scatter [tilespmem:s19], [sflag:$0x5], $0x1800, $0x38;
	[tilespmem:$0x17500] =	vst v63  }
0x36: {  	_ =	swait.ge [sflag:s16], $0x1800  }
0x37: {  	[sflag:s16] =	ssyncset.done $0x0  }
0x38: {  	s10 =	rddreg [dreg:$0x8];
	[sflag:s16] =	ssyncadd.s32 $0xFFFFE800  }
0x39: {  	[spmem:s10] =	stream.linear.scatter [tilespmem:s19], [sflag:$0x5], $0x1800, $0x38;
	[tilespmem:$0x17500] =	vst v63  }
0x3a: {  	_ =	swait.ge [sflag:s16], $0x1800  }
0x3b: {  	[sflag:s16] =	ssyncset.done $0x0  }
0x3c: {  	s11 =	rddreg [dreg:$0x9];
	[sflag:s16] =	ssyncadd.s32 $0xFFFFE800  }
0x3d: {  	[spmem:s11] =	stream.linear.scatter [tilespmem:s19], [sflag:$0x5], $0x1800, $0x38;
	[tilespmem:$0x17500] =	vst v63  }
0x3e: {  	_ =	swait.ge [sflag:s16], $0x1800  }
0x3f: {  	[sflag:s16] =	ssyncset.done $0x0  }
0x40: {  	[sflag:s16] =	ssyncadd.s32 $0xFFFFE800  }
0x41: {  	[spmem:s12] =	stream.linear.scatter [tilespmem:s19], [sflag:$0x5], $0x1800, $0x38;
	[tilespmem:$0x17500] =	vst v63  }
0x42: {  	s17 =	simm.s32 $0x0;
	_ =	swait.ge [sflag:s16], $0x1800  }
0x43: {  	v11 =	vadd.s32 s17, v6;
	[sflag:s16] =	ssyncset.done $0x0  }
0x44: {  	v12 =	vadd.s32 s17, v7;
	vm0 =	vgt.u32 v11, $0x27;
	[sflag:s16] =	ssyncadd.s32 $0xFFFFE800  }
0x45: {  	v11 =	vsel vm0, v12, v11;
	[spmem:s13] =	stream.linear.scatter [tilespmem:s19], [sflag:$0x5], $0x1800, $0x38;
	[tilespmem:$0x17500] =	vst v63  }
0x46: {  	_ =	swait.ge [sflag:s16], $0x1800  }
0x47: {  	[sflag:s16] =	ssyncset.done $0x0  }
0x48: {  	s18 =	simm.s32 $0x1;
	[sflag:s16] =	ssyncadd.s32 $0xFFFFE800  }
0x49: {  	v12 =	vadd.s32 s18, v6;
	[bflag:$0x0] =	sbarrier.arrive $0xFFFF  }
0x4a: {  	v13 =	vadd.s32 s18, v7;
	vm15 =	vgt.u32 v12, $0x27;
	v11 =	vld.idx.msk [tilespmem:v11+s3+$0x0], $0xffff  }
0x4b: {  	v13 =	vsel vm15, v13, v12;
	_ =	sdelay $0x2  }
0x4c: {  	s0 =	simm.s32 $0x80  }
0x4d: {  	s6 =	simm.s32 $0x2;
	[tilespmem:s0+$0x0] =	vst v11  }
0x4e: {  	s17 =	simm.s32 $0x3;
	v12 =	vadd.s32 s6, v6;
	v11 =	vld.idx.msk [tilespmem:v13+s3+$0x0], $0xffff  }
.LBB2_4:
0x4f: {  	p0 =	sne.s32 s17, $0x27;
	vm0 =	vgt.u32 v12, $0x27;
	v13 =	vadd.s32 s6, v7;
	s6 =	smov.u32 s17  }
0x50: {  	v13 =	vsel vm0, v13, v12  }
.Ltmp1:
0x51: {  	(pc) =	sbr.rel @p0 .LBB2_4-.Ltmp1, $4  }
0x52: {  	_ = 	snop  }
0x53: {  	s0 =	sadd.s32 $0x10, s0  }
0x54: {  	[tilespmem:s0+$0x0] =	vst v11  }
0x55: {  	s17 =	sadd.s32 $0x1, s17;
	v12 =	vadd.s32 s6, v6;
	v11 =	vld.idx.msk [tilespmem:v13+s3+$0x0], $0xffff  }
0x56: {  	vm0 =	vgt.u32 v12, $0x27;
	v13 =	vadd.s32 s6, v7  }
0x57: {  	v12 =	vsel vm0, v13, v12;
	_ =	sdelay $0x2  }
0x58: {  	s0 =	sadd.s32 $0x10, s0  }
0x59: {  	[tilespmem:s0+$0x0] =	vst v11  }
0x5a: {  	v11 =	vld.idx.msk [tilespmem:v12+s3+$0x0], $0xffff;
	_ =	sdelay $0x3  }
0x5b: {  	s0 =	sadd.s32 $0x10, s0  }
0x5c: {  	[tilespmem:s0+$0x0] =	vst v11  }
0x5d: {  	[tilespmem:s21], [sflag:$0x1] =	stream.indirect.gather [hbm4b:s4+s20], $0x30, s7, s20, $0xb8;
	[tilespmem:$0x17500] =	vst v63  }
0x5e: {  	s0 =	simm.s32 $0x0  }
0x5f: {  	[tilespmem:s22], [sflag:$0x1] =	stream.indirect.gather [hbm4b:s5+s20], $0x30, s8, s20, $0xb8;
	[tilespmem:$0x17500] =	vst v63  }
.LBB2_6:
0x60: {  	_ =	swait.ge [sflag:s23], $0x1800  }
0x61: {  	[sflag:s23] =	ssyncset.done $0x0  }
0x62: {  	[sflag:s23] =	ssyncadd.s32 $0xFFFFE800  }
0x63: {  	s6 =	sshllo.u32 s0, $0x1;
	_ =	swait.ge [sflag:s23], $0x1800  }
0x64: {  	s17 =	sshll.u32 s6, $0x7;
	[sflag:s23] =	ssyncset.done $0x0  }
0x65: {  	s6 =	sadd.s32 $0x300, s17;
	[sflag:s23] =	ssyncadd.s32 $0xFFFFE800  }
0x66: {  	[tilespmem:s24], [sflag:$0x2] =	stream.indirect.gather [hbm4b:s4+s20], $0x30, s6, s20, $0xb8;
	[tilespmem:$0x17500] =	vst v63  }
0x67: {  	v11 =	vimm.f32 $0.0e+00;
	v12 =	vimm.f32 $0.0e+00;
	s18 =	sadd.s32 $0x2C00, s17  }
0x68: {  	v13 =	vimm.f32 $0.0e+00;
	v15 =	vimm.f32 $0.0e+00;
	v16 =	vimm.f32 $0.0e+00;
	[tilespmem:s25], [sflag:$0x2] =	stream.indirect.gather [hbm4b:s5+s20], $0x30, s18, s20, $0xb8;
	[tilespmem:$0x17500] =	vst v63  }
0x69: {  	v14 =	vimm.f32 $0.0e+00;
	v17 =	vimm.f32 $0.0e+00;
	v18 =	vimm.f32 $0.0e+00;
	s6 =	simm.s32 $0x0;
	s18 =	simm.s32 $0xC0  }
.LBB2_7:
0x6a: {  	v19 =	vadd.s32 s6, v6  }
0x6b: {  	v20 =	vadd.s32 s6, v7;
	vm0 =	vgt.u32 v19, $0x27  }
0x6c: {  	v19 =	vsel vm0, v20, v19  }
0x6d: {  	v20 =	vadd.s32 v4, v19;
	_ =	sdelay $0x1  }
0x6e: {  	v21 =	vadd.s32 v8, v19;
	_ =	sdelay $0x1  }
0x6f: {  	v23 =	vadd.s32 v9, v19  }
0x70: {  	v24 =	vld.idx.msk [tilespmem:v20+s21+$0x0], $0xffff  }
0x71: {  	v25 =	vadd.s32 v10, v19;
	v20 =	vld.idx.msk [tilespmem:v20+s22+$0x0], $0xffff  }
0x72: {  	v26 =	vld.idx.msk [tilespmem:v21+s21+$0x0], $0xffff  }
0x73: {  	v27 =	vadd.s32 v5, v19;
	v21 =	vld.idx.msk [tilespmem:v21+s22+$0x0], $0xffff  }
0x74: {  	v28 =	vld.idx.msk [tilespmem:v23+s21+$0x0], $0xffff  }
0x75: {  	v29 =	vadd.s32 v62, v19;
	v23 =	vld.idx.msk [tilespmem:v23+s22+$0x0], $0xffff  }
0x76: {  	v30 =	vld.idx.msk [tilespmem:v25+s21+$0x0], $0xffff  }
0x77: {  	s7 =	sadd.s32 $0x1, s6;
	v31 =	vadd.s32 v63, v19;
	v25 =	vld.idx.msk [tilespmem:v25+s22+$0x0], $0xffff  }
0x78: {  	v32 =	vadd.s32 s7, v6;
	v40 =	vld.idx.msk [tilespmem:v27+s21+$0x0], $0xffff  }
0x79: {  	v35 =	vadd.s32 s7, v7;
	vm9 =	vgt.u32 v32, $0x27;
	v19 =	vadd.s32 v61, v19;
	v27 =	vld.idx.msk [tilespmem:v27+s22+$0x0], $0xffff  }
0x7a: {  	v32 =	vsel vm9, v35, v32;
	v34 =	vld.idx.msk [tilespmem:v29+s21+$0x0], $0xffff  }
0x7b: {  	v36 =	vadd.s32 v8, v32;
	v29 =	vld.idx.msk [tilespmem:v29+s22+$0x0], $0xffff  }
0x7c: {  	v46 =	vadd.s32 v9, v32;
	v41 =	vld.idx.msk [tilespmem:v31+s21+$0x0], $0xffff  }
0x7d: {  	v43 =	vld.idx.msk [tilespmem:v31+s22+$0x0], $0xffff  }
0x7e: {  	v45 =	vld.idx.msk [tilespmem:v19+s21+$0x0], $0xffff  }
0x7f: {  	s8 =	sadd.s32 $0x2, s6;
	v19 =	vld.idx.msk [tilespmem:v19+s22+$0x0], $0xffff  }
0x80: {  	v2 =	vadd.s32 s8, v6;
	v37 =	vld.idx.msk [tilespmem:v36+s21+$0x0], $0xffff  }
0x81: {  	vm10 =	vgt.u32 v2, $0x27;
	v50 =	vadd.s32 v10, v32;
	v54 =	vld.idx.msk [tilespmem:v46+s21+$0x0], $0xffff  }
0x82: {  	v42 =	vadd.s32 v4, v32;
	v38 =	vadd.s32 v5, v32;
	v55 =	vld.idx.msk [tilespmem:v46+s22+$0x0], $0xffff;
	v20 =	vadd.f32 v20, v24  }
0x83: {  	v56 =	vadd.s32 v62, v32;
	v36 =	vld.idx.msk [tilespmem:v36+s22+$0x0], $0xffff;
	v21 =	vadd.f32 v21, v26;
	v23 =	vadd.f32 v23, v28  }
0x84: {  	v60 =	vadd.s32 v63, v32;
	v25 =	vadd.f32 v25, v30;
	v47 =	vadd.f32 v27, v40  }
0x85: {  	v22 =	vld [tilespmem:s18+$0xFFFFFFC0];
	v32 =	vadd.s32 v61, v32;
	v29 =	vadd.f32 v29, v34;
	v53 =	vadd.f32 v43, v41  }
0x86: {  	v58 =	vld.idx.msk [tilespmem:v50+s21+$0x0], $0xffff;
	v19 =	vadd.f32 v19, v45;
	v33 =	vmul.f32 $2.000000030e-01, v20;
	v44 =	vmul.f32 $2.000000030e-01, v21  }
0x87: {  	v59 =	vld.idx.msk [tilespmem:v50+s22+$0x0], $0xffff;
	v50 =	vadd.f32 v55, v54;
	v49 =	vmul.f32 $2.000000030e-01, v25;
	v51 =	vmul.f32 $2.000000030e-01, v47  }
0x88: {  	v45 =	vadd.f32 v36, v37;
	v52 =	vmul.f32 $2.000000030e-01, v29;
	v57 =	vmul.f32 $2.000000030e-01, v53  }
0x89: {  	v48 =	vld.idx.msk [tilespmem:v42+s21+$0x0], $0xffff;
	v54 =	vmul.f32 $2.000000030e-01, v50;
	v20 =	vmax.f32 v20, v33;
	v21 =	vmax.f32 v21, v44  }
0x8a: {  	v33 =	vld.idx.msk [tilespmem:v42+s22+$0x0], $0xffff;
	v25 =	vmax.f32 v25, v49;
	v27 =	vmax.f32 v29, v52;
	v20 =	vmul.f32 v20, v22  }
0x8b: {  	v0 =	vld.idx.msk [tilespmem:v38+s21+$0x0], $0xffff;
	v42 =	vmul.f32 $2.000000030e-01, v19;
	v44 =	vadd.s32 s8, v7;
	v21 =	vmul.f32 v21, v22  }
0x8c: {  	v1 =	vld.idx.msk [tilespmem:v38+s22+$0x0], $0xffff;
	v25 =	vmul.f32 v25, v22;
	v18 =	vadd.f32 v20, v18;
	v20 =	vmul.f32 $2.000000030e-01, v23  }
0x8d: {  	v46 =	vld.idx.msk [tilespmem:v60+s21+$0x0], $0xffff;
	v49 =	vmul.f32 $2.000000030e-01, v45;
	v19 =	vmax.f32 v19, v42;
	v17 =	vadd.f32 v21, v17  }
0x8e: {  	v30 =	vld [tilespmem:s18+$0xFFFFFFD0];
	v21 =	vmax.f32 v47, v51;
	v16 =	vadd.f32 v25, v16;
	v20 =	vmax.f32 v23, v20  }
0x8f: {  	v43 =	vld.idx.msk [tilespmem:v56+s21+$0x0], $0xffff;
	v24 =	vadd.f32 v33, v48;
	v33 =	vsel vm10, v44, v2;
	v20 =	vmul.f32 v20, v22  }
0x90: {  	s10 =	sadd.s32 $0x3, s6;
	v29 =	vld.idx.msk [tilespmem:v56+s22+$0x0], $0xffff;
	v19 =	vmul.f32 v19, v22;
	v25 =	vmax.f32 v50, v54;
	v52 =	vadd.s32 v8, v33  }
0x91: {  	v51 =	vld.idx.msk [tilespmem:v32+s21+$0x0], $0xffff;
	v50 =	vadd.s32 s10, v6;
	v14 =	vadd.f32 v20, v14;
	v20 =	vmul.f32 v27, v22  }
0x92: {  	v21 =	vmul.f32 v21, v22;
	vm11 =	vgt.u32 v50, $0x27;
	v48 =	vld.idx.msk [tilespmem:v60+s22+$0x0], $0xffff;
	v55 =	vadd.s32 v9, v33  }
0x93: {  	v11 =	vadd.f32 v19, v11;
	v13 =	vadd.f32 v20, v13;
	v20 =	vmax.f32 v53, v57;
	v53 =	vld.idx.msk [tilespmem:v32+s22+$0x0], $0xffff  }
0x94: {  	v47 =	vadd.s32 v4, v33;
	v39 =	vmul.f32 $2.000000030e-01, v24;
	v32 =	vld [tilespmem:s18+$0xFFFFFFE0];
	v20 =	vmul.f32 v20, v22  }
0x95: {  	v23 =	vadd.f32 v1, v0;
	v29 =	vadd.f32 v29, v43;
	v1 =	vadd.s32 v5, v33;
	v60 =	vld.idx.msk [tilespmem:v52+s21+$0x0], $0xffff  }
0x96: {  	v28 =	vld.idx.msk [tilespmem:v52+s22+$0x0], $0xffff;
	v52 =	vadd.s32 s10, v7;
	v12 =	vadd.f32 v20, v12;
	v20 =	vmax.f32 v24, v39  }
0x97: {  	v42 =	vadd.s32 v62, v33;
	v2 =	vld.idx.msk [tilespmem:v55+s21+$0x0], $0xffff;
	v35 =	vsel vm11, v52, v50;
	v19 =	vmul.f32 v20, v30  }
0x98: {  	v0 =	vmul.f32 $2.000000030e-01, v23;
	v34 =	vld.idx.msk [tilespmem:v55+s22+$0x0], $0xffff;
	v24 =	vmax.f32 v45, v49;
	v39 =	vadd.s32 v4, v35  }
0x99: {  	v57 =	vld.idx.msk [tilespmem:v47+s21+$0x0], $0xffff;
	v20 =	vadd.f32 v59, v58;
	v18 =	vadd.f32 v19, v18;
	v19 =	vmul.f32 v24, v30  }
0x9a: {  	v23 =	vmax.f32 v23, v0;
	v49 =	vld.idx.msk [tilespmem:v1+s22+$0x0], $0xffff;
	v0 =	vadd.s32 v9, v35;
	v59 =	vadd.s32 v10, v33  }
0x9b: {  	v58 =	vld.idx.msk [tilespmem:v47+s22+$0x0], $0xffff;
	v56 =	vmul.f32 $2.000000030e-01, v20;
	v17 =	vadd.f32 v19, v17;
	v19 =	vmul.f32 v25, v30  }
0x9c: {  	v15 =	vadd.f32 v21, v15;
	v41 =	vmul.f32 $2.000000030e-01, v29;
	v47 =	vld.idx.msk [tilespmem:v1+s21+$0x0], $0xffff;
	v21 =	vadd.f32 v53, v51  }
0x9d: {  	v51 =	vld.idx.msk [tilespmem:v42+s21+$0x0], $0xffff;
	v22 =	vadd.f32 v34, v2;
	v20 =	vmax.f32 v20, v56;
	v14 =	vadd.f32 v19, v14  }
0x9e: {  	s11 =	sadd.s32 $0x4, s6;
	v2 =	vld.idx.msk [tilespmem:v39+s21+$0x0], $0xffff;
	v19 =	vmul.f32 v20, v30;
	v20 =	vadd.f32 v48, v46;
	v46 =	vadd.s32 v63, v33  }
0x9f: {  	v40 =	vadd.s32 s11, v7;
	v55 =	vadd.f32 v28, v60;
	v25 =	vmax.f32 v29, v41;
	v34 =	vld.idx.msk [tilespmem:v0+s22+$0x0], $0xffff  }
0xa0: {  	v44 =	vld.idx.msk [tilespmem:v59+s21+$0x0], $0xffff;
	v27 =	vadd.f32 v58, v57;
	v58 =	vadd.s32 v8, v35;
	v33 =	vadd.s32 v61, v33  }
0xa1: {  	v45 =	vld.idx.msk [tilespmem:v59+s22+$0x0], $0xffff;
	v59 =	vmul.f32 $2.000000030e-01, v55;
	v16 =	vadd.f32 v19, v16;
	v19 =	vmul.f32 v23, v30  }
0xa2: {  	v41 =	vadd.f32 v49, v47;
	v47 =	vld.idx.msk [tilespmem:v0+s21+$0x0], $0xffff;
	v48 =	vmul.f32 $2.000000030e-01, v21;
	v43 =	vmul.f32 $2.000000030e-01, v20  }
0xa3: {  	v53 =	vmul.f32 $2.000000030e-01, v27;
	v15 =	vadd.f32 v19, v15;
	v19 =	vmul.f32 v25, v30;
	v54 =	vld.idx.msk [tilespmem:v46+s21+$0x0], $0xffff  }
0xa4: {  	v49 =	vadd.s32 v62, v35;
	v21 =	vmax.f32 v21, v48;
	v20 =	vmax.f32 v20, v43;
	v56 =	vld.idx.msk [tilespmem:v46+s22+$0x0], $0xffff  }
0xa5: {  	v25 =	vmax.f32 v27, v53;
	v57 =	vld.idx.msk [tilespmem:v33+s21+$0x0], $0xffff;
	v13 =	vadd.f32 v19, v13;
	v19 =	vmul.f32 v20, v30  }
0xa6: {  	v26 =	vadd.f32 v45, v44;
	v43 =	vadd.s32 v10, v35;
	v25 =	vmul.f32 v25, v32;
	v60 =	vld.idx.msk [tilespmem:v33+s22+$0x0], $0xffff  }
0xa7: {  	v45 =	vmul.f32 $2.000000030e-01, v41;
	v20 =	vld.idx.msk [tilespmem:v42+s22+$0x0], $0xffff;
	v12 =	vadd.f32 v19, v12;
	v19 =	vmul.f32 v21, v30  }
0xa8: {  	v46 =	vadd.s32 v5, v35;
	v1 =	vmul.f32 $2.000000030e-01, v26;
	v42 =	vld.idx.msk [tilespmem:v39+s22+$0x0], $0xffff;
	v18 =	vadd.f32 v25, v18  }
0xa9: {  	v44 =	vld.idx.msk [tilespmem:v58+s21+$0x0], $0xffff;
	v21 =	vmax.f32 v55, v59;
	v11 =	vadd.f32 v19, v11;
	v19 =	vmul.f32 $2.000000030e-01, v22  }
0xaa: {  	v28 =	vld.idx.msk [tilespmem:v58+s22+$0x0], $0xffff;
	v25 =	vmax.f32 v26, v1;
	v21 =	vmul.f32 v21, v32;
	v50 =	vadd.f32 v56, v54  }
0xab: {  	v58 =	vld.idx.msk [tilespmem:v49+s21+$0x0], $0xffff;
	v52 =	vadd.f32 v60, v57;
	v54 =	vadd.s32 v63, v35;
	v19 =	vmax.f32 v22, v19  }
0xac: {  	v33 =	vld [tilespmem:s18+$0xFFFFFFF0];
	v35 =	vadd.s32 v61, v35;
	v20 =	vadd.f32 v20, v51;
	v19 =	vmul.f32 v19, v32  }
0xad: {  	v53 =	vld.idx.msk [tilespmem:v43+s22+$0x0], $0xffff;
	v57 =	vadd.s32 s11, v6;
	v17 =	vadd.f32 v21, v17;
	v23 =	vadd.f32 v42, v2  }
0xae: {  	v55 =	vld.idx.msk [tilespmem:v46+s21+$0x0], $0xffff;
	vm12 =	vgt.u32 v57, $0x27;
	v14 =	vadd.f32 v19, v14;
	v19 =	vmul.f32 v25, v32  }
0xaf: {  	v38 =	vld.idx.msk [tilespmem:v46+s22+$0x0], $0xffff;
	v22 =	vmax.f32 v41, v45;
	v56 =	vmul.f32 $2.000000030e-01, v52;
	v48 =	vmul.f32 $2.000000030e-01, v20  }
0xb0: {  	v51 =	vld.idx.msk [tilespmem:v43+s21+$0x0], $0xffff;
	v16 =	vadd.f32 v19, v16;
	v19 =	vmul.f32 v22, v32;
	v22 =	vsel vm12, v40, v57  }
0xb1: {  	v21 =	vadd.f32 v34, v47;
	v59 =	vmul.f32 $2.000000030e-01, v23;
	v60 =	vld.idx.msk [tilespmem:v54+s21+$0x0], $0xffff;
	v39 =	vadd.s32 v4, v22  }
0xb2: {  	v20 =	vmax.f32 v20, v48;
	v25 =	vmax.f32 v52, v56;
	v0 =	vld.idx.msk [tilespmem:v54+s22+$0x0], $0xffff;
	v2 =	vadd.s32 v8, v22  }
0xb3: {  	v1 =	vld.idx.msk [tilespmem:v35+s21+$0x0], $0xffff;
	v15 =	vadd.f32 v19, v15;
	v19 =	vmul.f32 v20, v32;
	v20 =	vmul.f32 $2.000000030e-01, v50  }
0xb4: {  	v26 =	vadd.f32 v28, v44;
	v41 =	vmul.f32 $2.000000030e-01, v21;
	v35 =	vld.idx.msk [tilespmem:v35+s22+$0x0], $0xffff;
	v25 =	vmul.f32 v25, v32  }
0xb5: {  	v42 =	vadd.s32 v9, v22;
	v13 =	vadd.f32 v19, v13;
	v19 =	vmax.f32 v50, v20;
	v20 =	vld.idx.msk [tilespmem:v49+s22+$0x0], $0xffff  }
0xb6: {  	s8 =	sadd.s32 $0x5, s6;
	v23 =	vmax.f32 v23, v59;
	v21 =	vmax.f32 v21, v41;
	v11 =	vadd.f32 v25, v11;
	v25 =	vld.idx.msk [tilespmem:v39+s21+$0x0], $0xffff  }
0xb7: {  	v31 =	vadd.f32 v38, v55;
	v41 =	vadd.s32 s8, v7;
	v46 =	vadd.s32 v10, v22;
	v45 =	vld.idx.msk [tilespmem:v39+s22+$0x0], $0xffff  }
0xb8: {  	v23 =	vmul.f32 v23, v33;
	v24 =	vadd.f32 v53, v51;
	v21 =	vmul.f32 v21, v33;
	v47 =	vld.idx.msk [tilespmem:v2+s21+$0x0], $0xffff  }
0xb9: {  	v40 =	vmul.f32 $2.000000030e-01, v26;
	v51 =	vmul.f32 $2.000000030e-01, v31;
	v53 =	vadd.s32 v62, v22;
	v48 =	vld.idx.msk [tilespmem:v2+s22+$0x0], $0xffff  }
0xba: {  	v18 =	vadd.f32 v23, v18;
	v44 =	vmul.f32 $2.000000030e-01, v24;
	v19 =	vmul.f32 v19, v32;
	v32 =	vld.idx.msk [tilespmem:v42+s21+$0x0], $0xffff  }
0xbb: {  	v14 =	vadd.f32 v21, v14;
	v28 =	vadd.f32 v0, v60;
	v0 =	vadd.s32 s8, v6;
	v27 =	vld.idx.msk [tilespmem:v42+s22+$0x0], $0xffff  }
0xbc: {  	v43 =	vmax.f32 v26, v40;
	v49 =	vadd.s32 v5, v22;
	vm13 =	vgt.u32 v0, $0x27;
	v55 =	vld.idx.msk [tilespmem:v46+s21+$0x0], $0xffff  }
0xbd: {  	v54 =	vmax.f32 v31, v51;
	v23 =	vmul.f32 v43, v33;
	v29 =	vsel vm13, v41, v0;
	v57 =	vld.idx.msk [tilespmem:v46+s22+$0x0], $0xffff  }
0xbe: {  	v24 =	vmax.f32 v24, v44;
	v21 =	vmul.f32 v54, v33;
	v2 =	vld.idx.msk [tilespmem:v53+s21+$0x0], $0xffff;
	v46 =	vadd.s32 v4, v29  }
0xbf: {  	v30 =	vadd.f32 v35, v1;
	v50 =	vmul.f32 v24, v33;
	v17 =	vadd.f32 v23, v17;
	v44 =	vld.idx.msk [tilespmem:v53+s22+$0x0], $0xffff  }
0xc0: {  	v56 =	vmul.f32 $2.000000030e-01, v28;
	v51 =	vadd.s32 v8, v29;
	v19 =	vadd.f32 v19, v12;
	v12 =	vld [tilespmem:s18+$0x0]  }
0xc1: {  	v1 =	vmul.f32 $2.000000030e-01, v30;
	v15 =	vadd.f32 v21, v15;
	v54 =	vadd.s32 v9, v29;
	v59 =	vld.idx.msk [tilespmem:v49+s21+$0x0], $0xffff  }
0xc2: {  	v24 =	vmax.f32 v28, v56;
	v20 =	vadd.f32 v20, v58;
	v58 =	vadd.s32 v63, v22;
	v60 =	vld.idx.msk [tilespmem:v49+s22+$0x0], $0xffff  }
0xc3: {  	v16 =	vadd.f32 v50, v16;
	v24 =	vmul.f32 v24, v33;
	v53 =	vadd.f32 v27, v32;
	v27 =	vld.idx.msk [tilespmem:v46+s21+$0x0], $0xffff  }
0xc4: {  	v30 =	vmax.f32 v30, v1;
	v56 =	vadd.s32 v10, v29;
	v22 =	vadd.s32 v61, v22;
	v31 =	vld.idx.msk [tilespmem:v46+s22+$0x0], $0xffff  }
0xc5: {  	v19 =	vadd.f32 v24, v19;
	v52 =	vmul.f32 $2.000000030e-01, v20;
	v23 =	vadd.f32 v57, v55;
	v57 =	vld.idx.msk [tilespmem:v51+s21+$0x0], $0xffff  }
0xc6: {  	v25 =	vadd.f32 v45, v25;
	v26 =	vadd.f32 v48, v47;
	v47 =	vmul.f32 v30, v33;
	v1 =	vld.idx.msk [tilespmem:v54+s21+$0x0], $0xffff  }
0xc7: {  	v0 =	vadd.f32 v44, v2;
	v2 =	vadd.s32 v62, v29;
	v46 =	vadd.s32 v63, v29;
	v45 =	vld.idx.msk [tilespmem:v58+s21+$0x0], $0xffff  }
0xc8: {  	v20 =	vmax.f32 v20, v52;
	v48 =	vmul.f32 $2.000000030e-01, v25;
	v55 =	vmul.f32 $2.000000030e-01, v53;
	v49 =	vld.idx.msk [tilespmem:v58+s22+$0x0], $0xffff  }
0xc9: {  	v21 =	vadd.f32 v47, v11;
	v44 =	vmul.f32 $2.000000030e-01, v0;
	v20 =	vmul.f32 v20, v33;
	v50 =	vld.idx.msk [tilespmem:v22+s21+$0x0], $0xffff  }
0xca: {  	v22 =	vld.idx.msk [tilespmem:v22+s22+$0x0], $0xffff;
	v28 =	vadd.f32 v60, v59;
	v60 =	vadd.s32 v5, v29;
	v52 =	vmax.f32 v25, v48  }
0xcb: {  	v11 =	vld [tilespmem:s18+$0x10];
	v25 =	vmax.f32 v53, v55;
	v13 =	vadd.f32 v20, v13;
	v20 =	vmul.f32 $2.000000030e-01, v26  }
0xcc: {  	s10 =	sadd.s32 $0x6, s6;
	v59 =	vld.idx.msk [tilespmem:v51+s22+$0x0], $0xffff;
	v29 =	vadd.s32 v61, v29;
	v58 =	vmul.f32 $2.000000030e-01, v28;
	v25 =	vmul.f32 v25, v12  }
0xcd: {  	v24 =	vmul.f32 v52, v12;
	v51 =	vld.idx.msk [tilespmem:v2+s21+$0x0], $0xffff;
	v52 =	vadd.s32 s10, v7;
	v20 =	vmax.f32 v26, v20  }
0xce: {  	v30 =	vld.idx.msk [tilespmem:v2+s22+$0x0], $0xffff;
	v28 =	vmax.f32 v28, v58;
	v14 =	vadd.f32 v25, v14;
	v20 =	vmul.f32 v20, v12  }
0xcf: {  	v55 =	vld.idx.msk [tilespmem:v46+s21+$0x0], $0xffff;
	v33 =	vadd.f32 v49, v45;
	v22 =	vadd.f32 v22, v50;
	v50 =	vadd.s32 s10, v6  }
0xd0: {  	v26 =	vld.idx.msk [tilespmem:v54+s22+$0x0], $0xffff;
	v28 =	vmul.f32 v28, v12;
	vm14 =	vgt.u32 v50, $0x27;
	v17 =	vadd.f32 v20, v17  }
0xd1: {  	v25 =	vld.idx.msk [tilespmem:v46+s22+$0x0], $0xffff;
	v20 =	vmul.f32 $2.000000030e-01, v23;
	v47 =	vmul.f32 $2.000000030e-01, v33;
	v38 =	vsel vm14, v52, v50  }
0xd2: {  	v45 =	vld.idx.msk [tilespmem:v56+s21+$0x0], $0xffff;
	v15 =	vadd.f32 v28, v15;
	v53 =	vmul.f32 $2.000000030e-01, v22;
	v40 =	vadd.s32 v4, v38  }
0xd3: {  	v48 =	vld.idx.msk [tilespmem:v60+s21+$0x0], $0xffff;
	v20 =	vmax.f32 v23, v20;
	v23 =	vmax.f32 v0, v44;
	v28 =	vmax.f32 v33, v47  }
0xd4: {  	v49 =	vld.idx.msk [tilespmem:v60+s22+$0x0], $0xffff;
	v22 =	vmax.f32 v22, v53;
	v20 =	vmul.f32 v20, v12;
	v23 =	vmul.f32 v23, v12  }
0xd5: {  	v27 =	vadd.f32 v31, v27;
	v54 =	vmul.f32 v28, v12;
	v12 =	vmul.f32 v22, v12;
	v22 =	vld.idx.msk [tilespmem:v29+s21+$0x0], $0xffff  }
0xd6: {  	v18 =	vadd.f32 v24, v18;
	v58 =	vadd.s32 v9, v38;
	v29 =	vld.idx.msk [tilespmem:v29+s22+$0x0], $0xffff  }
0xd7: {  	v31 =	vmul.f32 $2.000000030e-01, v27;
	v24 =	vadd.f32 v59, v57;
	v16 =	vadd.f32 v20, v16;
	v20 =	vld.idx.msk [tilespmem:v56+s22+$0x0], $0xffff  }
0xd8: {  	v26 =	vadd.f32 v26, v1;
	v1 =	vadd.s32 v10, v38;
	v12 =	vadd.f32 v12, v21;
	v21 =	vld [tilespmem:s18+$0x20]  }
0xd9: {  	v57 =	vmul.f32 $2.000000030e-01, v24;
	v33 =	vld.idx.msk [tilespmem:v40+s21+$0x0], $0xffff  }
0xda: {  	v27 =	vmax.f32 v27, v31;
	v47 =	vadd.s32 v62, v38;
	v0 =	vld.idx.msk [tilespmem:v40+s22+$0x0], $0xffff  }
0xdb: {  	s11 =	sadd.s32 $0x7, s6;
	v30 =	vadd.f32 v30, v51;
	v51 =	vadd.s32 v63, v38;
	v24 =	vmax.f32 v24, v57;
	v46 =	vld.idx.msk [tilespmem:v58+s21+$0x0], $0xffff  }
0xdc: {  	v52 =	vadd.f32 v25, v55;
	v55 =	vadd.s32 s11, v6;
	v56 =	vadd.s32 v8, v38;
	v34 =	vld.idx.msk [tilespmem:v58+s22+$0x0], $0xffff  }
0xdd: {  	v32 =	vadd.f32 v49, v48;
	vm15 =	vgt.u32 v55, $0x27;
	v58 =	vadd.s32 s11, v7;
	v49 =	vld.idx.msk [tilespmem:v1+s21+$0x0], $0xffff  }
0xde: {  	v24 =	vmul.f32 v24, v11;
	v59 =	vmul.f32 $2.000000030e-01, v26;
	v50 =	vld.idx.msk [tilespmem:v1+s22+$0x0], $0xffff;
	v35 =	vsel vm15, v58, v55  }
0xdf: {  	v13 =	vadd.f32 v23, v13;
	v44 =	vmul.f32 $2.000000030e-01, v32;
	v57 =	vld.idx.msk [tilespmem:v47+s21+$0x0], $0xffff;
	v43 =	vadd.s32 v9, v35  }
0xe0: {  	v19 =	vadd.f32 v54, v19;
	v17 =	vadd.f32 v24, v17;
	v26 =	vmax.f32 v26, v59;
	v59 =	vld.idx.msk [tilespmem:v47+s22+$0x0], $0xffff  }
0xe1: {  	v32 =	vmax.f32 v32, v44;
	v41 =	vadd.s32 v8, v35;
	v20 =	vadd.f32 v20, v45;
	v2 =	vld.idx.msk [tilespmem:v56+s21+$0x0], $0xffff  }
0xe2: {  	v48 =	vmul.f32 v32, v11;
	v23 =	vld.idx.msk [tilespmem:v56+s22+$0x0], $0xffff;
	v45 =	vadd.s32 v5, v38;
	v56 =	vmul.f32 $2.000000030e-01, v52  }
0xe3: {  	v54 =	vadd.s32 v61, v38;
	v26 =	vmul.f32 v26, v11;
	v1 =	vld.idx.msk [tilespmem:v51+s22+$0x0], $0xffff;
	v60 =	vmul.f32 $2.000000030e-01, v20  }
0xe4: {  	v22 =	vadd.f32 v29, v22;
	v15 =	vadd.f32 v48, v15;
	v24 =	vmax.f32 v52, v56;
	v56 =	vld.idx.msk [tilespmem:v43+s22+$0x0], $0xffff  }
0xe5: {  	v38 =	vadd.s32 v4, v35;
	v48 =	vadd.s32 v10, v35;
	v20 =	vmax.f32 v20, v60;
	v60 =	vld.idx.msk [tilespmem:v51+s21+$0x0], $0xffff  }
0xe6: {  	v33 =	vadd.f32 v0, v33;
	v0 =	vmul.f32 $2.000000030e-01, v22;
	v52 =	vadd.s32 v5, v35;
	v51 =	vld.idx.msk [tilespmem:v41+s22+$0x0], $0xffff  }
0xe7: {  	v55 =	vadd.f32 v59, v57;
	v57 =	vadd.s32 v62, v35;
	v20 =	vmul.f32 v20, v11;
	v25 =	vld.idx.msk [tilespmem:v45+s21+$0x0], $0xffff  }
0xe8: {  	v22 =	vmax.f32 v22, v0;
	v0 =	vadd.s32 v63, v35;
	v35 =	vadd.s32 v61, v35;
	v53 =	vld.idx.msk [tilespmem:v45+s22+$0x0], $0xffff  }
0xe9: {  	v23 =	vadd.f32 v23, v2;
	v2 =	vld.idx.msk [tilespmem:v54+s21+$0x0], $0xffff;
	v16 =	vadd.f32 v20, v16;
	v20 =	vmul.f32 $2.000000030e-01, v30  }
0xea: {  	v27 =	vmul.f32 v27, v11;
	v14 =	vadd.f32 v26, v14;
	v26 =	vadd.f32 v50, v49;
	v45 =	vld.idx.msk [tilespmem:v38+s21+$0x0], $0xffff  }
0xeb: {  	v24 =	vmul.f32 v24, v11;
	v47 =	vld.idx.msk [tilespmem:v38+s22+$0x0], $0xffff;
	v20 =	vmax.f32 v30, v20  }
0xec: {  	v18 =	vadd.f32 v27, v18;
	v50 =	vmul.f32 $2.000000030e-01, v26;
	v59 =	vld.idx.msk [tilespmem:v48+s21+$0x0], $0xffff;
	v20 =	vmul.f32 v20, v11  }
0xed: {  	v27 =	vadd.f32 v34, v46;
	v40 =	vmul.f32 $2.000000030e-01, v55;
	v19 =	vadd.f32 v24, v19;
	v29 =	vld.idx.msk [tilespmem:v57+s22+$0x0], $0xffff  }
0xee: {  	v24 =	vmax.f32 v26, v50;
	v50 =	vld.idx.msk [tilespmem:v35+s21+$0x0], $0xffff;
	v13 =	vadd.f32 v20, v13;
	v20 =	vmul.f32 $2.000000030e-01, v33  }
0xef: {  	v46 =	vmul.f32 $2.000000030e-01, v27;
	v30 =	vld.idx.msk [tilespmem:v54+s22+$0x0], $0xffff  }
0xf0: {  	v26 =	vmax.f32 v55, v40;
	v42 =	vmul.f32 $2.000000030e-01, v23;
	v54 =	vld.idx.msk [tilespmem:v43+s21+$0x0], $0xffff;
	v20 =	vmax.f32 v33, v20  }
0xf1: {  	v31 =	vadd.f32 v1, v60;
	v60 =	vld.idx.msk [tilespmem:v48+s22+$0x0], $0xffff;
	v11 =	vmul.f32 v22, v11;
	v20 =	vmul.f32 v20, v21  }
0xf2: {  	v44 =	vmax.f32 v23, v42;
	v43 =	vld.idx.msk [tilespmem:v52+s22+$0x0], $0xffff;
	v53 =	vadd.f32 v53, v25;
	v23 =	vadd.f32 v47, v45  }
0xf3: {  	v26 =	vmul.f32 v26, v21;
	v11 =	vadd.f32 v11, v12;
	v12 =	vadd.f32 v20, v18;
	v20 =	vld.idx.msk [tilespmem:v41+s21+$0x0], $0xffff  }
0xf4: {  	v45 =	vld.idx.msk [tilespmem:v57+s21+$0x0], $0xffff;
	v42 =	vmul.f32 $2.000000030e-01, v31;
	v18 =	vmul.f32 v44, v21  }
0xf5: {  	v49 =	vmax.f32 v27, v46;
	v48 =	vld.idx.msk [tilespmem:v0+s21+$0x0], $0xffff;
	v58 =	vmul.f32 $2.000000030e-01, v53;
	v46 =	vmul.f32 $2.000000030e-01, v23  }
0xf6: {  	v33 =	vld [tilespmem:s18+$0x30];
	v1 =	vadd.f32 v30, v2;
	v17 =	vadd.f32 v18, v17;
	v18 =	vmul.f32 v49, v21  }
0xf7: {  	v2 =	vld.idx.msk [tilespmem:v52+s21+$0x0], $0xffff;
	v30 =	vmax.f32 v31, v42;
	v23 =	vmax.f32 v23, v46;
	v25 =	vadd.f32 v56, v54  }
0xf8: {  	v49 =	vld.idx.msk [tilespmem:v0+s22+$0x0], $0xffff;
	v14 =	vadd.f32 v18, v14;
	v18 =	vmul.f32 v24, v21;
	v20 =	vadd.f32 v51, v20  }
0xf9: {  	v13 =	vadd.f32 v26, v13;
	v54 =	vadd.f32 v29, v45;
	v44 =	vmul.f32 $2.000000030e-01, v1;
	v51 =	vld.idx.msk [tilespmem:v35+s22+$0x0], $0xffff  }
0xfa: {  	v16 =	vadd.f32 v18, v16;
	v18 =	vmax.f32 v53, v58;
	v47 =	vmul.f32 $2.000000030e-01, v20  }
0xfb: {  	v52 =	vmul.f32 $2.000000030e-01, v25;
	v22 =	vmax.f32 v1, v44;
	v18 =	vmul.f32 v18, v21  }
0xfc: {  	v23 =	vmul.f32 v23, v33;
	v53 =	vadd.f32 v43, v2;
	v20 =	vmax.f32 v20, v47  }
0xfd: {  	v15 =	vadd.f32 v18, v15;
	v18 =	vmul.f32 v30, v21;
	v20 =	vmul.f32 v20, v33  }
0xfe: {  	v21 =	vmul.f32 v22, v21;
	v22 =	vadd.f32 v49, v48;
	v26 =	vadd.f32 v51, v50  }
0xff: {  	v56 =	vmul.f32 $2.000000030e-01, v53;
	v17 =	vadd.f32 v20, v17;
	v20 =	vadd.f32 v60, v59  }
0x100: {  	v19 =	vadd.f32 v18, v19;
	v18 =	vadd.f32 v23, v12;
	v12 =	vmax.f32 v25, v52  }
0x101: {  	v11 =	vadd.f32 v21, v11;
	v12 =	vmul.f32 v12, v33;
	v55 =	vmul.f32 $2.000000030e-01, v20  }
0x102: {  	v57 =	vmul.f32 $2.000000030e-01, v22;
	v21 =	vmax.f32 v53, v56;
	v58 =	vmul.f32 $2.000000030e-01, v26  }
0x103: {  	p0 =	slt.u32 s6, $0x20;
	v14 =	vadd.f32 v12, v14;
	v12 =	vmul.f32 $2.000000030e-01, v54;
	v20 =	vmax.f32 v20, v55  }
.Ltmp2:
0x104: {  	v21 =	vmul.f32 v21, v33;
	v59 =	vmax.f32 v26, v58;
	v20 =	vmul.f32 v20, v33;
	(pc) =	sbr.rel @p0 .LBB2_7-.Ltmp2, $4  }
0x105: {  	v22 =	vmax.f32 v22, v57;
	v60 =	vmul.f32 v59, v33;
	v12 =	vmax.f32 v54, v12  }
0x106: {  	v12 =	vmul.f32 v12, v33;
	v16 =	vadd.f32 v20, v16;
	v20 =	vmul.f32 v22, v33  }
0x107: {  	v15 =	vadd.f32 v21, v15;
	v11 =	vadd.f32 v60, v11  }
0x108: {  	s6 =	sadd.s32 $0x8, s6;
	s18 =	sadd.s32 $0x80, s18;
	v13 =	vadd.f32 v12, v13;
	v12 =	vadd.f32 v20, v19  }
0x109: {  	v18 =	vmul.f32 $1.442695020e+00, v18  }
0x10a: {  	v17 =	vmul.f32 $1.442695020e+00, v17  }
0x10b: {  	v14 =	vmul.f32 $1.442695020e+00, v14;
	(erf) = vpow2.f32 v18  }
0x10c: {  	v16 =	vmul.f32 $1.442695020e+00, v16;
	(erf) = vpow2.f32 v17  }
0x10d: {  	(erf) = vpow2.f32 v14;
	v14 =	vmul.f32 $1.442695020e+00, v15  }
0x10e: {  	v13 =	vmul.f32 $1.442695020e+00, v13;
	(erf) = vpow2.f32 v16  }
0x10f: {  	v12 =	vmul.f32 $1.442695020e+00, v12;
	(erf) = vpow2.f32 v14  }
0x110: {  	v11 =	vmul.f32 $1.442695020e+00, v11;
	(erf) = vpow2.f32 v13  }
0x111: {  	(erf) = vpow2.f32 v12  }
0x112: {  	(erf) = vpow2.f32 v11;
	_ =	sdelay $0x1  }
0x113: {  	v18 =	vpop (erf)  }
0x114: {  	v26 =	vpop (erf)  }
0x115: {  	v17 =	vpop (erf)  }
0x116: {  	v25 =	vpop (erf)  }
0x117: {  	v23 =	vpop (erf)  }
0x118: {  	v19 =	vpop (erf)  }
0x119: {  	p0 =	seq.s32 s0, $0x0;
	v22 =	vpop (erf)  }
0x11a: {  	s6 =	simm.s32 @!p0 $0x3;
	v20 =	vpop (erf)  }
0x11b: {  	v0 =	vadd.s32 $0x28, v4;
	_ =	swait.ge @!p0 [sflag:s6], $0x1800  }
0x11c: {  	v3 =	vadd.s32 $0x328, v4;
	[tilespmem:$0x1FEE0] =	vst v0  }
0x11d: {  	v13 =	vadd.s32 $0x628, v4;
	[tilespmem:$0x1FEF0] =	vst v3  }
0x11e: {  	v14 =	vadd.s32 $0x928, v4;
	[tilespmem:$0x1FF00] =	vst v13  }
0x11f: {  	v15 =	vadd.s32 $0xC28, v4;
	[tilespmem:$0x1FF10] =	vst v14  }
0x120: {  	v51 =	vadd.s32 $0xF28, v4;
	[sflag:s6] =	ssyncset.done @!p0 $0x0;
	[tilespmem:$0x1FF20] =	vst v15  }
0x121: {  	[tilespmem:$0x1FF30] =	vst v51;
	[sflag:s6] =	ssyncadd.s32 @!p0 $0xFFFFE800  }
0x122: {  	[tilespmem:v0+s26+$0x0] =	vst.idx.msk $0xffff, v18  }
0x123: {  	s7 =	simm.s32 $0x7;
	v0 =	vadd.s32 $0x1528, v4;
	[tilespmem:v3+s26+$0x0] =	vst.idx.msk $0xffff, v26  }
0x124: {  	v11 =	vadd.s32 s7, v6;
	[tilespmem:$0x1FF50] =	vst v0  }
0x125: {  	v12 =	vadd.s32 s7, v7;
	vm0 =	vgt.u32 v11, $0x27;
	v3 =	vadd.s32 $0x1228, v4;
	[tilespmem:v13+s26+$0x0] =	vst.idx.msk $0xffff, v17  }
0x126: {  	v36 =	vsel vm0, v12, v11;
	[tilespmem:$0x1FF40] =	vst v3  }
0x127: {  	s10 =	simm.s32 $0x1;
	s18 =	simm.s32 $0x4;
	s7 =	simm.s32 $0x2;
	v11 =	vadd.s32 v4, v36;
	[tilespmem:v14+s26+$0x0] =	vst.idx.msk $0xffff, v25  }
0x128: {  	v28 =	vadd.s32 s10, v6;
	v30 =	vadd.s32 s18, v6;
	v29 =	vadd.s32 s7, v6;
	[tilespmem:v15+s26+$0x0] =	vst.idx.msk $0xffff, v23  }
0x129: {  	s11 =	simm.s32 $0x5;
	v31 =	vadd.s32 s18, v7;
	v27 =	vadd.s32 s7, v7;
	vm1 =	vgt.u32 v29, $0x27;
	[tilespmem:v51+s26+$0x0] =	vst.idx.msk $0xffff, v19  }
0x12a: {  	v32 =	vadd.s32 s11, v6;
	v33 =	vadd.s32 s11, v7;
	v27 =	vsel vm1, v27, v29;
	[tilespmem:v3+s26+$0x0] =	vst.idx.msk $0xffff, v22  }
0x12b: {  	v35 =	vadd.s32 s10, v7;
	vm6 =	vgt.u32 v32, $0x27;
	v34 =	vadd.s32 v4, v27;
	[tilespmem:v0+s26+$0x0] =	vst.idx.msk $0xffff, v20  }
0x12c: {  	s8 =	simm.s32 $0x0;
	vm5 =	vgt.u32 v28, $0x27;
	vm8 =	vgt.u32 v30, $0x27;
	v38 =	vsel vm6, v33, v32;
	v29 =	vld.idx.msk [tilespmem:v11+s21+$0x0], $0xffff  }
0x12d: {  	v41 =	vsel vm5, v35, v28;
	v12 =	vadd.s32 s8, v6;
	v13 =	vadd.s32 s8, v7;
	s8 =	simm.s32 $0x6  }
0x12e: {  	v35 =	vsel vm8, v31, v30;
	v40 =	vadd.s32 v4, v38;
	v52 =	vadd.s32 s8, v6  }
0x12f: {  	v28 =	vadd.s32 v8, v36;
	v53 =	vadd.s32 s8, v7;
	vm7 =	vgt.u32 v52, $0x27  }
0x130: {  	v42 =	vadd.s32 v4, v41;
	vm9 =	vgt.u32 v12, $0x27;
	v37 =	vsel vm7, v53, v52;
	v31 =	vld.idx.msk [tilespmem:v34+s21+$0x0], $0xffff  }
0x131: {  	v39 =	vsel vm9, v13, v12;
	v12 =	vadd.s32 v4, v37;
	v29 =	vmul.f32 v29, v18  }
0x132: {  	v30 =	vadd.s32 v4, v35  }
0x133: {  	v54 =	vadd.s32 v8, v27;
	[tilespmem:v11+s26+$0x0] =	vst.idx.msk $0xffff, v29;
	v29 =	vld.idx.msk [tilespmem:v40+s21+$0x0], $0xffff  }
0x134: {  	v11 =	vadd.s32 v4, v39;
	v13 =	vld.idx.msk [tilespmem:v28+s21+$0x0], $0xffff  }
0x135: {  	v55 =	vld.idx.msk [tilespmem:v42+s21+$0x0], $0xffff;
	v31 =	vmul.f32 v31, v18  }
0x136: {  	v45 =	vadd.s32 v8, v38;
	v46 =	vld.idx.msk [tilespmem:v12+s21+$0x0], $0xffff  }
0x137: {  	v43 =	vadd.s32 v9, v36;
	v44 =	vld.idx.msk [tilespmem:v30+s21+$0x0], $0xffff;
	[tilespmem:v34+s26+$0x0] =	vst.idx.msk $0xffff, v31  }
0x138: {  	v47 =	vadd.s32 v8, v41;
	v34 =	vld.idx.msk [tilespmem:v54+s21+$0x0], $0xffff;
	v29 =	vmul.f32 v29, v18  }
0x139: {  	v48 =	vld.idx.msk [tilespmem:v11+s21+$0x0], $0xffff;
	v13 =	vmul.f32 v13, v26  }
0x13a: {  	v33 =	vmul.f32 v55, v18;
	v31 =	vadd.s32 v8, v35;
	[tilespmem:v40+s26+$0x0] =	vst.idx.msk $0xffff, v29  }
0x13b: {  	v49 =	vadd.s32 v8, v37;
	v56 =	vmul.f32 v46, v18;
	[tilespmem:v28+s26+$0x0] =	vst.idx.msk $0xffff, v13;
	v57 =	vld.idx.msk [tilespmem:v45+s21+$0x0], $0xffff  }
0x13c: {  	[tilespmem:v42+s26+$0x0] =	vst.idx.msk $0xffff, v33;
	v29 =	vmul.f32 v44, v18;
	v28 =	vadd.s32 v8, v39;
	v13 =	vld.idx.msk [tilespmem:v43+s21+$0x0], $0xffff  }
0x13d: {  	v42 =	vadd.s32 v9, v27;
	v50 =	vld.idx.msk [tilespmem:v47+s21+$0x0], $0xffff;
	[tilespmem:v12+s26+$0x0] =	vst.idx.msk $0xffff, v56;
	v12 =	vmul.f32 v34, v26  }
0x13e: {  	v34 =	vadd.s32 v9, v38;
	[tilespmem:v30+s26+$0x0] =	vst.idx.msk $0xffff, v29;
	v59 =	vmul.f32 v48, v18  }
0x13f: {  	s10 =	simm.s32 $0x3;
	v29 =	vadd.s32 v10, v36;
	v30 =	vld.idx.msk [tilespmem:v31+s21+$0x0], $0xffff  }
0x140: {  	v58 =	vadd.s32 s10, v6;
	v40 =	vld.idx.msk [tilespmem:v49+s21+$0x0], $0xffff;
	[tilespmem:v11+s26+$0x0] =	vst.idx.msk $0xffff, v59;
	v33 =	vmul.f32 v57, v26  }
0x141: {  	[tilespmem:v54+s26+$0x0] =	vst.idx.msk $0xffff, v12;
	v11 =	vadd.s32 v9, v41;
	v60 =	vld.idx.msk [tilespmem:v28+s21+$0x0], $0xffff;
	v12 =	vmul.f32 v13, v17  }
0x142: {  	v50 =	vmul.f32 v50, v26;
	v32 =	vld.idx.msk [tilespmem:v42+s21+$0x0], $0xffff;
	v13 =	vadd.s32 v9, v35;
	[tilespmem:v45+s26+$0x0] =	vst.idx.msk $0xffff, v33  }
0x143: {  	vm10 =	vgt.u32 v58, $0x27;
	v51 =	vadd.s32 s10, v7;
	[tilespmem:v43+s26+$0x0] =	vst.idx.msk $0xffff, v12;
	v45 =	vld.idx.msk [tilespmem:v34+s21+$0x0], $0xffff  }
0x144: {  	v52 =	vadd.s32 v9, v37;
	[tilespmem:v47+s26+$0x0] =	vst.idx.msk $0xffff, v50;
	v30 =	vmul.f32 v30, v26;
	v12 =	vld.idx.msk [tilespmem:v29+s21+$0x0], $0xffff  }
0x145: {  	v47 =	vadd.s32 v10, v27;
	v55 =	vmul.f32 v40, v26;
	v33 =	vadd.s32 v9, v39  }
0x146: {  	v40 =	vsel vm10, v51, v58;
	v57 =	vld.idx.msk [tilespmem:v11+s21+$0x0], $0xffff;
	[tilespmem:v31+s26+$0x0] =	vst.idx.msk $0xffff, v30;
	v56 =	vmul.f32 v60, v26  }
0x147: {  	[tilespmem:v49+s26+$0x0] =	vst.idx.msk $0xffff, v55;
	v43 =	vadd.s32 v10, v38;
	v30 =	vmul.f32 v32, v17;
	v58 =	vld.idx.msk [tilespmem:v13+s21+$0x0], $0xffff  }
0x148: {  	v31 =	vadd.s32 v5, v36;
	[tilespmem:v28+s26+$0x0] =	vst.idx.msk $0xffff, v56;
	v56 =	vmul.f32 v45, v17  }
0x149: {  	s8 =	simm.s32 $0xC;
	v59 =	vld.idx.msk [tilespmem:v52+s21+$0x0], $0xffff;
	[tilespmem:v42+s26+$0x0] =	vst.idx.msk $0xffff, v30;
	v30 =	vadd.s32 v4, v40;
	v12 =	vmul.f32 v12, v25  }
0x14a: {  	v14 =	vadd.s32 s8, v7;
	v53 =	vadd.s32 v10, v35;
	v28 =	vld.idx.msk [tilespmem:v33+s21+$0x0], $0xffff;
	[tilespmem:v34+s26+$0x0] =	vst.idx.msk $0xffff, v56  }
0x14b: {  	v1 =	vlaneseq.u32;
	s10 =	simm.s32 $0xB;
	v51 =	vadd.s32 v10, v41;
	v60 =	vld.idx.msk [tilespmem:v47+s21+$0x0], $0xffff;
	[tilespmem:v29+s26+$0x0] =	vst.idx.msk $0xffff, v12;
	v12 =	vmul.f32 v57, v17  }
0x14c: {  	v21 =	vmovc v61;
	v15 =	vadd.s32 s10, v1;
	v49 =	vadd.s32 v10, v37;
	v32 =	vmul.f32 v58, v17;
	v58 =	vld.idx.msk [tilespmem:v43+s21+$0x0], $0xffff  }
0x14d: {  	v46 =	vadd.s32 v63, v35;
	v44 =	vadd.s32 v62, v41;
	v57 =	vld.idx.msk [tilespmem:v31+s21+$0x0], $0xffff;
	[tilespmem:v11+s26+$0x0] =	vst.idx.msk $0xffff, v12  }
0x14e: {  	v54 =	vadd.s32 v10, v39;
	v59 =	vmul.f32 v59, v17;
	v12 =	vld.idx.msk [tilespmem:v30+s21+$0x0], $0xffff;
	[tilespmem:v13+s26+$0x0] =	vst.idx.msk $0xffff, v32  }
0x14f: {  	v42 =	vadd.s32 v61, v27;
	v11 =	vadd.s32 v5, v27;
	v28 =	vmul.f32 v28, v17;
	v50 =	vld.idx.msk [tilespmem:v53+s21+$0x0], $0xffff  }
0x150: {  	[tilespmem:v52+s26+$0x0] =	vst.idx.msk $0xffff, v59;
	v13 =	vmul.f32 v60, v25;
	v32 =	vadd.s32 v62, v36;
	v60 =	vld.idx.msk [tilespmem:v51+s21+$0x0], $0xffff  }
0x151: {  	s18 =	simm.s32 $0xA;
	v52 =	vld.idx.msk [tilespmem:v49+s21+$0x0], $0xffff;
	[tilespmem:v33+s26+$0x0] =	vst.idx.msk $0xffff, v28;
	v28 =	vadd.s32 v5, v38;
	v48 =	vmul.f32 v58, v25  }
0x152: {  	v61 =	vadd.s32 s18, v7;
	[tilespmem:v47+s26+$0x0] =	vst.idx.msk $0xffff, v13;
	v13 =	vadd.s32 v8, v40;
	v34 =	vmul.f32 v57, v23  }
0x153: {  	v56 =	vadd.s32 v5, v35;
	v57 =	vld.idx.msk [tilespmem:v54+s21+$0x0], $0xffff;
	v12 =	vmul.f32 v12, v18;
	[tilespmem:v43+s26+$0x0] =	vst.idx.msk $0xffff, v48  }
0x154: {  	v29 =	vadd.s32 v5, v41;
	v55 =	vld.idx.msk [tilespmem:v11+s21+$0x0], $0xffff;
	[tilespmem:v31+s26+$0x0] =	vst.idx.msk $0xffff, v34;
	v59 =	vmul.f32 v50, v25  }
0x155: {  	v31 =	vadd.s32 v5, v37;
	v33 =	vmul.f32 v60, v25;
	v34 =	vld.idx.msk [tilespmem:v32+s21+$0x0], $0xffff;
	[tilespmem:v30+s26+$0x0] =	vst.idx.msk $0xffff, v12  }
0x156: {  	v50 =	vadd.s32 v5, v39;
	v12 =	vld.idx.msk [tilespmem:v28+s21+$0x0], $0xffff;
	v30 =	vmul.f32 v52, v25;
	[tilespmem:v53+s26+$0x0] =	vst.idx.msk $0xffff, v59  }
0x157: {  	v45 =	vadd.s32 v63, v41;
	v43 =	vadd.s32 v62, v27;
	v52 =	vld.idx.msk [tilespmem:v13+s21+$0x0], $0xffff;
	[tilespmem:v51+s26+$0x0] =	vst.idx.msk $0xffff, v33  }
0x158: {  	s11 =	simm.s32 $0x8;
	v41 =	vadd.s32 v21, v41;
	v60 =	vld.idx.msk [tilespmem:v56+s21+$0x0], $0xffff;
	[tilespmem:v49+s26+$0x0] =	vst.idx.msk $0xffff, v30;
	v30 =	vmul.f32 v57, v25  }
0x159: {  	v47 =	vadd.s32 v63, v37;
	v58 =	vadd.s32 s11, v6;
	v57 =	vld.idx.msk [tilespmem:v29+s21+$0x0], $0xffff;
	v53 =	vmul.f32 v55, v23  }
0x15a: {  	v48 =	vadd.s32 v9, v40;
	v51 =	vadd.s32 v63, v36;
	v33 =	vld.idx.msk [tilespmem:v31+s21+$0x0], $0xffff;
	[tilespmem:v54+s26+$0x0] =	vst.idx.msk $0xffff, v30  }
0x15b: {  	vm3 =	vgt.u32 v58, $0x27;
	v59 =	vadd.s32 s11, v7;
	[tilespmem:v11+s26+$0x0] =	vst.idx.msk $0xffff, v53;
	v11 =	vadd.s32 v63, v27;
	v27 =	vld.idx.msk [tilespmem:v50+s21+$0x0], $0xffff  }
0x15c: {  	v49 =	vadd.s32 v62, v39;
	v54 =	vadd.s32 v62, v35;
	v34 =	vmul.f32 v34, v19;
	v30 =	vld.idx.msk [tilespmem:v43+s21+$0x0], $0xffff  }
0x15d: {  	v24 =	vmovc v62;
	s6 =	simm.s32 $0x9;
	v12 =	vmul.f32 v12, v23;
	v53 =	vadd.s32 v62, v37;
	v62 =	vadd.s32 s18, v1  }
0x15e: {  	v16 =	vmovc v20;
	v55 =	vmul.f32 v60, v23;
	v60 =	vadd.s32 s6, v6;
	v57 =	vmul.f32 v57, v23  }
0x15f: {  	v20 =	vmovc v63;
	v63 =	vadd.s32 s8, v1;
	v52 =	vmul.f32 v52, v26;
	[tilespmem:v32+s26+$0x0] =	vst.idx.msk $0xffff, v34;
	vm2 =	vgt.u32 v60, $0x27  }
0x160: {  	s11 =	simm.s32 $0xD;
	v0 =	vmul.f32 v33, v23;
	[tilespmem:v29+s26+$0x0] =	vst.idx.msk $0xffff, v57;
	v57 =	vadd.s32 s6, v7;
	v29 =	vsel vm3, v59, v58  }
0x161: {  	s8 =	simm.s32 $0xF;
	[tilespmem:v56+s26+$0x0] =	vst.idx.msk $0xffff, v55;
	v32 =	vmul.f32 v27, v23;
	v27 =	vadd.s32 s11, v1;
	v34 =	vmul.f32 v30, v19  }
0x162: {  	v56 =	vld.idx.msk [tilespmem:v54+s21+$0x0], $0xffff;
	[tilespmem:v31+s26+$0x0] =	vst.idx.msk $0xffff, v0;
	vm4 =	vgt.u32 v27, $0x27;
	v30 =	vadd.s32 s11, v7;
	v31 =	vadd.s32 s8, v1  }
0x163: {  	[tilespmem:v28+s26+$0x0] =	vst.idx.msk $0xffff, v12;
	v58 =	vld.idx.msk [tilespmem:v44+s21+$0x0], $0xffff;
	v0 =	vadd.s32 s8, v7;
	v30 =	vsel vm4, v30, v27;
	vm13 =	vgt.u32 v31, $0x27  }
0x164: {  	s18 =	simm.s32 $0xE;
	v55 =	vld.idx.msk [tilespmem:v53+s21+$0x0], $0xffff;
	[tilespmem:v50+s26+$0x0] =	vst.idx.msk $0xffff, v32;
	v27 =	vsel vm13, v0, v31;
	v31 =	vsel vm2, v57, v60  }
0x165: {  	vm15 =	vgt.u32 v63, $0x27;
	v32 =	vadd.s32 s18, v1;
	[tilespmem:v43+s26+$0x0] =	vst.idx.msk $0xffff, v34;
	v0 =	vadd.s32 v24, v31  }
0x166: {  	v50 =	vadd.s32 s18, v7;
	v12 =	vld.idx.msk [tilespmem:v49+s21+$0x0], $0xffff;
	vm14 =	vgt.u32 v32, $0x27;
	v59 =	vadd.s32 v4, v27;
	[tilespmem:$0x1FF60] =	vst v0  }
0x167: {  	v34 =	vsel vm15, v14, v63;
	v32 =	vsel vm14, v50, v32;
	v14 =	vmul.f32 v56, v19;
	v50 =	vld.idx.msk [tilespmem:v51+s21+$0x0], $0xffff  }
0x168: {  	vm12 =	vgt.u32 v15, $0x27;
	vm11 =	vgt.u32 v62, $0x27;
	v63 =	vmul.f32 v58, v19;
	v60 =	vld.idx.msk [tilespmem:v11+s21+$0x0], $0xffff;
	[tilespmem:v13+s26+$0x0] =	vst.idx.msk $0xffff, v52  }
0x169: {  	v57 =	vadd.s32 v4, v32;
	v55 =	vmul.f32 v55, v19;
	v58 =	vld.idx.msk [tilespmem:v48+s21+$0x0], $0xffff;
	[tilespmem:v54+s26+$0x0] =	vst.idx.msk $0xffff, v14  }
0x16a: {  	v43 =	vsel vm11, v61, v62;
	v61 =	vadd.s32 v4, v31;
	[tilespmem:v44+s26+$0x0] =	vst.idx.msk $0xffff, v63;
	v44 =	vld.idx.msk [tilespmem:v46+s21+$0x0], $0xffff  }
0x16b: {  	v52 =	vadd.s32 v4, v43;
	v12 =	vmul.f32 v12, v19;
	v56 =	vld.idx.msk [tilespmem:v59+s21+$0x0], $0xffff;
	[tilespmem:v53+s26+$0x0] =	vst.idx.msk $0xffff, v55  }
0x16c: {  	v28 =	vadd.s32 s10, v7;
	v54 =	vadd.s32 v4, v30;
	v13 =	vld.idx.msk [tilespmem:v47+s21+$0x0], $0xffff;
	v50 =	vmul.f32 v50, v22  }
0x16d: {  	v28 =	vsel vm12, v28, v15;
	[tilespmem:v49+s26+$0x0] =	vst.idx.msk $0xffff, v12;
	v12 =	vld.idx.msk [tilespmem:v45+s21+$0x0], $0xffff;
	v49 =	vmul.f32 v60, v22  }
0x16e: {  	v15 =	vadd.s32 v4, v34;
	v53 =	vadd.s32 v8, v27;
	v60 =	vld.idx.msk [tilespmem:v57+s21+$0x0], $0xffff;
	[tilespmem:v51+s26+$0x0] =	vst.idx.msk $0xffff, v50  }
0x16f: {  	v51 =	vld.idx.msk [tilespmem:v61+s21+$0x0], $0xffff;
	[tilespmem:v11+s26+$0x0] =	vst.idx.msk $0xffff, v49;
	v11 =	vadd.s32 v10, v40;
	v50 =	vmul.f32 v58, v17  }
0x170: {  	v14 =	vadd.s32 v8, v30;
	v49 =	vadd.s32 v4, v29;
	v62 =	vmul.f32 v56, v18;
	v56 =	vld.idx.msk [tilespmem:v52+s21+$0x0], $0xffff  }
0x171: {  	v58 =	vadd.s32 v21, v35;
	v13 =	vmul.f32 v13, v22;
	[tilespmem:v48+s26+$0x0] =	vst.idx.msk $0xffff, v50;
	v48 =	vld.idx.msk [tilespmem:v54+s21+$0x0], $0xffff  }
0x172: {  	v55 =	vadd.s32 v8, v34;
	v44 =	vmul.f32 v44, v22;
	[tilespmem:v59+s26+$0x0] =	vst.idx.msk $0xffff, v62;
	v62 =	vld.idx.msk [tilespmem:v42+s21+$0x0], $0xffff  }
0x173: {  	v12 =	vmul.f32 v12, v22;
	[tilespmem:v47+s26+$0x0] =	vst.idx.msk $0xffff, v13;
	v13 =	vadd.s32 v8, v31;
	v47 =	vld.idx.msk [tilespmem:v53+s21+$0x0], $0xffff  }
0x174: {  	[tilespmem:v46+s26+$0x0] =	vst.idx.msk $0xffff, v44;
	v44 =	vadd.s32 v8, v43;
	v46 =	vmul.f32 v60, v18;
	v50 =	vld.idx.msk [tilespmem:v11+s21+$0x0], $0xffff  }
0x175: {  	v59 =	vadd.s32 v8, v32;
	[tilespmem:v45+s26+$0x0] =	vst.idx.msk $0xffff, v12;
	v12 =	vld.idx.msk [tilespmem:v49+s21+$0x0], $0xffff;
	v45 =	vmul.f32 v51, v18  }
0x176: {  	[tilespmem:v57+s26+$0x0] =	vst.idx.msk $0xffff, v46;
	v46 =	vadd.s32 v9, v27;
	v51 =	vmul.f32 v56, v18;
	v56 =	vld.idx.msk [tilespmem:v58+s21+$0x0], $0xffff  }
0x177: {  	[tilespmem:v61+s26+$0x0] =	vst.idx.msk $0xffff, v45;
	v45 =	vld.idx.msk [tilespmem:v15+s21+$0x0], $0xffff;
	v61 =	vadd.s32 v21, v37;
	v57 =	vmul.f32 v62, v16  }
0x178: {  	[tilespmem:v52+s26+$0x0] =	vst.idx.msk $0xffff, v51;
	v51 =	vadd.s32 v5, v40;
	v37 =	vld.idx.msk [tilespmem:v13+s21+$0x0], $0xffff;
	v47 =	vmul.f32 v47, v26  }
0x179: {  	v35 =	vadd.s32 v21, v38;
	v48 =	vmul.f32 v48, v18;
	v52 =	vld.idx.msk [tilespmem:v44+s21+$0x0], $0xffff;
	[tilespmem:v42+s26+$0x0] =	vst.idx.msk $0xffff, v57  }
0x17a: {  	v60 =	vadd.s32 v9, v30;
	v42 =	vld.idx.msk [tilespmem:v59+s21+$0x0], $0xffff;
	[tilespmem:v53+s26+$0x0] =	vst.idx.msk $0xffff, v47;
	v47 =	vmul.f32 v50, v25  }
0x17b: {  	v62 =	vadd.s32 v9, v31;
	[tilespmem:v54+s26+$0x0] =	vst.idx.msk $0xffff, v48;
	v63 =	vmul.f32 v56, v16;
	v48 =	vld.idx.msk [tilespmem:v46+s21+$0x0], $0xffff  }
0x17c: {  	v54 =	vadd.s32 v8, v29;
	v45 =	vmul.f32 v45, v18;
	[tilespmem:v11+s26+$0x0] =	vst.idx.msk $0xffff, v47;
	v11 =	vld.idx.msk [tilespmem:v14+s21+$0x0], $0xffff  }
0x17d: {  	v12 =	vmul.f32 v12, v18;
	v56 =	vadd.s32 v20, v39;
	[tilespmem:v58+s26+$0x0] =	vst.idx.msk $0xffff, v63;
	v53 =	vld.idx.msk [tilespmem:v51+s21+$0x0], $0xffff  }
0x17e: {  	v47 =	vadd.s32 v9, v43;
	[tilespmem:v15+s26+$0x0] =	vst.idx.msk $0xffff, v45;
	v15 =	vld.idx.msk [tilespmem:v61+s21+$0x0], $0xffff;
	v63 =	vmul.f32 v52, v26  }
0x17f: {  	[tilespmem:v49+s26+$0x0] =	vst.idx.msk $0xffff, v12;
	v12 =	vld.idx.msk [tilespmem:v41+s21+$0x0], $0xffff;
	v52 =	vadd.s32 v10, v27;
	v49 =	vmul.f32 v37, v26  }
0x180: {  	v57 =	vadd.s32 v9, v32;
	v58 =	vld.idx.msk [tilespmem:v55+s21+$0x0], $0xffff;
	[tilespmem:v44+s26+$0x0] =	vst.idx.msk $0xffff, v63;
	v48 =	vmul.f32 v48, v17  }
0x181: {  	v50 =	vadd.s32 v9, v34;
	v44 =	vld.idx.msk [tilespmem:v54+s21+$0x0], $0xffff;
	[tilespmem:v13+s26+$0x0] =	vst.idx.msk $0xffff, v49;
	v11 =	vmul.f32 v11, v26  }
0x182: {  	v63 =	vadd.s32 v24, v40;
	v1 =	vld.idx.msk [tilespmem:v56+s21+$0x0], $0xffff;
	[tilespmem:v46+s26+$0x0] =	vst.idx.msk $0xffff, v48;
	v53 =	vmul.f32 v53, v23  }
0x183: {  	v37 =	vadd.s32 v21, v36;
	v45 =	vld.idx.msk [tilespmem:v47+s21+$0x0], $0xffff;
	v15 =	vmul.f32 v15, v16;
	[tilespmem:v14+s26+$0x0] =	vst.idx.msk $0xffff, v11  }
0x184: {  	v46 =	vadd.s32 v9, v29;
	v11 =	vmul.f32 v42, v26;
	v42 =	vld.idx.msk [tilespmem:v52+s21+$0x0], $0xffff;
	[tilespmem:v51+s26+$0x0] =	vst.idx.msk $0xffff, v53  }
0x185: {  	v36 =	vadd.s32 v21, v40;
	v48 =	vld.idx.msk [tilespmem:v60+s21+$0x0], $0xffff;
	v51 =	vmul.f32 v58, v26;
	[tilespmem:v61+s26+$0x0] =	vst.idx.msk $0xffff, v15  }
0x186: {  	v44 =	vmul.f32 v44, v26;
	v15 =	vld.idx.msk [tilespmem:v62+s21+$0x0], $0xffff;
	v58 =	vadd.s32 v24, v38;
	[tilespmem:v59+s26+$0x0] =	vst.idx.msk $0xffff, v11  }
0x187: {  	v12 =	vmul.f32 v12, v16;
	v11 =	vadd.s32 v10, v43;
	v53 =	vld.idx.msk [tilespmem:v63+s21+$0x0], $0xffff;
	[tilespmem:v55+s26+$0x0] =	vst.idx.msk $0xffff, v51  }
0x188: {  	v59 =	vadd.s32 v5, v27;
	v45 =	vmul.f32 v45, v17;
	v55 =	vld.idx.msk [tilespmem:v57+s21+$0x0], $0xffff;
	[tilespmem:v54+s26+$0x0] =	vst.idx.msk $0xffff, v44  }
0x189: {  	v13 =	vadd.s32 v10, v30;
	[tilespmem:v41+s26+$0x0] =	vst.idx.msk $0xffff, v12;
	v12 =	vadd.s32 v4, v28;
	v61 =	vld.idx.msk [tilespmem:v46+s21+$0x0], $0xffff  }
0x18a: {  	v49 =	vadd.s32 v10, v32;
	[tilespmem:v47+s26+$0x0] =	vst.idx.msk $0xffff, v45;
	v47 =	vld.idx.msk [tilespmem:v50+s21+$0x0], $0xffff;
	v45 =	vmul.f32 v42, v25  }
0x18b: {  	v44 =	vadd.s32 v10, v31;
	v51 =	vadd.s32 v20, v38;
	v48 =	vmul.f32 v48, v17;
	v38 =	vld.idx.msk [tilespmem:v58+s21+$0x0], $0xffff  }
0x18c: {  	v42 =	vadd.s32 v21, v39;
	v15 =	vmul.f32 v15, v17;
	v39 =	vld.idx.msk [tilespmem:v11+s21+$0x0], $0xffff;
	[tilespmem:v52+s26+$0x0] =	vst.idx.msk $0xffff, v45  }
0x18d: {  	v54 =	vadd.s32 v10, v34;
	v45 =	vadd.s32 v20, v40;
	[tilespmem:v60+s26+$0x0] =	vst.idx.msk $0xffff, v48;
	v40 =	vld.idx.msk [tilespmem:v59+s21+$0x0], $0xffff  }
0x18e: {  	v52 =	vmul.f32 v53, v19;
	v48 =	vmul.f32 v55, v17;
	[tilespmem:v62+s26+$0x0] =	vst.idx.msk $0xffff, v15;
	v62 =	vld.idx.msk [tilespmem:v12+s21+$0x0], $0xffff  }
0x18f: {  	v53 =	vadd.s32 v10, v29;
	v55 =	vld.idx.msk [tilespmem:v13+s21+$0x0], $0xffff;
	[tilespmem:$0x1FF70] =	vst v17;
	v15 =	vmul.f32 v47, v17  }
0x190: {  	v60 =	vadd.s32 v5, v43;
	v47 =	vmul.f32 v61, v17;
	[tilespmem:v57+s26+$0x0] =	vst.idx.msk $0xffff, v48  }
0x191: {  	v61 =	vld.idx.msk [tilespmem:v44+s21+$0x0], $0xffff;
	v38 =	vmul.f32 v38, v19;
	[tilespmem:v50+s26+$0x0] =	vst.idx.msk $0xffff, v15  }
0x192: {  	v39 =	vmul.f32 v39, v25;
	v15 =	vld.idx.msk [tilespmem:v49+s21+$0x0], $0xffff;
	[tilespmem:v46+s26+$0x0] =	vst.idx.msk $0xffff, v47  }
0x193: {  	v0 =	vmov v16;
	v41 =	vld.idx.msk [tilespmem:v54+s21+$0x0], $0xffff;
	[tilespmem:v58+s26+$0x0] =	vst.idx.msk $0xffff, v38  }
0x194: {  	v16 =	vadd.s32 v24, v27;
	v46 =	vld.idx.msk [tilespmem:v53+s21+$0x0], $0xffff;
	[tilespmem:v11+s26+$0x0] =	vst.idx.msk $0xffff, v39;
	v11 =	vmul.f32 v40, v23  }
0x195: {  	v17 =	vadd.s32 v5, v30;
	v57 =	vmul.f32 v55, v25;
	v50 =	vld.idx.msk [tilespmem:v60+s21+$0x0], $0xffff;
	[tilespmem:$0x1FF80] =	vst v18  }
0x196: {  	v47 =	vadd.s32 v8, v28;
	v62 =	vmul.f32 v62, v18;
	[tilespmem:v59+s26+$0x0] =	vst.idx.msk $0xffff, v11  }
0x197: {  	[tilespmem:v13+s26+$0x0] =	vst.idx.msk $0xffff, v57;
	v11 =	vmul.f32 v1, v22  }
0x198: {  	v18 =	vld.idx.msk [tilespmem:v51+s21+$0x0], $0xffff;
	[tilespmem:v12+s26+$0x0] =	vst.idx.msk $0xffff, v62  }
0x199: {  	v57 =	vadd.s32 v5, v34;
	v12 =	vld.idx.msk [tilespmem:v16+s21+$0x0], $0xffff;
	[tilespmem:v56+s26+$0x0] =	vst.idx.msk $0xffff, v11;
	v11 =	vmul.f32 v41, v25  }
0x19a: {  	[tilespmem:v63+s26+$0x0] =	vst.idx.msk $0xffff, v52;
	v13 =	vld.idx.msk [tilespmem:v17+s21+$0x0], $0xffff;
	v15 =	vmul.f32 v15, v25  }
0x19b: {  	v58 =	vadd.s32 v5, v32;
	v52 =	vld.idx.msk [tilespmem:v47+s21+$0x0], $0xffff;
	[tilespmem:v54+s26+$0x0] =	vst.idx.msk $0xffff, v11;
	v11 =	vmul.f32 v61, v25  }
0x19c: {  	v14 =	vld.idx.msk [tilespmem:v42+s21+$0x0], $0xffff;
	[tilespmem:v49+s26+$0x0] =	vst.idx.msk $0xffff, v15  }
0x19d: {  	v48 =	vadd.s32 v5, v31;
	v15 =	vld.idx.msk [tilespmem:v45+s21+$0x0], $0xffff;
	v50 =	vmul.f32 v50, v23;
	[tilespmem:v44+s26+$0x0] =	vst.idx.msk $0xffff, v11  }
0x19e: {  	v55 =	vadd.s32 v24, v43;
	v63 =	vld.idx.msk [tilespmem:v57+s21+$0x0], $0xffff;
	[tilespmem:$0x1FF90] =	vst v25  }
0x19f: {  	v46 =	vmul.f32 v46, v25;
	[tilespmem:v60+s26+$0x0] =	vst.idx.msk $0xffff, v50  }
0x1a0: {  	v38 =	vadd.s32 v21, v43;
	v56 =	vadd.s32 v5, v29;
	v11 =	vld.idx.msk [tilespmem:v58+s21+$0x0], $0xffff;
	[tilespmem:$0x1FFA0] =	vst v19  }
0x1a1: {  	v39 =	vadd.s32 v20, v31;
	v44 =	vadd.s32 v20, v27;
	[tilespmem:v53+s26+$0x0] =	vst.idx.msk $0xffff, v46  }
0x1a2: {  	v40 =	vadd.s32 v20, v34;
	v12 =	vmul.f32 v12, v19;
	v62 =	vld.idx.msk [tilespmem:v48+s21+$0x0], $0xffff;
	[tilespmem:$0x1FFB0] =	vst v23  }
0x1a3: {  	v13 =	vmul.f32 v13, v23;
	v46 =	vadd.s32 v20, v43;
	v43 =	vld.idx.msk [tilespmem:v55+s21+$0x0], $0xffff;
	[tilespmem:$0x1FFC0] =	vst v26  }
0x1a4: {  	v3 =	vmov v4;
	v41 =	vadd.s32 v20, v32;
	v49 =	vadd.s32 v9, v28;
	[tilespmem:v16+s26+$0x0] =	vst.idx.msk $0xffff, v12  }
0x1a5: {  	v54 =	vadd.s32 v24, v32;
	v59 =	vmul.f32 v52, v26;
	v61 =	vld.idx.msk [tilespmem:v56+s21+$0x0], $0xffff;
	[tilespmem:v17+s26+$0x0] =	vst.idx.msk $0xffff, v13  }
0x1a6: {  	v33 =	vmov v5;
	v50 =	vadd.s32 v24, v29;
	v60 =	vmul.f32 v14, v0;
	v52 =	vld.idx.msk [tilespmem:v44+s21+$0x0], $0xffff;
	[tilespmem:$0x1FFD0] =	vst v0  }
0x1a7: {  	s6 =	simm.s32 $0x10;
	v53 =	vadd.s32 v24, v34;
	v12 =	vmul.f32 v18, v22;
	v13 =	vmul.f32 v15, v22;
	[tilespmem:$0x1FFE0] =	vst v22  }
.LBB2_9:
0x1a8: {  	v24 =	vld [tilespmem:$0x1FFB0];
	_ =	sdelay $0x1  }
0x1a9: {  	v4 =	vld [tilespmem:$0x1FF60]  }
0x1aa: {  	v5 =	vlaneseq.u32;
	v23 =	vld [tilespmem:$0x1FFA0]  }
0x1ab: {  	v15 =	vadd.s32 s6, v7;
	s7 =	sadd.s32 $0x1, s6;
	s8 =	sadd.s32 $0x2, s6;
	v22 =	vld [tilespmem:$0x1FFD0];
	v14 =	vadd.s32 s6, v5;
	[tilespmem:v51+s26+$0x0] =	vst.idx.msk $0xffff, v12  }
0x1ac: {  	v12 =	vld.idx.msk [tilespmem:v37+s21+$0x0], $0xffff;
	v17 =	vadd.s32 s7, v5;
	v18 =	vadd.s32 s8, v7;
	[tilespmem:v45+s26+$0x0] =	vst.idx.msk $0xffff, v13;
	v16 =	vmul.f32 v63, v24  }
0x1ad: {  	s10 =	smov.u32 s6;
	v45 =	vmovc v30;
	[tilespmem:v42+s26+$0x0] =	vst.idx.msk $0xffff, v60;
	v60 =	vadd.s32 s7, v7;
	vm3 =	vgt.u32 v14, $0x27;
	v11 =	vmul.f32 v11, v24  }
0x1ae: {  	v25 =	vld [tilespmem:$0x1FFF0];
	s11 =	sadd.s32 $0x6, s10;
	v42 =	vmov v29;
	v29 =	vsel vm3, v15, v14;
	v51 =	vmul.f32 v62, v24;
	[tilespmem:v57+s26+$0x0] =	vst.idx.msk $0xffff, v16  }
0x1af: {  	vm2 =	vgt.u32 v17, $0x27;
	v14 =	vadd.s32 s11, v5;
	v13 =	vld.idx.msk [tilespmem:v35+s21+$0x0], $0xffff;
	v30 =	vmul.f32 v61, v24;
	[tilespmem:v58+s26+$0x0] =	vst.idx.msk $0xffff, v11  }
0x1b0: {  	s18 =	sadd.s32 $0x4, s6;
	v19 =	vld [tilespmem:$0x1FFE0];
	vm14 =	vgt.u32 v14, $0x27;
	v63 =	vadd.s32 s8, v5;
	v43 =	vmul.f32 v43, v23;
	[tilespmem:v48+s26+$0x0] =	vst.idx.msk $0xffff, v51  }
0x1b1: {  	s8 =	sadd.s32 $0x3, s10;
	v62 =	vadd.s32 s18, v7;
	v12 =	vmul.f32 v12, v22;
	v16 =	vld.idx.msk [tilespmem:v36+s21+$0x0], $0xffff;
	v57 =	vadd.s32 s18, v5;
	s18 =	sadd.s32 $0x5, s10;
	[tilespmem:v56+s26+$0x0] =	vst.idx.msk $0xffff, v30  }
0x1b2: {  	v11 =	vadd.s32 s8, v5;
	[tilespmem:v55+s26+$0x0] =	vst.idx.msk $0xffff, v43;
	v48 =	vld.idx.msk [tilespmem:v54+s21+$0x0], $0xffff;
	v58 =	vadd.s32 s18, v5;
	v0 =	vadd.s32 s18, v7;
	s18 =	sadd.s32 $0x7, s10  }
0x1b3: {  	v55 =	vmovc v31;
	v31 =	vsel vm2, v60, v17;
	v2 =	vld.idx.msk [tilespmem:v53+s21+$0x0], $0xffff;
	vm4 =	vgt.u32 v58, $0x27;
	v51 =	vmovc v27;
	v27 =	vadd.s32 s18, v5  }
0x1b4: {  	v61 =	vld.idx.msk [tilespmem:v4+s21+$0x0], $0xffff;
	[tilespmem:v37+s26+$0x0] =	vst.idx.msk $0xffff, v12;
	v56 =	vadd.s32 s18, v7;
	v13 =	vmul.f32 v13, v22;
	vm13 =	vgt.u32 v27, $0x27  }
0x1b5: {  	v1 =	vld.idx.msk [tilespmem:v50+s21+$0x0], $0xffff;
	v12 =	vadd.s32 s11, v7;
	v37 =	vmovc v32;
	v30 =	vsel vm4, v0, v58;
	v27 =	vsel vm13, v56, v27  }
0x1b6: {  	[tilespmem:v35+s26+$0x0] =	vst.idx.msk $0xffff, v13;
	v58 =	vmov v4;
	v4 =	vadd.s32 v25, v31;
	v5 =	vmul.f32 v16, v22  }
0x1b7: {  	v26 =	vld [tilespmem:$0x1FF90];
	v32 =	vsel vm14, v12, v14;
	v15 =	vadd.s32 v3, v27;
	[tilespmem:$0x1FF60] =	vst v4;
	v14 =	vmul.f32 v48, v23  }
0x1b8: {  	vm1 =	vgt.u32 v63, $0x27;
	v0 =	vld.idx.msk [tilespmem:v46+s21+$0x0], $0xffff;
	[tilespmem:v36+s26+$0x0] =	vst.idx.msk $0xffff, v5  }
0x1b9: {  	v43 =	vsel vm1, v18, v63;
	v63 =	vmul.f32 v52, v19;
	v4 =	vld [tilespmem:$0x1FF70];
	[tilespmem:v54+s26+$0x0] =	vst.idx.msk $0xffff, v14  }
0x1ba: {  	v12 =	vadd.s32 v3, v32;
	v2 =	vmul.f32 v2, v23;
	[tilespmem:v47+s26+$0x0] =	vst.idx.msk $0xffff, v59;
	v35 =	vld.idx.msk [tilespmem:v41+s21+$0x0], $0xffff  }
0x1bb: {  	vm0 =	vgt.u32 v11, $0x27;
	v18 =	vadd.s32 v3, v31;
	v13 =	vadd.s32 s8, v7;
	v48 =	vmovc v28;
	v54 =	vld.idx.msk [tilespmem:v49+s21+$0x0], $0xffff  }
0x1bc: {  	v28 =	vsel vm0, v13, v11;
	v14 =	vmul.f32 v61, v23;
	[tilespmem:v53+s26+$0x0] =	vst.idx.msk $0xffff, v2;
	v13 =	vld.idx.msk [tilespmem:v15+s21+$0x0], $0xffff  }
0x1bd: {  	v1 =	vmul.f32 v1, v23;
	v36 =	vadd.s32 v3, v43;
	[tilespmem:v44+s26+$0x0] =	vst.idx.msk $0xffff, v63;
	v63 =	vld [tilespmem:$0x1FF80]  }
0x1be: {  	v0 =	vmul.f32 v0, v19;
	[tilespmem:v58+s26+$0x0] =	vst.idx.msk $0xffff, v14;
	v14 =	vld.idx.msk [tilespmem:v40+s21+$0x0], $0xffff  }
0x1bf: {  	v60 =	vmov v34;
	vm15 =	vgt.u32 v57, $0x27;
	[tilespmem:v50+s26+$0x0] =	vst.idx.msk $0xffff, v1;
	v53 =	vld.idx.msk [tilespmem:v12+s21+$0x0], $0xffff  }
0x1c0: {  	v34 =	vsel vm15, v62, v57;
	[tilespmem:v46+s26+$0x0] =	vst.idx.msk $0xffff, v0;
	v46 =	vadd.s32 v3, v29;
	v1 =	vld.idx.msk [tilespmem:v39+s21+$0x0], $0xffff  }
0x1c1: {  	v56 =	vadd.s32 v8, v32;
	v52 =	vadd.s32 v8, v27;
	v17 =	vld.idx.msk [tilespmem:v18+s21+$0x0], $0xffff;
	v35 =	vmul.f32 v35, v19  }
0x1c2: {  	v16 =	vadd.s32 v21, v60;
	v50 =	vadd.s32 v3, v30;
	v44 =	vld.idx.msk [tilespmem:v36+s21+$0x0], $0xffff;
	v13 =	vmul.f32 v13, v63  }
0x1c3: {  	v0 =	vadd.s32 v10, v48;
	v14 =	vmul.f32 v14, v19;
	[tilespmem:v41+s26+$0x0] =	vst.idx.msk $0xffff, v35;
	v35 =	vld [tilespmem:$0x1FFC0]  }
0x1c4: {  	v11 =	vadd.s32 v3, v34;
	[tilespmem:v15+s26+$0x0] =	vst.idx.msk $0xffff, v13;
	v13 =	vld.idx.msk [tilespmem:v38+s21+$0x0], $0xffff;
	v15 =	vmul.f32 v54, v4  }
0x1c5: {  	v2 =	vadd.s32 v8, v30;
	v61 =	vmul.f32 v53, v63;
	[tilespmem:v40+s26+$0x0] =	vst.idx.msk $0xffff, v14;
	v14 =	vld.idx.msk [tilespmem:v46+s21+$0x0], $0xffff  }
0x1c6: {  	v1 =	vmul.f32 v1, v19;
	v59 =	vld.idx.msk [tilespmem:v52+s21+$0x0], $0xffff;
	[tilespmem:v49+s26+$0x0] =	vst.idx.msk $0xffff, v15;
	v15 =	vadd.s32 v8, v43  }
0x1c7: {  	v58 =	vadd.s32 v8, v31;
	v60 =	vld.idx.msk [tilespmem:v50+s21+$0x0], $0xffff;
	v17 =	vmul.f32 v17, v63;
	[tilespmem:v12+s26+$0x0] =	vst.idx.msk $0xffff, v61  }
0x1c8: {  	v12 =	vadd.s32 v9, v27;
	[tilespmem:v39+s26+$0x0] =	vst.idx.msk $0xffff, v1;
	v1 =	vmul.f32 v44, v63;
	v62 =	vld.idx.msk [tilespmem:v0+s21+$0x0], $0xffff  }
0x1c9: {  	v44 =	vld.idx.msk [tilespmem:v16+s21+$0x0], $0xffff;
	[tilespmem:v18+s26+$0x0] =	vst.idx.msk $0xffff, v17;
	v18 =	vadd.s32 v21, v37;
	v13 =	vmul.f32 v13, v22  }
0x1ca: {  	v57 =	vld.idx.msk [tilespmem:v11+s21+$0x0], $0xffff;
	v37 =	vadd.s32 v21, v51;
	[tilespmem:v36+s26+$0x0] =	vst.idx.msk $0xffff, v1;
	v14 =	vmul.f32 v14, v63  }
0x1cb: {  	v51 =	vadd.s32 v8, v29;
	v1 =	vmul.f32 v59, v35;
	v36 =	vld.idx.msk [tilespmem:v15+s21+$0x0], $0xffff;
	[tilespmem:v38+s26+$0x0] =	vst.idx.msk $0xffff, v13  }
0x1cc: {  	v54 =	vadd.s32 v33, v48;
	v49 =	vld.idx.msk [tilespmem:v58+s21+$0x0], $0xffff;
	v59 =	vmul.f32 v60, v63;
	[tilespmem:v46+s26+$0x0] =	vst.idx.msk $0xffff, v14  }
0x1cd: {  	v38 =	vld.idx.msk [tilespmem:v56+s21+$0x0], $0xffff;
	[tilespmem:v52+s26+$0x0] =	vst.idx.msk $0xffff, v1;
	v1 =	vmul.f32 v62, v26  }
0x1ce: {  	v55 =	vadd.s32 v21, v55;
	v5 =	vadd.s32 v21, v45;
	[tilespmem:v50+s26+$0x0] =	vst.idx.msk $0xffff, v59;
	v60 =	vld.idx.msk [tilespmem:v12+s21+$0x0], $0xffff  }
0x1cf: {  	v47 =	vadd.s32 v8, v34;
	v61 =	vld.idx.msk [tilespmem:v2+s21+$0x0], $0xffff;
	[tilespmem:v0+s26+$0x0] =	vst.idx.msk $0xffff, v1;
	v0 =	vmul.f32 v44, v22  }
0x1d0: {  	[tilespmem:$0x1FED0] =	vst v5;
	v17 =	vmul.f32 v57, v63;
	v57 =	vld.idx.msk [tilespmem:v51+s21+$0x0], $0xffff;
	v1 =	vadd.s32 v9, v43  }
0x1d1: {  	v44 =	vadd.s32 v20, v42;
	v39 =	vld.idx.msk [tilespmem:v54+s21+$0x0], $0xffff;
	[tilespmem:v16+s26+$0x0] =	vst.idx.msk $0xffff, v0;
	v62 =	vmul.f32 v36, v35  }
0x1d2: {  	v40 =	vadd.s32 v9, v30;
	v14 =	vmul.f32 v49, v35;
	v0 =	vld.idx.msk [tilespmem:v18+s21+$0x0], $0xffff;
	[tilespmem:v11+s26+$0x0] =	vst.idx.msk $0xffff, v17  }
0x1d3: {  	v11 =	vadd.s32 v10, v27;
	v17 =	vld.idx.msk [tilespmem:v55+s21+$0x0], $0xffff;
	[tilespmem:v15+s26+$0x0] =	vst.idx.msk $0xffff, v62;
	v15 =	vmul.f32 v60, v4  }
0x1d4: {  	v50 =	vadd.s32 v9, v29;
	[tilespmem:v58+s26+$0x0] =	vst.idx.msk $0xffff, v14;
	v46 =	vld.idx.msk [tilespmem:v47+s21+$0x0], $0xffff;
	v58 =	vmul.f32 v61, v35  }
0x1d5: {  	v5 =	vadd.s32 v33, v30;
	v16 =	vadd.s32 v25, v48;
	v14 =	vld.idx.msk [tilespmem:v1+s21+$0x0], $0xffff;
	[tilespmem:v12+s26+$0x0] =	vst.idx.msk $0xffff, v15  }
0x1d6: {  	v13 =	vadd.s32 v9, v31;
	v49 =	vmul.f32 v57, v35;
	v12 =	vld.idx.msk [tilespmem:v44+s21+$0x0], $0xffff;
	[tilespmem:v2+s26+$0x0] =	vst.idx.msk $0xffff, v58  }
0x1d7: {  	v53 =	vadd.s32 v10, v32;
	v41 =	vadd.s32 v9, v32;
	v15 =	vmul.f32 v39, v24;
	v62 =	vld.idx.msk [tilespmem:v40+s21+$0x0], $0xffff  }
0x1d8: {  	v52 =	vadd.s32 v9, v34;
	v2 =	vmul.f32 v38, v35;
	[tilespmem:v51+s26+$0x0] =	vst.idx.msk $0xffff, v49;
	v38 =	vld.idx.msk [tilespmem:v11+s21+$0x0], $0xffff  }
0x1d9: {  	v0 =	vmul.f32 v0, v22;
	v58 =	vld.idx.msk [tilespmem:v50+s21+$0x0], $0xffff;
	[tilespmem:v54+s26+$0x0] =	vst.idx.msk $0xffff, v15;
	v15 =	vadd.s32 v10, v43  }
0x1da: {  	[tilespmem:v56+s26+$0x0] =	vst.idx.msk $0xffff, v2;
	v56 =	vadd.s32 v25, v45;
	v46 =	vmul.f32 v46, v35;
	v2 =	vld.idx.msk [tilespmem:v16+s21+$0x0], $0xffff  }
0x1db: {  	v54 =	vld.idx.msk [tilespmem:v13+s21+$0x0], $0xffff;
	[tilespmem:v18+s26+$0x0] =	vst.idx.msk $0xffff, v0;
	v18 =	vadd.s32 v33, v27;
	v0 =	vmul.f32 v14, v4  }
0x1dc: {  	v59 =	vadd.s32 v10, v30;
	v17 =	vmul.f32 v17, v22;
	v14 =	vld.idx.msk [tilespmem:v41+s21+$0x0], $0xffff;
	[tilespmem:v47+s26+$0x0] =	vst.idx.msk $0xffff, v46  }
0x1dd: {  	v46 =	vld.idx.msk [tilespmem:v52+s21+$0x0], $0xffff;
	[tilespmem:v1+s26+$0x0] =	vst.idx.msk $0xffff, v0;
	v0 =	vadd.s32 v3, v28;
	v1 =	vmul.f32 v38, v26  }
0x1de: {  	v60 =	vadd.s32 v10, v31;
	[tilespmem:v55+s26+$0x0] =	vst.idx.msk $0xffff, v17;
	v62 =	vmul.f32 v62, v4;
	v49 =	vld.idx.msk [tilespmem:v15+s21+$0x0], $0xffff  }
0x1df: {  	v42 =	vadd.s32 v21, v42;
	[tilespmem:v11+s26+$0x0] =	vst.idx.msk $0xffff, v1;
	v1 =	vmul.f32 v2, v23;
	v2 =	vld.idx.msk [tilespmem:v56+s21+$0x0], $0xffff  }
0x1e0: {  	v61 =	vadd.s32 v10, v34;
	v11 =	vmul.f32 v54, v4;
	[tilespmem:v40+s26+$0x0] =	vst.idx.msk $0xffff, v62;
	v17 =	vld.idx.msk [tilespmem:v18+s21+$0x0], $0xffff  }
0x1e1: {  	v36 =	vadd.s32 v21, v48;
	v54 =	vadd.s32 v10, v29;
	v14 =	vmul.f32 v14, v4;
	v55 =	vld.idx.msk [tilespmem:v59+s21+$0x0], $0xffff  }
0x1e2: {  	[tilespmem:v13+s26+$0x0] =	vst.idx.msk $0xffff, v11;
	v13 =	vadd.s32 v33, v43;
	v11 =	vld.idx.msk [tilespmem:v0+s21+$0x0], $0xffff;
	v57 =	vmul.f32 v46, v4  }
0x1e3: {  	v51 =	vadd.s32 v20, v45;
	v58 =	vmul.f32 v58, v4;
	[tilespmem:v41+s26+$0x0] =	vst.idx.msk $0xffff, v14;
	v62 =	vld.idx.msk [tilespmem:v60+s21+$0x0], $0xffff  }
0x1e4: {  	v4 =	vadd.s32 v25, v27;
	v14 =	vmul.f32 v49, v26;
	[tilespmem:v52+s26+$0x0] =	vst.idx.msk $0xffff, v57;
	v52 =	vld.idx.msk [tilespmem:v53+s21+$0x0], $0xffff  }
0x1e5: {  	v39 =	vadd.s32 v20, v31;
	[tilespmem:v50+s26+$0x0] =	vst.idx.msk $0xffff, v58;
	v46 =	vld.idx.msk [tilespmem:v61+s21+$0x0], $0xffff;
	v2 =	vmul.f32 v2, v23  }
0x1e6: {  	v47 =	vadd.s32 v8, v28;
	v6 =	vld.idx.msk [tilespmem:v54+s21+$0x0], $0xffff;
	[tilespmem:v15+s26+$0x0] =	vst.idx.msk $0xffff, v14;
	v14 =	vmul.f32 v17, v24  }
0x1e7: {  	v45 =	vadd.s32 v20, v48;
	v55 =	vmul.f32 v55, v26;
	v15 =	vld.idx.msk [tilespmem:v13+s21+$0x0], $0xffff;
	[tilespmem:v56+s26+$0x0] =	vst.idx.msk $0xffff, v2  }
0x1e8: {  	v48 =	vadd.s32 v33, v31;
	v2 =	vmul.f32 v11, v63;
	[tilespmem:v18+s26+$0x0] =	vst.idx.msk $0xffff, v14;
	v14 =	vld.idx.msk [tilespmem:v51+s21+$0x0], $0xffff  }
0x1e9: {  	v58 =	vadd.s32 v33, v32;
	v11 =	vmul.f32 v12, v19;
	[tilespmem:v59+s26+$0x0] =	vst.idx.msk $0xffff, v55;
	v17 =	vld.idx.msk [tilespmem:v4+s21+$0x0], $0xffff  }
0x1ea: {  	v38 =	vadd.s32 v21, v43;
	v57 =	vadd.s32 v33, v34;
	[tilespmem:v0+s26+$0x0] =	vst.idx.msk $0xffff, v2;
	v0 =	vld.idx.msk [tilespmem:v5+s21+$0x0], $0xffff  }
0x1eb: {  	v50 =	vadd.s32 v25, v29;
	[tilespmem:v44+s26+$0x0] =	vst.idx.msk $0xffff, v11;
	v11 =	vmul.f32 v52, v26;
	v2 =	vld.idx.msk [tilespmem:v47+s21+$0x0], $0xffff  }
0x1ec: {  	v56 =	vadd.s32 v33, v29;
	v12 =	vmul.f32 v46, v26;
	v18 =	vld.idx.msk [tilespmem:v42+s21+$0x0], $0xffff;
	[tilespmem:v16+s26+$0x0] =	vst.idx.msk $0xffff, v1  }
0x1ed: {  	v55 =	vadd.s32 v25, v43;
	v1 =	vmul.f32 v62, v26;
	v16 =	vld.idx.msk [tilespmem:v45+s21+$0x0], $0xffff;
	[tilespmem:v53+s26+$0x0] =	vst.idx.msk $0xffff, v11  }
0x1ee: {  	v40 =	vadd.s32 v20, v34;
	v6 =	vmul.f32 v6, v26;
	[tilespmem:v61+s26+$0x0] =	vst.idx.msk $0xffff, v12;
	v11 =	vld.idx.msk [tilespmem:v58+s21+$0x0], $0xffff  }
0x1ef: {  	p1 =	slt.u32 s6, $0x20;
	v44 =	vadd.s32 v20, v27;
	v15 =	vmul.f32 v15, v24;
	[tilespmem:v60+s26+$0x0] =	vst.idx.msk $0xffff, v1;
	v63 =	vld.idx.msk [tilespmem:v57+s21+$0x0], $0xffff  }
.Ltmp3:
0x1f0: {  	v41 =	vadd.s32 v20, v32;
	v49 =	vadd.s32 v9, v28;
	[tilespmem:v54+s26+$0x0] =	vst.idx.msk $0xffff, v6;
	v62 =	vld.idx.msk [tilespmem:v48+s21+$0x0], $0xffff;
	(pc) =	sbr.rel @p1 .LBB2_9-.Ltmp3, $4  }
0x1f1: {  	v46 =	vadd.s32 v20, v43;
	v61 =	vld.idx.msk [tilespmem:v56+s21+$0x0], $0xffff;
	v1 =	vmul.f32 v17, v23;
	[tilespmem:v13+s26+$0x0] =	vst.idx.msk $0xffff, v15  }
0x1f2: {  	v53 =	vadd.s32 v25, v34;
	v54 =	vadd.s32 v25, v32;
	v0 =	vmul.f32 v0, v24;
	v43 =	vld.idx.msk [tilespmem:v55+s21+$0x0], $0xffff  }
0x1f3: {  	v12 =	vmul.f32 v14, v19;
	v59 =	vmul.f32 v2, v35;
	v35 =	vld [tilespmem:$0x1FED0];
	[tilespmem:v4+s26+$0x0] =	vst.idx.msk $0xffff, v1  }
0x1f4: {  	s6 =	sadd.s32 $0x8, s6;
	v60 =	vmul.f32 v18, v22;
	[tilespmem:v5+s26+$0x0] =	vst.idx.msk $0xffff, v0;
	v13 =	vmul.f32 v16, v19;
	v52 =	vld.idx.msk [tilespmem:v44+s21+$0x0], $0xffff  }
0x1f5: {  	_ =	sdelay $0x3  }
0x1f6: {  	[tilespmem:v47+s26+$0x0] =	vst.idx.msk $0xffff, v59  }
0x1f7: {  	v0 =	vld.idx.msk [tilespmem:v49+s21+$0x0], $0xffff  }
0x1f8: {  	v2 =	vld [tilespmem:$0x1FF70];
	_ =	sdelay $0x2  }
0x1f9: {  	v1 =	vadd.s32 v10, v28;
	_ =	sdelay $0x1  }
0x1fa: {  	v0 =	vmul.f32 v0, v2;
	_ =	sdelay $0x1  }
0x1fb: {  	[tilespmem:v49+s26+$0x0] =	vst.idx.msk $0xffff, v0  }
0x1fc: {  	[tilespmem:v51+s26+$0x0] =	vst.idx.msk $0xffff, v12;
	v0 =	vld.idx.msk [tilespmem:v1+s21+$0x0], $0xffff  }
0x1fd: {  	v4 =	vld [tilespmem:$0x1FF90]  }
0x1fe: {  	v16 =	vld [tilespmem:$0x1FFB0];
	_ =	sdelay $0x3  }
0x1ff: {  	v0 =	vmul.f32 v0, v4  }
0x200: {  	[tilespmem:v45+s26+$0x0] =	vst.idx.msk $0xffff, v13;
	v4 =	vmul.f32 v63, v16  }
0x201: {  	v6 =	vmul.f32 v11, v16;
	[tilespmem:v1+s26+$0x0] =	vst.idx.msk $0xffff, v0  }
0x202: {  	v51 =	vmul.f32 v62, v16;
	[tilespmem:v57+s26+$0x0] =	vst.idx.msk $0xffff, v4  }
0x203: {  	v49 =	vadd.s32 v33, v28;
	[tilespmem:v58+s26+$0x0] =	vst.idx.msk $0xffff, v6  }
0x204: {  	v5 =	vld.idx.msk [tilespmem:v37+s21+$0x0], $0xffff;
	[tilespmem:v48+s26+$0x0] =	vst.idx.msk $0xffff, v51  }
0x205: {  	v62 =	vld [tilespmem:$0x1FFF0]  }
0x206: {  	v11 =	vmul.f32 v61, v16;
	v18 =	vld [tilespmem:$0x1FFA0];
	[tilespmem:v42+s26+$0x0] =	vst.idx.msk $0xffff, v60  }
0x207: {  	v17 =	vld [tilespmem:$0x1FF60]  }
0x208: {  	v1 =	vld.idx.msk [tilespmem:v49+s21+$0x0], $0xffff;
	[tilespmem:v56+s26+$0x0] =	vst.idx.msk $0xffff, v11  }
0x209: {  	v26 =	vld [tilespmem:$0x1FFD0]  }
0x20a: {  	v4 =	vld.idx.msk [tilespmem:v35+s21+$0x0], $0xffff  }
0x20b: {  	v11 =	vld.idx.msk [tilespmem:v50+s21+$0x0], $0xffff  }
0x20c: {  	v61 =	vld.idx.msk [tilespmem:v36+s21+$0x0], $0xffff;
	v59 =	vmul.f32 v43, v18  }
0x20d: {  	v6 =	vld.idx.msk [tilespmem:v53+s21+$0x0], $0xffff;
	v14 =	vadd.s32 v62, v28;
	v1 =	vmul.f32 v1, v16  }
0x20e: {  	v58 =	vld.idx.msk [tilespmem:v54+s21+$0x0], $0xffff;
	v5 =	vmul.f32 v5, v26;
	[tilespmem:v55+s26+$0x0] =	vst.idx.msk $0xffff, v59  }
0x20f: {  	v4 =	vmul.f32 v4, v26;
	[tilespmem:v49+s26+$0x0] =	vst.idx.msk $0xffff, v1;
	v15 =	vld.idx.msk [tilespmem:v17+s21+$0x0], $0xffff  }
0x210: {  	v43 =	vmul.f32 v11, v18;
	[tilespmem:v37+s26+$0x0] =	vst.idx.msk $0xffff, v5  }
0x211: {  	v57 =	vadd.s32 v62, v30;
	v13 =	vmul.f32 v61, v26;
	[tilespmem:v35+s26+$0x0] =	vst.idx.msk $0xffff, v4  }
0x212: {  	v5 =	vmul.f32 v6, v18;
	[tilespmem:v50+s26+$0x0] =	vst.idx.msk $0xffff, v43;
	v6 =	vld.idx.msk [tilespmem:v14+s21+$0x0], $0xffff  }
0x213: {  	v37 =	vmul.f32 v58, v18;
	[tilespmem:v36+s26+$0x0] =	vst.idx.msk $0xffff, v13  }
0x214: {  	[tilespmem:v53+s26+$0x0] =	vst.idx.msk $0xffff, v5;
	v15 =	vmul.f32 v15, v18  }
0x215: {  	v47 =	vadd.s32 v20, v28;
	v42 =	vld.idx.msk [tilespmem:v46+s21+$0x0], $0xffff;
	[tilespmem:v54+s26+$0x0] =	vst.idx.msk $0xffff, v37  }
0x216: {  	v63 =	vld.idx.msk [tilespmem:v57+s21+$0x0], $0xffff;
	[tilespmem:v17+s26+$0x0] =	vst.idx.msk $0xffff, v15  }
0x217: {  	v4 =	vadd.s32 v20, v29;
	v6 =	vmul.f32 v6, v18;
	v19 =	vld [tilespmem:$0x1FFE0]  }
0x218: {  	v5 =	vld.idx.msk [tilespmem:v40+s21+$0x0], $0xffff  }
0x219: {  	v11 =	vadd.s32 v20, v30;
	v45 =	vld.idx.msk [tilespmem:v41+s21+$0x0], $0xffff;
	[tilespmem:v14+s26+$0x0] =	vst.idx.msk $0xffff, v6  }
0x21a: {  	v14 =	vld.idx.msk [tilespmem:v47+s21+$0x0], $0xffff  }
0x21b: {  	v49 =	vadd.s32 v21, v34;
	v1 =	vmul.f32 v63, v18;
	v48 =	vld.idx.msk [tilespmem:v39+s21+$0x0], $0xffff  }
0x21c: {  	v51 =	vadd.s32 v21, v32;
	v50 =	vld.idx.msk [tilespmem:v4+s21+$0x0], $0xffff;
	v12 =	vmul.f32 v42, v19  }
0x21d: {  	v23 =	vadd.s32 v21, v28;
	[tilespmem:v57+s26+$0x0] =	vst.idx.msk $0xffff, v1;
	v53 =	vmul.f32 v5, v19  }
0x21e: {  	v54 =	vadd.s32 v21, v31;
	v5 =	vld.idx.msk [tilespmem:v11+s21+$0x0], $0xffff;
	v6 =	vmul.f32 v45, v19;
	[tilespmem:v46+s26+$0x0] =	vst.idx.msk $0xffff, v12  }
0x21f: {  	v55 =	vadd.s32 v21, v29;
	v14 =	vmul.f32 v14, v19;
	[tilespmem:v40+s26+$0x0] =	vst.idx.msk $0xffff, v53;
	v56 =	vld.idx.msk [tilespmem:v38+s21+$0x0], $0xffff  }
0x220: {  	v57 =	vadd.s32 v21, v27;
	v2 =	vmul.f32 v48, v19;
	[tilespmem:v41+s26+$0x0] =	vst.idx.msk $0xffff, v6;
	v6 =	vld.idx.msk [tilespmem:v49+s21+$0x0], $0xffff  }
0x221: {  	v25 =	vadd.s32 v21, v30;
	v17 =	vmul.f32 v50, v19;
	v58 =	vld.idx.msk [tilespmem:v51+s21+$0x0], $0xffff;
	[tilespmem:v47+s26+$0x0] =	vst.idx.msk $0xffff, v14  }
0x222: {  	v22 =	vmul.f32 v52, v19;
	[tilespmem:v39+s26+$0x0] =	vst.idx.msk $0xffff, v2;
	v14 =	vld.idx.msk [tilespmem:v23+s21+$0x0], $0xffff  }
0x223: {  	[tilespmem:v4+s26+$0x0] =	vst.idx.msk $0xffff, v17;
	v24 =	vld.idx.msk [tilespmem:v54+s21+$0x0], $0xffff;
	v4 =	vmul.f32 v5, v19  }
0x224: {  	[tilespmem:v44+s26+$0x0] =	vst.idx.msk $0xffff, v22;
	v5 =	vld.idx.msk [tilespmem:v55+s21+$0x0], $0xffff;
	v16 =	vmul.f32 v56, v26  }
0x225: {  	[tilespmem:v11+s26+$0x0] =	vst.idx.msk $0xffff, v4;
	v4 =	vld.idx.msk [tilespmem:v57+s21+$0x0], $0xffff;
	v6 =	vmul.f32 v6, v26  }
0x226: {  	v11 =	vld.idx.msk [tilespmem:v25+s21+$0x0], $0xffff;
	v2 =	vmul.f32 v58, v26;
	[tilespmem:v38+s26+$0x0] =	vst.idx.msk $0xffff, v16  }
0x227: {  	v63 =	vmul.f32 v14, v26;
	[tilespmem:v49+s26+$0x0] =	vst.idx.msk $0xffff, v6  }
0x228: {  	v6 =	vmul.f32 v24, v26;
	[tilespmem:v51+s26+$0x0] =	vst.idx.msk $0xffff, v2  }
0x229: {  	v59 =	vmul.f32 v5, v26;
	[tilespmem:v23+s26+$0x0] =	vst.idx.msk $0xffff, v63  }
0x22a: {  	[tilespmem:v54+s26+$0x0] =	vst.idx.msk $0xffff, v6;
	v60 =	vmul.f32 v4, v26  }
0x22b: {  	s6 =	sshll.u32 s0, $0x8;
	[tilespmem:v55+s26+$0x0] =	vst.idx.msk $0xffff, v59;
	v61 =	vmul.f32 v11, v26  }
0x22c: {  	s6 =	sand.u32 $0x3FFFFF00, s6;
	[tilespmem:v57+s26+$0x0] =	vst.idx.msk $0xffff, v60  }
0x22d: {  	s6 =	sadd.s32 $0x2C00, s6;
	[tilespmem:v25+s26+$0x0] =	vst.idx.msk $0xffff, v61  }
0x22e: {  	[spmem:s2] =	stream.indirect.scatter.add.f32 [tilespmem:s26], [sflag:$0x3], $0x30, s6, s20, $0xb8;
	[tilespmem:$0x17500] =	vst v63  }
0x22f: {  	_ =	swait.ge [sflag:s28], $0x1800  }
0x230: {  	[sflag:s28] =	ssyncset.done $0x0  }
0x231: {  	[sflag:s28] =	ssyncadd.s32 $0xFFFFE800  }
0x232: {  	p1 =	seq.s32 s0, $0x28;
	_ =	swait.ge [sflag:s28], $0x1800  }
0x233: {  	s8 =	simm.s32 @!p1 $0x80;
	s6 =	sshll.u32 @!p1 s0, $0x8;
	[sflag:s28] =	ssyncset.done $0x0  }
0x234: {  	s10 =	simm.s32 @!p1 $0x5500;
	s7 =	sadd.s32 @!p1 $0x400, s6;
	[sflag:s28] =	ssyncadd.s32 $0xFFFFE800  }
0x235: {  	v34 =	vimm.f32 $0.0e+00;
	[tilespmem:s10], [sflag:$0x1] =	stream.indirect.gather @!p1 [hbm4b:s4+s8], $0x30, s7, s8, $0xb8;
	[tilespmem:$0x17500] =	vst v63  }
0x236: {  	v35 =	vimm.f32 $0.0e+00;
	v36 =	vimm.f32 $0.0e+00;
	v22 =	vimm.f32 $0.0e+00;
	s6 =	sadd.s32 @!p1 $0x2D00, s6;
	s7 =	simm.s32 @!p1 $0x8500  }
0x237: {  	v56 =	vlaneseq.u32;
	v58 =	vmovc v3;
	v24 =	vimm.f32 $0.0e+00;
	v23 =	vimm.f32 $0.0e+00;
	[tilespmem:s7], [sflag:$0x1] =	stream.indirect.gather @!p1 [hbm4b:s5+s8], $0x30, s6, s8, $0xb8;
	[tilespmem:$0x17500] =	vst v63  }
0x238: {  	s18 =	simm.s32 $0x0;
	v26 =	vimm.f32 $0.0e+00;
	v63 =	vmovc v20;
	v25 =	vimm.f32 $0.0e+00;
	v60 =	vmovc v33;
	v61 =	vmov v21;
	s6 =	simm.s32 $0xC0  }
.LBB2_11:
0x239: {  	v0 =	vadd.s32 s18, v56  }
0x23a: {  	v1 =	vadd.s32 s18, v7;
	vm0 =	vgt.u32 v0, $0x27  }
0x23b: {  	v0 =	vsel vm0, v1, v0  }
0x23c: {  	v1 =	vadd.s32 v58, v0;
	_ =	sdelay $0x1  }
0x23d: {  	v2 =	vadd.s32 v8, v0;
	_ =	sdelay $0x1  }
0x23e: {  	v4 =	vld [tilespmem:s6+$0xFFFFFFC0];
	v5 =	vadd.s32 v9, v0  }
0x23f: {  	v6 =	vld.idx.msk [tilespmem:v1+s24+$0x0], $0xffff  }
0x240: {  	v11 =	vadd.s32 v10, v0;
	v1 =	vld.idx.msk [tilespmem:v1+s25+$0x0], $0xffff  }
0x241: {  	v12 =	vld.idx.msk [tilespmem:v2+s24+$0x0], $0xffff  }
0x242: {  	v15 =	vadd.s32 v62, v0;
	v2 =	vld.idx.msk [tilespmem:v2+s25+$0x0], $0xffff  }
0x243: {  	v14 =	vld.idx.msk [tilespmem:v5+s24+$0x0], $0xffff  }
0x244: {  	v13 =	vadd.s32 v60, v0;
	v5 =	vld.idx.msk [tilespmem:v5+s25+$0x0], $0xffff  }
0x245: {  	v16 =	vld.idx.msk [tilespmem:v11+s24+$0x0], $0xffff  }
0x246: {  	s7 =	sadd.s32 $0x1, s18;
	v17 =	vadd.s32 v63, v0;
	v11 =	vld.idx.msk [tilespmem:v11+s25+$0x0], $0xffff  }
0x247: {  	v18 =	vadd.s32 s7, v56;
	v28 =	vld.idx.msk [tilespmem:v15+s24+$0x0], $0xffff  }
0x248: {  	v29 =	vadd.s32 s7, v7;
	vm9 =	vgt.u32 v18, $0x27;
	v0 =	vadd.s32 v61, v0;
	v15 =	vld.idx.msk [tilespmem:v15+s25+$0x0], $0xffff  }
0x249: {  	v18 =	vsel vm9, v29, v18;
	v1 =	vadd.f32 v1, v6;
	v6 =	vld.idx.msk [tilespmem:v13+s24+$0x0], $0xffff  }
0x24a: {  	v30 =	vadd.s32 v8, v18;
	v13 =	vld.idx.msk [tilespmem:v13+s25+$0x0], $0xffff;
	v2 =	vadd.f32 v2, v12  }
0x24b: {  	v50 =	vld.idx.msk [tilespmem:v17+s24+$0x0], $0xffff;
	v27 =	vmul.f32 $2.000000030e-01, v1  }
0x24c: {  	v54 =	vadd.s32 v9, v18;
	v51 =	vld.idx.msk [tilespmem:v17+s25+$0x0], $0xffff;
	v52 =	vmul.f32 $2.000000030e-01, v2  }
0x24d: {  	v57 =	vadd.s32 v10, v18;
	v53 =	vld.idx.msk [tilespmem:v0+s24+$0x0], $0xffff;
	v1 =	vmax.f32 v1, v27  }
0x24e: {  	v0 =	vld.idx.msk [tilespmem:v0+s25+$0x0], $0xffff;
	v27 =	vadd.s32 v58, v18;
	v2 =	vmax.f32 v2, v52;
	v1 =	vmul.f32 v1, v4  }
0x24f: {  	v31 =	vld.idx.msk [tilespmem:v30+s24+$0x0], $0xffff;
	v5 =	vadd.f32 v5, v14;
	v2 =	vmul.f32 v2, v4;
	v6 =	vadd.f32 v13, v6  }
0x250: {  	v32 =	vadd.s32 v60, v18;
	v30 =	vld.idx.msk [tilespmem:v30+s25+$0x0], $0xffff;
	v11 =	vadd.f32 v11, v16;
	v1 =	vadd.f32 v1, v26  }
0x251: {  	v59 =	vld.idx.msk [tilespmem:v54+s24+$0x0], $0xffff;
	v26 =	vmul.f32 $2.000000030e-01, v5;
	v2 =	vadd.f32 v2, v25;
	v25 =	vmul.f32 $2.000000030e-01, v6  }
0x252: {  	v17 =	vld.idx.msk [tilespmem:v54+s25+$0x0], $0xffff;
	v15 =	vadd.f32 v15, v28  }
0x253: {  	v5 =	vmax.f32 v5, v26;
	v55 =	vld.idx.msk [tilespmem:v27+s24+$0x0], $0xffff;
	v26 =	vmul.f32 $2.000000030e-01, v11;
	v6 =	vmax.f32 v6, v25  }
0x254: {  	v12 =	vadd.f32 v51, v50;
	v27 =	vld.idx.msk [tilespmem:v27+s25+$0x0], $0xffff;
	v25 =	vadd.s32 v62, v18;
	v6 =	vmul.f32 v6, v4  }
0x255: {  	v21 =	vld.idx.msk [tilespmem:v32+s24+$0x0], $0xffff;
	v5 =	vmul.f32 v5, v4;
	v11 =	vmax.f32 v11, v26;
	v26 =	vmul.f32 $2.000000030e-01, v15  }
0x256: {  	v11 =	vmul.f32 v11, v4;
	v6 =	vadd.f32 v6, v23;
	v23 =	vld.idx.msk [tilespmem:v57+s25+$0x0], $0xffff  }
0x257: {  	s8 =	sadd.s32 $0x2, s18;
	v5 =	vadd.f32 v5, v22;
	v22 =	vmul.f32 $2.000000030e-01, v12;
	v15 =	vmax.f32 v15, v26;
	v26 =	vld.idx.msk [tilespmem:v57+s24+$0x0], $0xffff  }
0x258: {  	v38 =	vadd.s32 s8, v7;
	v16 =	vld [tilespmem:s6+$0xFFFFFFD0];
	v11 =	vadd.f32 v11, v24;
	v24 =	vadd.s32 v63, v18  }
0x259: {  	s11 =	sadd.s32 $0x4, s18;
	v12 =	vmax.f32 v12, v22;
	v13 =	vadd.f32 v27, v55;
	v22 =	vld.idx.msk [tilespmem:v32+s25+$0x0], $0xffff;
	v27 =	vadd.s32 s8, v56  }
0x25a: {  	v3 =	vadd.s32 s11, v7;
	v18 =	vadd.s32 v61, v18;
	v37 =	vld.idx.msk [tilespmem:v25+s24+$0x0], $0xffff;
	vm10 =	vgt.u32 v27, $0x27  }
0x25b: {  	v0 =	vadd.f32 v0, v53;
	v39 =	vadd.f32 v30, v31;
	v25 =	vld.idx.msk [tilespmem:v25+s25+$0x0], $0xffff;
	v27 =	vsel vm10, v38, v27  }
0x25c: {  	s10 =	sadd.s32 $0x3, s18;
	v15 =	vmul.f32 v15, v4;
	v41 =	vadd.s32 v58, v27;
	v19 =	vadd.f32 v23, v26;
	v26 =	vld [tilespmem:s6+$0xFFFFFFE0]  }
0x25d: {  	v53 =	vadd.s32 s10, v56;
	v14 =	vadd.f32 v17, v59;
	v20 =	vmul.f32 $2.000000030e-01, v39;
	v40 =	vld.idx.msk [tilespmem:v24+s24+$0x0], $0xffff  }
0x25e: {  	v15 =	vadd.f32 v15, v36;
	v36 =	vmul.f32 $2.000000030e-01, v0;
	v44 =	vadd.s32 v9, v27;
	v42 =	vld.idx.msk [tilespmem:v24+s25+$0x0], $0xffff  }
0x25f: {  	vm11 =	vgt.u32 v53, $0x27;
	v12 =	vmul.f32 v12, v4;
	v33 =	vmul.f32 $2.000000030e-01, v13;
	v43 =	vld.idx.msk [tilespmem:v18+s24+$0x0], $0xffff  }
0x260: {  	v50 =	vadd.s32 v62, v27;
	v0 =	vmax.f32 v0, v36;
	v23 =	vmul.f32 $2.000000030e-01, v14;
	v18 =	vld.idx.msk [tilespmem:v18+s25+$0x0], $0xffff  }
0x261: {  	v0 =	vmul.f32 v0, v4;
	v4 =	vmax.f32 v13, v33;
	v24 =	vadd.s32 v8, v27;
	v45 =	vld.idx.msk [tilespmem:v41+s24+$0x0], $0xffff  }
0x262: {  	v20 =	vmax.f32 v39, v20;
	v21 =	vadd.f32 v22, v21;
	v4 =	vmul.f32 v4, v16;
	v22 =	vld.idx.msk [tilespmem:v41+s25+$0x0], $0xffff  }
0x263: {  	v55 =	vadd.s32 s10, v7;
	v14 =	vmax.f32 v14, v23;
	v23 =	vadd.s32 v10, v27;
	v49 =	vld.idx.msk [tilespmem:v44+s24+$0x0], $0xffff  }
0x264: {  	v1 =	vadd.f32 v4, v1;
	v4 =	vmul.f32 v20, v16;
	v20 =	vmul.f32 $2.000000030e-01, v19;
	v28 =	vld.idx.msk [tilespmem:v44+s25+$0x0], $0xffff  }
0x265: {  	v29 =	vsel vm11, v55, v53;
	v48 =	vadd.s32 v60, v27;
	v25 =	vadd.f32 v25, v37;
	v54 =	vld.idx.msk [tilespmem:v50+s24+$0x0], $0xffff  }
0x266: {  	v2 =	vadd.f32 v4, v2;
	v4 =	vmul.f32 v14, v16;
	v46 =	vmax.f32 v19, v20;
	v47 =	vld.idx.msk [tilespmem:v24+s24+$0x0], $0xffff  }
0x267: {  	v20 =	vmul.f32 $2.000000030e-01, v21;
	v24 =	vld.idx.msk [tilespmem:v24+s25+$0x0], $0xffff;
	v13 =	vadd.f32 v42, v40;
	v40 =	vadd.s32 v9, v29  }
0x268: {  	v12 =	vadd.f32 v12, v35;
	v33 =	vadd.s32 v58, v29;
	v57 =	vld.idx.msk [tilespmem:v50+s25+$0x0], $0xffff;
	v4 =	vadd.f32 v4, v5  }
0x269: {  	v51 =	vld.idx.msk [tilespmem:v23+s24+$0x0], $0xffff;
	v5 =	vmul.f32 v46, v16;
	v20 =	vmax.f32 v21, v20;
	v21 =	vmul.f32 $2.000000030e-01, v25  }
0x26a: {  	v0 =	vadd.f32 v0, v34;
	v52 =	vld.idx.msk [tilespmem:v23+s25+$0x0], $0xffff;
	v23 =	vadd.s32 v63, v27;
	v27 =	vadd.s32 v61, v27  }
0x26b: {  	v14 =	vadd.f32 v28, v49;
	v5 =	vadd.f32 v5, v11;
	v21 =	vmax.f32 v25, v21;
	v25 =	vld.idx.msk [tilespmem:v48+s25+$0x0], $0xffff  }
0x26c: {  	v11 =	vmul.f32 v20, v16;
	v20 =	vmul.f32 $2.000000030e-01, v13;
	v36 =	vadd.f32 v24, v47;
	v47 =	vld.idx.msk [tilespmem:v40+s24+$0x0], $0xffff  }
0x26d: {  	v17 =	vadd.f32 v18, v43;
	v22 =	vadd.f32 v22, v45;
	v45 =	vadd.s32 v60, v29;
	v28 =	vld.idx.msk [tilespmem:v40+s25+$0x0], $0xffff  }
0x26e: {  	v49 =	vadd.s32 v62, v29;
	v39 =	vmul.f32 $2.000000030e-01, v14;
	v13 =	vmax.f32 v13, v20;
	v20 =	vld.idx.msk [tilespmem:v48+s24+$0x0], $0xffff  }
0x26f: {  	v6 =	vadd.f32 v11, v6;
	v11 =	vmul.f32 v21, v16;
	v21 =	vmul.f32 $2.000000030e-01, v17;
	v59 =	vld.idx.msk [tilespmem:v23+s24+$0x0], $0xffff  }
0x270: {  	v37 =	vld.idx.msk [tilespmem:v23+s25+$0x0], $0xffff;
	v18 =	vadd.f32 v52, v51;
	v13 =	vmul.f32 v13, v16;
	v23 =	vmul.f32 $2.000000030e-01, v36  }
0x271: {  	v24 =	vld.idx.msk [tilespmem:v27+s25+$0x0], $0xffff;
	v11 =	vadd.f32 v11, v15;
	v17 =	vmax.f32 v17, v21;
	v21 =	vmul.f32 $2.000000030e-01, v22  }
0x272: {  	v41 =	vmul.f32 $2.000000030e-01, v18;
	v15 =	vadd.f32 v57, v54;
	v32 =	vld.idx.msk [tilespmem:v45+s25+$0x0], $0xffff;
	v35 =	vmul.f32 v17, v16  }
0x273: {  	v16 =	vmax.f32 v36, v23;
	v23 =	vld.idx.msk [tilespmem:v33+s24+$0x0], $0xffff;
	v38 =	vmax.f32 v22, v21;
	v22 =	vadd.s32 v8, v29  }
0x274: {  	v12 =	vadd.f32 v13, v12;
	v13 =	vmax.f32 v14, v39;
	v21 =	vld.idx.msk [tilespmem:v27+s24+$0x0], $0xffff;
	v16 =	vmul.f32 v16, v26  }
0x275: {  	v27 =	vld [tilespmem:s6+$0xFFFFFFF0];
	v13 =	vmul.f32 v13, v26;
	v42 =	vadd.f32 v25, v20;
	v25 =	vadd.s32 v10, v29  }
0x276: {  	v18 =	vmax.f32 v18, v41;
	v20 =	vld.idx.msk [tilespmem:v33+s25+$0x0], $0xffff;
	v51 =	vadd.f32 v37, v59;
	v59 =	vadd.s32 s11, v56  }
0x277: {  	v48 =	vmul.f32 $2.000000030e-01, v15;
	v19 =	vmul.f32 v38, v26;
	v37 =	vld.idx.msk [tilespmem:v49+s25+$0x0], $0xffff;
	vm12 =	vgt.u32 v59, $0x27  }
0x278: {  	v0 =	vadd.f32 v35, v0;
	v46 =	vmul.f32 v18, v26;
	v38 =	vsel vm12, v3, v59;
	v43 =	vld.idx.msk [tilespmem:v22+s24+$0x0], $0xffff  }
0x279: {  	v2 =	vadd.f32 v16, v2;
	v4 =	vadd.f32 v13, v4;
	v33 =	vadd.s32 v58, v38;
	v22 =	vld.idx.msk [tilespmem:v22+s25+$0x0], $0xffff  }
0x27a: {  	v15 =	vmax.f32 v15, v48;
	v16 =	vadd.f32 v28, v47;
	v1 =	vadd.f32 v19, v1;
	v52 =	vld.idx.msk [tilespmem:v25+s24+$0x0], $0xffff  }
0x27b: {  	v44 =	vmul.f32 $2.000000030e-01, v42;
	v48 =	vadd.s32 v10, v38;
	v53 =	vadd.f32 v24, v21;
	v21 =	vld.idx.msk [tilespmem:v25+s25+$0x0], $0xffff  }
0x27c: {  	v5 =	vadd.f32 v46, v5;
	v54 =	vmul.f32 v15, v26;
	v24 =	vadd.s32 v63, v29;
	v25 =	vld.idx.msk [tilespmem:v45+s24+$0x0], $0xffff  }
0x27d: {  	v55 =	vmul.f32 $2.000000030e-01, v51;
	v3 =	vadd.s32 v63, v38;
	v20 =	vadd.f32 v20, v23;
	v23 =	vld.idx.msk [tilespmem:v49+s24+$0x0], $0xffff  }
0x27e: {  	v14 =	vmax.f32 v42, v44;
	v29 =	vadd.s32 v61, v29;
	v57 =	vmul.f32 $2.000000030e-01, v53;
	v45 =	vld.idx.msk [tilespmem:v33+s24+$0x0], $0xffff  }
0x27f: {  	v11 =	vadd.f32 v54, v11;
	v36 =	vmax.f32 v51, v55;
	v50 =	vmul.f32 v14, v26;
	v47 =	vld.idx.msk [tilespmem:v33+s25+$0x0], $0xffff  }
0x280: {  	v54 =	vadd.s32 v62, v38;
	v13 =	vmul.f32 v36, v26;
	v18 =	vmax.f32 v53, v57;
	v57 =	vld.idx.msk [tilespmem:v48+s24+$0x0], $0xffff  }
0x281: {  	v15 =	vadd.s32 v61, v38;
	v6 =	vadd.f32 v50, v6;
	v39 =	vmul.f32 $2.000000030e-01, v20;
	v40 =	vld.idx.msk [tilespmem:v24+s24+$0x0], $0xffff  }
0x282: {  	v12 =	vadd.f32 v13, v12;
	v18 =	vmul.f32 v18, v26;
	v19 =	vadd.f32 v22, v43;
	v22 =	vld.idx.msk [tilespmem:v24+s25+$0x0], $0xffff  }
0x283: {  	s8 =	sadd.s32 $0x5, s18;
	v20 =	vmax.f32 v20, v39;
	v24 =	vld.idx.msk [tilespmem:v29+s24+$0x0], $0xffff;
	v26 =	vadd.s32 v8, v38;
	v43 =	vmul.f32 $2.000000030e-01, v16  }
0x284: {  	v29 =	vld.idx.msk [tilespmem:v29+s25+$0x0], $0xffff;
	v39 =	vadd.s32 s8, v7;
	v17 =	vadd.f32 v21, v52;
	v21 =	vadd.s32 v9, v38  }
0x285: {  	v25 =	vadd.f32 v32, v25;
	v14 =	vadd.f32 v37, v23;
	v23 =	vadd.s32 v60, v38;
	v38 =	vld.idx.msk [tilespmem:v54+s24+$0x0], $0xffff  }
0x286: {  	v41 =	vmul.f32 v20, v27;
	v0 =	vadd.f32 v18, v0;
	v18 =	vadd.f32 v47, v45;
	v45 =	vld.idx.msk [tilespmem:v15+s24+$0x0], $0xffff  }
0x287: {  	v42 =	vmul.f32 $2.000000030e-01, v19;
	v16 =	vmax.f32 v16, v43;
	v46 =	vmul.f32 $2.000000030e-01, v17;
	v15 =	vld.idx.msk [tilespmem:v15+s25+$0x0], $0xffff  }
0x288: {  	v1 =	vadd.f32 v41, v1;
	v16 =	vmul.f32 v16, v27;
	v52 =	vmul.f32 $2.000000030e-01, v25;
	v49 =	vld.idx.msk [tilespmem:v26+s24+$0x0], $0xffff  }
0x289: {  	v53 =	vmul.f32 $2.000000030e-01, v14;
	v44 =	vmax.f32 v19, v42;
	v50 =	vld.idx.msk [tilespmem:v26+s25+$0x0], $0xffff;
	v22 =	vadd.f32 v22, v40  }
0x28a: {  	v13 =	vmul.f32 v44, v27;
	v17 =	vmax.f32 v17, v46;
	v55 =	vmax.f32 v25, v52;
	v25 =	vld.idx.msk [tilespmem:v48+s25+$0x0], $0xffff  }
0x28b: {  	v4 =	vadd.f32 v16, v4;
	v14 =	vmax.f32 v14, v53;
	v40 =	vld.idx.msk [tilespmem:v54+s25+$0x0], $0xffff;
	v59 =	vmul.f32 $2.000000030e-01, v22  }
0x28c: {  	v24 =	vadd.f32 v29, v24;
	v51 =	vmul.f32 v17, v27;
	v14 =	vmul.f32 v14, v27;
	v36 =	vld.idx.msk [tilespmem:v23+s24+$0x0], $0xffff  }
0x28d: {  	v2 =	vadd.f32 v13, v2;
	v17 =	vmax.f32 v22, v59;
	v22 =	vld.idx.msk [tilespmem:v23+s25+$0x0], $0xffff;
	v23 =	vadd.s32 s8, v56  }
0x28e: {  	v26 =	vld.idx.msk [tilespmem:v21+s24+$0x0], $0xffff;
	v13 =	vmul.f32 v55, v27;
	v37 =	vmul.f32 $2.000000030e-01, v24;
	vm13 =	vgt.u32 v23, $0x27  }
0x28f: {  	v21 =	vld.idx.msk [tilespmem:v21+s25+$0x0], $0xffff;
	v5 =	vadd.f32 v51, v5;
	v11 =	vadd.f32 v14, v11;
	v23 =	vsel vm13, v39, v23  }
0x290: {  	v24 =	vmax.f32 v24, v37;
	v19 =	vadd.f32 v50, v49;
	v42 =	vadd.s32 v58, v23  }
0x291: {  	v20 =	vld [tilespmem:s6+$0x0];
	v6 =	vadd.f32 v13, v6;
	v15 =	vadd.f32 v15, v45;
	v17 =	vmul.f32 v17, v27  }
0x292: {  	v41 =	vld.idx.msk [tilespmem:v3+s24+$0x0], $0xffff;
	v43 =	vmul.f32 v24, v27;
	v44 =	vmul.f32 $2.000000030e-01, v19;
	v46 =	vadd.s32 v8, v23  }
0x293: {  	v24 =	vmul.f32 $2.000000030e-01, v18;
	v27 =	vld.idx.msk [tilespmem:v3+s25+$0x0], $0xffff;
	v16 =	vadd.f32 v25, v57;
	v54 =	vadd.f32 v40, v38  }
0x294: {  	s10 =	sadd.s32 $0x6, s18;
	v48 =	vadd.f32 v21, v26;
	v49 =	vadd.s32 v9, v23;
	v14 =	vmax.f32 v19, v44;
	v19 =	vld [tilespmem:s6+$0x10]  }
0x295: {  	v39 =	vadd.s32 s10, v56;
	v12 =	vadd.f32 v17, v12;
	v0 =	vadd.f32 v43, v0;
	v21 =	vld.idx.msk [tilespmem:v42+s24+$0x0], $0xffff  }
0x296: {  	v47 =	vmax.f32 v18, v24;
	v26 =	vadd.s32 v10, v23;
	v50 =	vmul.f32 $2.000000030e-01, v16;
	v25 =	vld.idx.msk [tilespmem:v42+s25+$0x0], $0xffff  }
0x297: {  	v53 =	vadd.s32 v60, v23;
	v57 =	vmul.f32 $2.000000030e-01, v54;
	v37 =	vadd.s32 v63, v23;
	v51 =	vld.idx.msk [tilespmem:v46+s24+$0x0], $0xffff  }
0x298: {  	vm14 =	vgt.u32 v39, $0x27;
	v13 =	vmul.f32 v47, v20;
	v24 =	vmul.f32 $2.000000030e-01, v48;
	v52 =	vld.idx.msk [tilespmem:v46+s25+$0x0], $0xffff  }
0x299: {  	v22 =	vadd.f32 v22, v36;
	v27 =	vadd.f32 v27, v41;
	v41 =	vadd.s32 s10, v7;
	v55 =	vld.idx.msk [tilespmem:v49+s24+$0x0], $0xffff  }
0x29a: {  	v14 =	vmul.f32 v14, v20;
	v1 =	vadd.f32 v13, v1;
	v32 =	vsel vm14, v41, v39;
	v18 =	vld.idx.msk [tilespmem:v49+s25+$0x0], $0xffff  }
0x29b: {  	v17 =	vmax.f32 v48, v24;
	v13 =	vmax.f32 v16, v50;
	v59 =	vld.idx.msk [tilespmem:v26+s24+$0x0], $0xffff;
	v34 =	vadd.s32 v58, v32  }
0x29c: {  	v16 =	vmax.f32 v54, v57;
	v24 =	vmul.f32 $2.000000030e-01, v22;
	v36 =	vld.idx.msk [tilespmem:v26+s25+$0x0], $0xffff;
	v44 =	vadd.s32 v9, v32  }
0x29d: {  	v17 =	vmul.f32 v17, v20;
	v13 =	vmul.f32 v13, v20;
	v26 =	vld.idx.msk [tilespmem:v53+s24+$0x0], $0xffff;
	v47 =	vadd.s32 v10, v32  }
0x29e: {  	v16 =	vmul.f32 v16, v20;
	v2 =	vadd.f32 v14, v2;
	v38 =	vld.idx.msk [tilespmem:v53+s25+$0x0], $0xffff;
	v49 =	vadd.s32 v60, v32  }
0x29f: {  	v50 =	vadd.s32 v62, v32;
	v22 =	vmax.f32 v22, v24;
	v4 =	vadd.f32 v17, v4;
	v17 =	vld.idx.msk [tilespmem:v37+s25+$0x0], $0xffff  }
0x2a0: {  	v24 =	vadd.s32 v62, v23;
	v23 =	vadd.s32 v61, v23;
	v22 =	vmul.f32 v22, v20;
	v46 =	vld.idx.msk [tilespmem:v34+s25+$0x0], $0xffff  }
0x2a1: {  	v5 =	vadd.f32 v13, v5;
	v11 =	vadd.f32 v16, v11;
	v28 =	vld.idx.msk [tilespmem:v44+s25+$0x0], $0xffff  }
0x2a2: {  	v6 =	vadd.f32 v22, v6;
	v14 =	vadd.f32 v52, v51;
	v52 =	vld.idx.msk [tilespmem:v47+s24+$0x0], $0xffff  }
0x2a3: {  	v22 =	vmul.f32 $2.000000030e-01, v27;
	v21 =	vadd.f32 v25, v21;
	v18 =	vadd.f32 v18, v55;
	v57 =	vld.idx.msk [tilespmem:v49+s24+$0x0], $0xffff  }
0x2a4: {  	s11 =	sadd.s32 $0x7, s18;
	v54 =	vadd.s32 v63, v32;
	v13 =	vadd.f32 v36, v59;
	v26 =	vadd.f32 v38, v26;
	v36 =	vld.idx.msk [tilespmem:v50+s24+$0x0], $0xffff  }
0x2a5: {  	v59 =	vadd.s32 s11, v56;
	v22 =	vmax.f32 v27, v22;
	v27 =	vmul.f32 $2.000000030e-01, v15;
	v43 =	vld.idx.msk [tilespmem:v23+s24+$0x0], $0xffff  }
0x2a6: {  	v23 =	vld.idx.msk [tilespmem:v23+s25+$0x0], $0xffff;
	vm15 =	vgt.u32 v59, $0x27;
	v42 =	vmul.f32 v22, v20;
	v25 =	vmul.f32 $2.000000030e-01, v21  }
0x2a7: {  	v22 =	vld.idx.msk [tilespmem:v37+s24+$0x0], $0xffff;
	v45 =	vmul.f32 $2.000000030e-01, v13;
	v48 =	vmul.f32 $2.000000030e-01, v26;
	v37 =	vadd.s32 s11, v7  }
0x2a8: {  	v40 =	vld.idx.msk [tilespmem:v24+s24+$0x0], $0xffff;
	v15 =	vmax.f32 v15, v27;
	v27 =	vmul.f32 $2.000000030e-01, v14;
	v29 =	vsel vm15, v37, v59  }
0x2a9: {  	v24 =	vld.idx.msk [tilespmem:v24+s25+$0x0], $0xffff;
	v15 =	vmul.f32 v15, v20;
	v20 =	vadd.s32 v8, v32;
	v21 =	vmax.f32 v21, v25  }
0x2aa: {  	v25 =	vmul.f32 $2.000000030e-01, v18;
	v26 =	vmax.f32 v26, v48;
	v14 =	vmax.f32 v14, v27;
	v27 =	vld.idx.msk [tilespmem:v34+s24+$0x0], $0xffff  }
0x2ab: {  	v12 =	vadd.f32 v42, v12;
	v21 =	vmul.f32 v21, v19;
	v51 =	vmul.f32 v26, v19;
	v26 =	vld.idx.msk [tilespmem:v47+s25+$0x0], $0xffff  }
0x2ac: {  	v13 =	vmax.f32 v13, v45;
	v35 =	vadd.s32 v8, v29;
	v16 =	vadd.f32 v23, v43;
	v23 =	vld.idx.msk [tilespmem:v50+s25+$0x0], $0xffff  }
0x2ad: {  	v13 =	vmul.f32 v13, v19;
	v0 =	vadd.f32 v15, v0;
	v1 =	vadd.f32 v21, v1;
	v21 =	vld.idx.msk [tilespmem:v44+s24+$0x0], $0xffff  }
0x2ae: {  	v14 =	vmul.f32 v14, v19;
	v18 =	vmax.f32 v18, v25;
	v24 =	vadd.f32 v24, v40;
	v25 =	vld.idx.msk [tilespmem:v20+s24+$0x0], $0xffff  }
0x2af: {  	v50 =	vadd.s32 v60, v29;
	v18 =	vmul.f32 v18, v19;
	v44 =	vadd.s32 v9, v29;
	v20 =	vld.idx.msk [tilespmem:v20+s25+$0x0], $0xffff  }
0x2b0: {  	v5 =	vadd.f32 v13, v5;
	v55 =	vadd.f32 v17, v22;
	v22 =	vld.idx.msk [tilespmem:v49+s25+$0x0], $0xffff;
	v53 =	vmul.f32 $2.000000030e-01, v24  }
0x2b1: {  	v38 =	vld.idx.msk [tilespmem:v54+s24+$0x0], $0xffff;
	v2 =	vadd.f32 v14, v2;
	v39 =	vmul.f32 $2.000000030e-01, v16;
	v4 =	vadd.f32 v18, v4  }
0x2b2: {  	v15 =	vld [tilespmem:s6+$0x20];
	v3 =	vmul.f32 $2.000000030e-01, v55;
	v13 =	vmax.f32 v24, v53;
	v24 =	vadd.s32 v61, v32  }
0x2b3: {  	v48 =	vld.idx.msk [tilespmem:v35+s24+$0x0], $0xffff;
	v27 =	vadd.f32 v46, v27;
	v32 =	vadd.s32 v58, v29;
	v42 =	vmax.f32 v16, v39  }
0x2b4: {  	v18 =	vadd.f32 v26, v52;
	v46 =	vadd.s32 v10, v29;
	v53 =	vld.idx.msk [tilespmem:v44+s24+$0x0], $0xffff;
	v20 =	vadd.f32 v20, v25  }
0x2b5: {  	v13 =	vmul.f32 v13, v19;
	v40 =	vmul.f32 $2.000000030e-01, v27;
	v52 =	vadd.f32 v22, v57;
	v22 =	vld.idx.msk [tilespmem:v44+s25+$0x0], $0xffff  }
0x2b6: {  	v14 =	vmax.f32 v55, v3;
	v21 =	vadd.f32 v28, v21;
	v25 =	vld.idx.msk [tilespmem:v54+s25+$0x0], $0xffff;
	v43 =	vmul.f32 $2.000000030e-01, v20  }
0x2b7: {  	v14 =	vmul.f32 v14, v19;
	v11 =	vadd.f32 v13, v11;
	v13 =	vmax.f32 v27, v40;
	v41 =	vld.idx.msk [tilespmem:v24+s24+$0x0], $0xffff  }
0x2b8: {  	v55 =	vmul.f32 $2.000000030e-01, v52;
	v24 =	vld.idx.msk [tilespmem:v24+s25+$0x0], $0xffff;
	v16 =	vmax.f32 v20, v43;
	v20 =	vmul.f32 $2.000000030e-01, v21  }
0x2b9: {  	v6 =	vadd.f32 v51, v6;
	v12 =	vadd.f32 v14, v12;
	v13 =	vmul.f32 v13, v15;
	v45 =	vld.idx.msk [tilespmem:v32+s24+$0x0], $0xffff  }
0x2ba: {  	v26 =	vld.idx.msk [tilespmem:v32+s25+$0x0], $0xffff;
	v37 =	vmax.f32 v52, v55;
	v49 =	vmax.f32 v21, v20;
	v20 =	vmul.f32 $2.000000030e-01, v18  }
0x2bb: {  	v14 =	vmul.f32 v42, v19;
	v57 =	vld.idx.msk [tilespmem:v46+s24+$0x0], $0xffff;
	v1 =	vadd.f32 v13, v1;
	v13 =	vmul.f32 v37, v15  }
0x2bc: {  	v21 =	vld.idx.msk [tilespmem:v35+s25+$0x0], $0xffff;
	v18 =	vmax.f32 v18, v20;
	v20 =	vadd.f32 v23, v36;
	v23 =	vadd.s32 v62, v29  }
0x2bd: {  	v59 =	vld.idx.msk [tilespmem:v46+s25+$0x0], $0xffff;
	v0 =	vadd.f32 v14, v0;
	v17 =	vadd.f32 v22, v53;
	v47 =	vmul.f32 v16, v15  }
0x2be: {  	v39 =	vld.idx.msk [tilespmem:v50+s24+$0x0], $0xffff;
	v25 =	vadd.f32 v25, v38;
	v6 =	vadd.f32 v13, v6;
	v36 =	vadd.s32 v63, v29  }
0x2bf: {  	v27 =	vld [tilespmem:s6+$0x30];
	v38 =	vadd.f32 v24, v41;
	v19 =	vadd.f32 v26, v45;
	v45 =	vmul.f32 $2.000000030e-01, v17  }
0x2c0: {  	v40 =	vld.idx.msk [tilespmem:v50+s25+$0x0], $0xffff;
	v2 =	vadd.f32 v47, v2;
	v51 =	vmul.f32 v49, v15;
	v29 =	vadd.s32 v61, v29  }
0x2c1: {  	v24 =	vmul.f32 $2.000000030e-01, v25;
	v34 =	vmul.f32 $2.000000030e-01, v20;
	v14 =	vadd.f32 v21, v48;
	v21 =	vld.idx.msk [tilespmem:v23+s24+$0x0], $0xffff  }
0x2c2: {  	v47 =	vadd.f32 v59, v57;
	v41 =	vmul.f32 $2.000000030e-01, v38;
	v54 =	vmul.f32 v18, v15;
	v23 =	vld.idx.msk [tilespmem:v23+s25+$0x0], $0xffff  }
0x2c3: {  	v24 =	vmax.f32 v25, v24;
	v25 =	vmul.f32 $2.000000030e-01, v19;
	v20 =	vmax.f32 v20, v34;
	v42 =	vld.idx.msk [tilespmem:v36+s24+$0x0], $0xffff  }
0x2c4: {  	v4 =	vadd.f32 v51, v4;
	v51 =	vmul.f32 $2.000000030e-01, v47;
	v20 =	vmul.f32 v20, v15;
	v44 =	vld.idx.msk [tilespmem:v36+s25+$0x0], $0xffff  }
0x2c5: {  	v16 =	vmax.f32 v38, v41;
	v43 =	vmul.f32 v24, v15;
	v19 =	vmax.f32 v19, v25;
	v22 =	vld.idx.msk [tilespmem:v29+s24+$0x0], $0xffff  }
0x2c6: {  	v48 =	vadd.f32 v40, v39;
	v19 =	vmul.f32 v19, v27;
	v11 =	vadd.f32 v20, v11;
	v20 =	vld.idx.msk [tilespmem:v29+s25+$0x0], $0xffff  }
0x2c7: {  	v46 =	vmax.f32 v17, v45;
	v26 =	vmul.f32 $2.000000030e-01, v14;
	v15 =	vmul.f32 v16, v15  }
0x2c8: {  	v5 =	vadd.f32 v54, v5;
	v12 =	vadd.f32 v43, v12;
	v52 =	vmul.f32 $2.000000030e-01, v48  }
0x2c9: {  	v14 =	vmax.f32 v14, v26;
	v0 =	vadd.f32 v15, v0;
	v26 =	vadd.f32 v19, v1  }
0x2ca: {  	v1 =	vmul.f32 v46, v27;
	v14 =	vmul.f32 v14, v27;
	v49 =	vadd.f32 v23, v21  }
0x2cb: {  	v13 =	vmax.f32 v48, v52;
	v50 =	vadd.f32 v44, v42;
	v53 =	vadd.f32 v20, v22  }
0x2cc: {  	v25 =	vadd.f32 v14, v2;
	v2 =	vmax.f32 v47, v51;
	v54 =	vmul.f32 $2.000000030e-01, v49  }
0x2cd: {  	p1 =	slt.u32 s18, $0x20;
	v22 =	vadd.f32 v1, v4;
	v4 =	vmul.f32 $2.000000030e-01, v50;
	v55 =	vmul.f32 $2.000000030e-01, v53  }
.Ltmp4:
0x2ce: {  	v13 =	vmul.f32 v13, v27;
	v2 =	vmul.f32 v2, v27;
	v1 =	vmax.f32 v49, v54;
	(pc) =	sbr.rel @p1 .LBB2_11-.Ltmp4, $4  }
0x2cf: {  	v4 =	vmax.f32 v50, v4;
	v1 =	vmul.f32 v1, v27;
	v57 =	vmax.f32 v53, v55  }
0x2d0: {  	v23 =	vadd.f32 v13, v6;
	v59 =	vmul.f32 v4, v27;
	v4 =	vmul.f32 v57, v27  }
0x2d1: {  	v24 =	vadd.f32 v2, v5;
	v36 =	vadd.f32 v1, v11  }
0x2d2: {  	s18 =	sadd.s32 $0x8, s18;
	s6 =	sadd.s32 $0x80, s6;
	v35 =	vadd.f32 v59, v12;
	v34 =	vadd.f32 v4, v0  }
0x2d3: {  	v0 =	vmul.f32 $1.442695020e+00, v26  }
0x2d4: {  	v1 =	vmul.f32 $1.442695020e+00, v25  }
0x2d5: {  	(erf) = vpow2.f32 v0;
	v0 =	vmul.f32 $1.442695020e+00, v22  }
0x2d6: {  	(erf) = vpow2.f32 v1;
	v1 =	vmul.f32 $1.442695020e+00, v24  }
0x2d7: {  	(erf) = vpow2.f32 v0;
	v0 =	vmul.f32 $1.442695020e+00, v23  }
0x2d8: {  	(erf) = vpow2.f32 v1;
	v1 =	vmul.f32 $1.442695020e+00, v36  }
0x2d9: {  	(erf) = vpow2.f32 v0;
	v0 =	vmul.f32 $1.442695020e+00, v35  }
0x2da: {  	(erf) = vpow2.f32 v1;
	v1 =	vmul.f32 $1.442695020e+00, v34  }
0x2db: {  	(erf) = vpow2.f32 v0  }
0x2dc: {  	(erf) = vpow2.f32 v1;
	_ =	sdelay $0x1  }
0x2dd: {  	v25 =	vpop (erf)  }
0x2de: {  	v26 =	vpop (erf)  }
0x2df: {  	v19 =	vpop (erf)  }
0x2e0: {  	v23 =	vpop (erf)  }
0x2e1: {  	v22 =	vpop (erf)  }
0x2e2: {  	v21 =	vpop (erf)  }
0x2e3: {  	v20 =	vpop (erf)  }
0x2e4: {  	s6 =	simm.s32 @!p0 $0x4;
	v24 =	vpop (erf)  }
0x2e5: {  	_ =	swait.ge @!p0 [sflag:s6], $0x1800  }
0x2e6: {  	v0 =	vld [tilespmem:$0x1FEE0]  }
0x2e7: {  	v1 =	vld [tilespmem:$0x1FEF0];
	_ =	sdelay $0x4  }
0x2e8: {  	[sflag:s6] =	ssyncset.done @!p0 $0x0  }
0x2e9: {  	s10 =	simm.s32 $0x7;
	[sflag:s6] =	ssyncadd.s32 @!p0 $0xFFFFE800  }
0x2ea: {  	[tilespmem:v0+s29+$0x0] =	vst.idx.msk $0xffff, v25;
	v0 =	vadd.s32 s10, v56  }
0x2eb: {  	v2 =	vld [tilespmem:$0x1FF00];
	[tilespmem:v1+s29+$0x0] =	vst.idx.msk $0xffff, v26;
	v1 =	vadd.s32 s10, v7;
	vm0 =	vgt.u32 v0, $0x27  }
0x2ec: {  	v29 =	vsel vm0, v1, v0;
	v0 =	vld [tilespmem:$0x1FF10]  }
0x2ed: {  	v1 =	vld [tilespmem:$0x1FF20];
	_ =	sdelay $0x5  }
0x2ee: {  	[tilespmem:v2+s29+$0x0] =	vst.idx.msk $0xffff, v19  }
0x2ef: {  	[tilespmem:v0+s29+$0x0] =	vst.idx.msk $0xffff, v23  }
0x2f0: {  	[tilespmem:v1+s29+$0x0] =	vst.idx.msk $0xffff, v22;
	v1 =	vld [tilespmem:$0x1FF30]  }
0x2f1: {  	v3 =	vld [tilespmem:$0x1FF40];
	_ =	sdelay $0x6  }
0x2f2: {  	[tilespmem:v1+s29+$0x0] =	vst.idx.msk $0xffff, v21  }
0x2f3: {  	[tilespmem:v3+s29+$0x0] =	vst.idx.msk $0xffff, v20;
	v3 =	vld [tilespmem:$0x1FF50];
	_ =	sdelay $0x2  }
0x2f4: {  	s18 =	simm.s32 $0x1  }
0x2f5: {  	s7 =	simm.s32 $0x2;
	s8 =	simm.s32 $0x4;
	v4 =	vadd.s32 s18, v56;
	v0 =	vadd.s32 v58, v29  }
0x2f6: {  	v5 =	vadd.s32 s7, v7;
	v6 =	vadd.s32 s7, v56;
	v12 =	vadd.s32 s8, v56  }
0x2f7: {  	v13 =	vadd.s32 s8, v7;
	v16 =	vadd.s32 s18, v7;
	vm1 =	vgt.u32 v6, $0x27  }
0x2f8: {  	vm5 =	vgt.u32 v4, $0x27;
	vm8 =	vgt.u32 v12, $0x27;
	v11 =	vsel vm1, v5, v6;
	s10 =	simm.s32 $0x5  }
0x2f9: {  	v33 =	vsel vm5, v16, v4;
	v15 =	vadd.s32 v58, v11;
	v14 =	vadd.s32 s10, v56;
	[tilespmem:v3+s29+$0x0] =	vst.idx.msk $0xffff, v24  }
0x2fa: {  	s11 =	simm.s32 $0x0;
	v17 =	vadd.s32 v58, v33;
	v6 =	vadd.s32 s10, v7;
	vm6 =	vgt.u32 v14, $0x27;
	v5 =	vld.idx.msk [tilespmem:v0+s24+$0x0], $0xffff  }
0x2fb: {  	v2 =	vadd.s32 s11, v7;
	v28 =	vsel vm6, v6, v14;
	v1 =	vadd.s32 s11, v56;
	s11 =	simm.s32 $0x6  }
0x2fc: {  	v27 =	vsel vm8, v13, v12;
	v16 =	vadd.s32 v58, v28;
	v6 =	vadd.s32 s11, v56  }
0x2fd: {  	v4 =	vadd.s32 v8, v29;
	v14 =	vadd.s32 s11, v7;
	vm7 =	vgt.u32 v6, $0x27  }
0x2fe: {  	vm9 =	vgt.u32 v1, $0x27;
	v30 =	vsel vm7, v14, v6;
	v6 =	vadd.s32 v58, v27;
	v12 =	vld.idx.msk [tilespmem:v15+s24+$0x0], $0xffff  }
0x2ff: {  	v31 =	vsel vm9, v2, v1;
	v1 =	vadd.s32 v58, v30;
	v5 =	vmul.f32 v5, v25  }
0x300: {  	v14 =	vld.idx.msk [tilespmem:v17+s24+$0x0], $0xffff  }
0x301: {  	v13 =	vadd.s32 v8, v11;
	[tilespmem:v0+s29+$0x0] =	vst.idx.msk $0xffff, v5;
	v5 =	vld.idx.msk [tilespmem:v16+s24+$0x0], $0xffff  }
0x302: {  	v0 =	vadd.s32 v58, v31;
	v2 =	vld.idx.msk [tilespmem:v4+s24+$0x0], $0xffff  }
0x303: {  	v32 =	vld.idx.msk [tilespmem:v6+s24+$0x0], $0xffff;
	v12 =	vmul.f32 v12, v25  }
0x304: {  	v59 =	vadd.s32 v8, v28;
	v44 =	vld.idx.msk [tilespmem:v1+s24+$0x0], $0xffff  }
0x305: {  	v18 =	vadd.s32 v9, v29;
	v14 =	vmul.f32 v14, v25;
	[tilespmem:v15+s29+$0x0] =	vst.idx.msk $0xffff, v12  }
0x306: {  	v37 =	vadd.s32 v8, v33;
	v15 =	vld.idx.msk [tilespmem:v13+s24+$0x0], $0xffff;
	v5 =	vmul.f32 v5, v25  }
0x307: {  	v12 =	vadd.s32 v8, v27;
	[tilespmem:v17+s29+$0x0] =	vst.idx.msk $0xffff, v14;
	v45 =	vld.idx.msk [tilespmem:v0+s24+$0x0], $0xffff;
	v2 =	vmul.f32 v2, v26  }
0x308: {  	v38 =	vadd.s32 v8, v30;
	[tilespmem:v16+s29+$0x0] =	vst.idx.msk $0xffff, v5;
	v5 =	vmul.f32 v32, v25  }
0x309: {  	v16 =	vmul.f32 v44, v25;
	[tilespmem:v4+s29+$0x0] =	vst.idx.msk $0xffff, v2;
	v14 =	vld.idx.msk [tilespmem:v59+s24+$0x0], $0xffff  }
0x30a: {  	v4 =	vadd.s32 v8, v31;
	v2 =	vld.idx.msk [tilespmem:v18+s24+$0x0], $0xffff;
	[tilespmem:v6+s29+$0x0] =	vst.idx.msk $0xffff, v5  }
0x30b: {  	v17 =	vadd.s32 v9, v11;
	v47 =	vld.idx.msk [tilespmem:v37+s24+$0x0], $0xffff;
	[tilespmem:v1+s29+$0x0] =	vst.idx.msk $0xffff, v16  }
0x30c: {  	s18 =	simm.s32 $0x3;
	v1 =	vmul.f32 v15, v26;
	v15 =	vadd.s32 v9, v28;
	v36 =	vmul.f32 v45, v25;
	v6 =	vld.idx.msk [tilespmem:v12+s24+$0x0], $0xffff  }
0x30d: {  	v46 =	vadd.s32 s18, v56;
	v5 =	vadd.s32 v10, v29;
	v16 =	vld.idx.msk [tilespmem:v38+s24+$0x0], $0xffff  }
0x30e: {  	v40 =	vadd.s32 s18, v7;
	v48 =	vadd.s32 v10, v11;
	[tilespmem:v0+s29+$0x0] =	vst.idx.msk $0xffff, v36;
	v14 =	vmul.f32 v14, v26  }
0x30f: {  	[tilespmem:v13+s29+$0x0] =	vst.idx.msk $0xffff, v1;
	v0 =	vadd.s32 v9, v33;
	v39 =	vld.idx.msk [tilespmem:v4+s24+$0x0], $0xffff;
	v1 =	vmul.f32 v2, v19  }
0x310: {  	v35 =	vmul.f32 v47, v26;
	v13 =	vld.idx.msk [tilespmem:v17+s24+$0x0], $0xffff;
	v2 =	vadd.s32 v9, v27;
	[tilespmem:v59+s29+$0x0] =	vst.idx.msk $0xffff, v14  }
0x311: {  	v41 =	vadd.s32 v9, v30;
	v6 =	vmul.f32 v6, v26;
	[tilespmem:v18+s29+$0x0] =	vst.idx.msk $0xffff, v1;
	v18 =	vld.idx.msk [tilespmem:v15+s24+$0x0], $0xffff  }
0x312: {  	[tilespmem:v37+s29+$0x0] =	vst.idx.msk $0xffff, v35;
	v14 =	vadd.s32 v9, v31;
	v16 =	vmul.f32 v16, v26;
	v1 =	vld.idx.msk [tilespmem:v5+s24+$0x0], $0xffff  }
0x313: {  	vm10 =	vgt.u32 v46, $0x27;
	v43 =	vadd.s32 v10, v27;
	v34 =	vadd.s32 v61, v11;
	[tilespmem:v12+s29+$0x0] =	vst.idx.msk $0xffff, v6  }
0x314: {  	v37 =	vld.idx.msk [tilespmem:v0+s24+$0x0], $0xffff;
	[tilespmem:v38+s29+$0x0] =	vst.idx.msk $0xffff, v16;
	v16 =	vadd.s32 v10, v28;
	v49 =	vmul.f32 v39, v26  }
0x315: {  	v42 =	vadd.s32 v10, v30;
	v6 =	vmul.f32 v13, v19;
	v12 =	vadd.s32 v60, v29;
	v13 =	vld.idx.msk [tilespmem:v2+s24+$0x0], $0xffff  }
0x316: {  	v32 =	vsel vm10, v40, v46;
	v38 =	vld.idx.msk [tilespmem:v41+s24+$0x0], $0xffff;
	[tilespmem:v4+s29+$0x0] =	vst.idx.msk $0xffff, v49;
	v18 =	vmul.f32 v18, v19  }
0x317: {  	[tilespmem:v17+s29+$0x0] =	vst.idx.msk $0xffff, v6;
	v6 =	vadd.s32 v58, v32;
	v4 =	vld.idx.msk [tilespmem:v14+s24+$0x0], $0xffff;
	v1 =	vmul.f32 v1, v23  }
0x318: {  	v47 =	vadd.s32 v62, v27;
	v45 =	vadd.s32 v60, v27;
	v50 =	vld.idx.msk [tilespmem:v48+s24+$0x0], $0xffff;
	[tilespmem:v15+s29+$0x0] =	vst.idx.msk $0xffff, v18  }
0x319: {  	v17 =	vadd.s32 v10, v33;
	[tilespmem:v5+s29+$0x0] =	vst.idx.msk $0xffff, v1;
	v1 =	vmul.f32 v37, v19;
	v51 =	vld.idx.msk [tilespmem:v16+s24+$0x0], $0xffff  }
0x31a: {  	s6 =	simm.s32 $0x9;
	v36 =	vadd.s32 v62, v33;
	v39 =	vadd.s32 v63, v30;
	v13 =	vmul.f32 v13, v19;
	v15 =	vld.idx.msk [tilespmem:v12+s24+$0x0], $0xffff  }
0x31b: {  	v49 =	vadd.s32 s6, v56;
	v18 =	vadd.s32 v10, v31;
	v52 =	vmul.f32 v38, v19;
	[tilespmem:v0+s29+$0x0] =	vst.idx.msk $0xffff, v1  }
0x31c: {  	v0 =	vadd.s32 v60, v11;
	v1 =	vld.idx.msk [tilespmem:v6+s24+$0x0], $0xffff;
	v4 =	vmul.f32 v4, v19;
	[tilespmem:v2+s29+$0x0] =	vst.idx.msk $0xffff, v13  }
0x31d: {  	[tilespmem:v41+s29+$0x0] =	vst.idx.msk $0xffff, v52;
	v2 =	vmul.f32 v50, v23;
	v13 =	vadd.s32 v62, v29;
	v53 =	vld.idx.msk [tilespmem:v43+s24+$0x0], $0xffff  }
0x31e: {  	[tilespmem:v14+s29+$0x0] =	vst.idx.msk $0xffff, v4;
	v4 =	vadd.s32 v60, v28;
	v14 =	vld.idx.msk [tilespmem:v17+s24+$0x0], $0xffff;
	v40 =	vmul.f32 v51, v23  }
0x31f: {  	v44 =	vld.idx.msk [tilespmem:v42+s24+$0x0], $0xffff;
	[tilespmem:v48+s29+$0x0] =	vst.idx.msk $0xffff, v2;
	v2 =	vadd.s32 v8, v32;
	v15 =	vmul.f32 v15, v22  }
0x320: {  	v59 =	vadd.s32 s6, v7;
	vm2 =	vgt.u32 v49, $0x27;
	v5 =	vadd.s32 v60, v33;
	v46 =	vld.idx.msk [tilespmem:v18+s24+$0x0], $0xffff;
	[tilespmem:v16+s29+$0x0] =	vst.idx.msk $0xffff, v40  }
0x321: {  	v41 =	vadd.s32 v60, v31;
	v35 =	vld.idx.msk [tilespmem:v0+s24+$0x0], $0xffff;
	v1 =	vmul.f32 v1, v25;
	[tilespmem:v12+s29+$0x0] =	vst.idx.msk $0xffff, v15  }
0x322: {  	s10 =	simm.s32 $0xC;
	v40 =	vadd.s32 v9, v32;
	v12 =	vadd.s32 v60, v30;
	v16 =	vmul.f32 v53, v23;
	v15 =	vld.idx.msk [tilespmem:v13+s24+$0x0], $0xffff  }
0x323: {  	v52 =	vadd.s32 s10, v56;
	v53 =	vadd.s32 s10, v7;
	[tilespmem:v6+s29+$0x0] =	vst.idx.msk $0xffff, v1;
	v1 =	vld.idx.msk [tilespmem:v4+s24+$0x0], $0xffff;
	v14 =	vmul.f32 v14, v23  }
0x324: {  	v6 =	vmul.f32 v44, v23;
	v44 =	vadd.s32 v62, v30;
	v54 =	vld.idx.msk [tilespmem:v2+s24+$0x0], $0xffff;
	[tilespmem:v43+s29+$0x0] =	vst.idx.msk $0xffff, v16  }
0x325: {  	s7 =	simm.s32 $0x8;
	s10 =	simm.s32 $0xF;
	v16 =	vadd.s32 v62, v11;
	v55 =	vmul.f32 v46, v23;
	v43 =	vld.idx.msk [tilespmem:v45+s24+$0x0], $0xffff;
	[tilespmem:v17+s29+$0x0] =	vst.idx.msk $0xffff, v14  }
0x326: {  	s8 =	simm.s32 $0xA;
	v48 =	vadd.s32 s7, v7;
	v57 =	vadd.s32 s10, v56;
	[tilespmem:v42+s29+$0x0] =	vst.idx.msk $0xffff, v6;
	v35 =	vmul.f32 v35, v22;
	v17 =	vld.idx.msk [tilespmem:v5+s24+$0x0], $0xffff  }
0x327: {  	v51 =	vadd.s32 s8, v56;
	v46 =	vadd.s32 v63, v29;
	vm13 =	vgt.u32 v57, $0x27;
	[tilespmem:v18+s29+$0x0] =	vst.idx.msk $0xffff, v55;
	v14 =	vld.idx.msk [tilespmem:v12+s24+$0x0], $0xffff  }
0x328: {  	s18 =	simm.s32 $0xE;
	v15 =	vmul.f32 v15, v21;
	[tilespmem:v0+s29+$0x0] =	vst.idx.msk $0xffff, v35;
	v0 =	vadd.s32 v63, v11;
	v11 =	vld.idx.msk [tilespmem:v41+s24+$0x0], $0xffff  }
0x329: {  	v6 =	vadd.s32 v62, v31;
	v55 =	vadd.s32 s18, v56;
	v1 =	vmul.f32 v1, v22  }
0x32a: {  	vm14 =	vgt.u32 v55, $0x27;
	v35 =	vadd.s32 s7, v56;
	v18 =	vld.idx.msk [tilespmem:v16+s24+$0x0], $0xffff;
	v43 =	vmul.f32 v43, v22;
	[tilespmem:v13+s29+$0x0] =	vst.idx.msk $0xffff, v15  }
0x32b: {  	s7 =	simm.s32 $0xB;
	v42 =	vmul.f32 v54, v26;
	vm3 =	vgt.u32 v35, $0x27;
	[tilespmem:v4+s29+$0x0] =	vst.idx.msk $0xffff, v1;
	v17 =	vmul.f32 v17, v22  }
0x32c: {  	s11 =	simm.s32 $0xD;
	v54 =	vadd.s32 s7, v56;
	v13 =	vsel vm3, v48, v35;
	v14 =	vmul.f32 v14, v22;
	[tilespmem:v45+s29+$0x0] =	vst.idx.msk $0xffff, v43  }
0x32d: {  	v15 =	vmul.f32 v11, v22;
	v11 =	vadd.s32 s11, v56;
	[tilespmem:v5+s29+$0x0] =	vst.idx.msk $0xffff, v17;
	v17 =	vadd.s32 s10, v7  }
0x32e: {  	v56 =	vadd.s32 s18, v7;
	[tilespmem:v12+s29+$0x0] =	vst.idx.msk $0xffff, v14;
	vm4 =	vgt.u32 v11, $0x27;
	v12 =	vadd.s32 s11, v7  }
0x32f: {  	v18 =	vmul.f32 v18, v21;
	v5 =	vld.idx.msk [tilespmem:v44+s24+$0x0], $0xffff;
	v14 =	vsel vm4, v12, v11;
	v11 =	vsel vm13, v17, v57  }
0x330: {  	v12 =	vld.idx.msk [tilespmem:v47+s24+$0x0], $0xffff;
	[tilespmem:v41+s29+$0x0] =	vst.idx.msk $0xffff, v15;
	v15 =	vsel vm2, v59, v49;
	v48 =	vadd.s32 v58, v11  }
0x331: {  	v43 =	vld.idx.msk [tilespmem:v36+s24+$0x0], $0xffff;
	[tilespmem:v16+s29+$0x0] =	vst.idx.msk $0xffff, v18;
	v3 =	vadd.s32 v62, v15;
	v16 =	vsel vm14, v56, v55  }
0x332: {  	v38 =	vadd.s32 v63, v27;
	v1 =	vld.idx.msk [tilespmem:v6+s24+$0x0], $0xffff;
	[tilespmem:$0x1FE60] =	vst v3;
	v45 =	vadd.s32 v58, v16  }
0x333: {  	v37 =	vadd.s32 v63, v33;
	v50 =	vadd.s32 s8, v7;
	vm11 =	vgt.u32 v51, $0x27;
	v57 =	vld.idx.msk [tilespmem:v46+s24+$0x0], $0xffff  }
0x334: {  	vm15 =	vgt.u32 v52, $0x27;
	v35 =	vsel vm11, v50, v51;
	v49 =	vld.idx.msk [tilespmem:v0+s24+$0x0], $0xffff;
	v5 =	vmul.f32 v5, v21  }
0x335: {  	v50 =	vadd.s32 v58, v15;
	[tilespmem:v2+s29+$0x0] =	vst.idx.msk $0xffff, v42;
	v59 =	vmul.f32 v12, v21;
	v56 =	vld.idx.msk [tilespmem:v48+s24+$0x0], $0xffff  }
0x336: {  	vm12 =	vgt.u32 v54, $0x27;
	v4 =	vadd.s32 s7, v7;
	v18 =	vsel vm15, v53, v52;
	[tilespmem:v44+s29+$0x0] =	vst.idx.msk $0xffff, v5;
	v44 =	vld.idx.msk [tilespmem:v40+s24+$0x0], $0xffff  }
0x337: {  	v42 =	vadd.s32 v58, v35;
	v5 =	vmul.f32 v43, v21;
	[tilespmem:v47+s29+$0x0] =	vst.idx.msk $0xffff, v59;
	v59 =	vld.idx.msk [tilespmem:v45+s24+$0x0], $0xffff  }
0x338: {  	v41 =	vadd.s32 v8, v11;
	v12 =	vsel vm12, v4, v54;
	v1 =	vmul.f32 v1, v21;
	v2 =	vld.idx.msk [tilespmem:v39+s24+$0x0], $0xffff  }
0x339: {  	v4 =	vadd.s32 v58, v18;
	v57 =	vmul.f32 v57, v20;
	[tilespmem:v36+s29+$0x0] =	vst.idx.msk $0xffff, v5;
	v5 =	vld.idx.msk [tilespmem:v38+s24+$0x0], $0xffff  }
0x33a: {  	v53 =	vadd.s32 v61, v27;
	[tilespmem:v6+s29+$0x0] =	vst.idx.msk $0xffff, v1;
	v6 =	vmul.f32 v49, v20;
	v36 =	vld.idx.msk [tilespmem:v50+s24+$0x0], $0xffff  }
0x33b: {  	v49 =	vadd.s32 v58, v14;
	v1 =	vld.idx.msk [tilespmem:v37+s24+$0x0], $0xffff;
	[tilespmem:v46+s29+$0x0] =	vst.idx.msk $0xffff, v57;
	v27 =	vmul.f32 v56, v25  }
0x33c: {  	[tilespmem:v0+s29+$0x0] =	vst.idx.msk $0xffff, v6;
	v0 =	vadd.s32 v10, v32;
	v46 =	vld.idx.msk [tilespmem:v42+s24+$0x0], $0xffff;
	v44 =	vmul.f32 v44, v19  }
0x33d: {  	v6 =	vadd.s32 v58, v13;
	v57 =	vld.idx.msk [tilespmem:v34+s24+$0x0], $0xffff;
	v59 =	vmul.f32 v59, v25;
	[tilespmem:v48+s29+$0x0] =	vst.idx.msk $0xffff, v27  }
0x33e: {  	v33 =	vadd.s32 v61, v33;
	v56 =	vld.idx.msk [tilespmem:v4+s24+$0x0], $0xffff;
	v2 =	vmul.f32 v2, v20;
	[tilespmem:v40+s29+$0x0] =	vst.idx.msk $0xffff, v44  }
0x33f: {  	v54 =	vadd.s32 v8, v15;
	v55 =	vld.idx.msk [tilespmem:v41+s24+$0x0], $0xffff;
	v5 =	vmul.f32 v5, v20;
	[tilespmem:v45+s29+$0x0] =	vst.idx.msk $0xffff, v59  }
0x340: {  	v52 =	vadd.s32 v8, v16;
	v36 =	vmul.f32 v36, v25;
	[tilespmem:v39+s29+$0x0] =	vst.idx.msk $0xffff, v2;
	v2 =	vld.idx.msk [tilespmem:v49+s24+$0x0], $0xffff  }
0x341: {  	v1 =	vmul.f32 v1, v20;
	v39 =	vadd.s32 v8, v35;
	v44 =	vld.idx.msk [tilespmem:v0+s24+$0x0], $0xffff;
	[tilespmem:v38+s29+$0x0] =	vst.idx.msk $0xffff, v5  }
0x342: {  	v47 =	vadd.s32 v8, v14;
	v5 =	vld.idx.msk [tilespmem:v6+s24+$0x0], $0xffff;
	[tilespmem:v50+s29+$0x0] =	vst.idx.msk $0xffff, v36;
	v57 =	vmul.f32 v57, v24  }
0x343: {  	[tilespmem:v37+s29+$0x0] =	vst.idx.msk $0xffff, v1;
	v1 =	vmul.f32 v46, v25;
	v37 =	vadd.s32 v9, v11;
	v38 =	vld.idx.msk [tilespmem:v53+s24+$0x0], $0xffff  }
0x344: {  	v45 =	vadd.s32 v61, v30;
	v36 =	vmul.f32 v56, v25;
	v30 =	vld.idx.msk [tilespmem:v54+s24+$0x0], $0xffff;
	[tilespmem:v34+s29+$0x0] =	vst.idx.msk $0xffff, v57  }
0x345: {  	v43 =	vadd.s32 v8, v18;
	v34 =	vld.idx.msk [tilespmem:v52+s24+$0x0], $0xffff;
	[tilespmem:v42+s29+$0x0] =	vst.idx.msk $0xffff, v1;
	v1 =	vmul.f32 v55, v26  }
0x346: {  	[tilespmem:v4+s29+$0x0] =	vst.idx.msk $0xffff, v36;
	v42 =	vadd.s32 v60, v32;
	v59 =	vld.idx.msk [tilespmem:v39+s24+$0x0], $0xffff;
	v2 =	vmul.f32 v2, v25  }
0x347: {  	v51 =	vadd.s32 v9, v14;
	v36 =	vld.idx.msk [tilespmem:v33+s24+$0x0], $0xffff;
	[tilespmem:v41+s29+$0x0] =	vst.idx.msk $0xffff, v1;
	v1 =	vmul.f32 v44, v23  }
0x348: {  	v44 =	vadd.s32 v8, v13;
	v5 =	vmul.f32 v5, v25;
	[tilespmem:v49+s29+$0x0] =	vst.idx.msk $0xffff, v2;
	v2 =	vld.idx.msk [tilespmem:v37+s24+$0x0], $0xffff  }
0x349: {  	v3 =	vmov v9;
	v49 =	vld.idx.msk [tilespmem:v47+s24+$0x0], $0xffff;
	[tilespmem:v0+s29+$0x0] =	vst.idx.msk $0xffff, v1;
	v1 =	vadd.s32 v9, v35  }
0x34a: {  	v55 =	vadd.s32 v63, v31;
	v0 =	vmul.f32 v38, v24;
	[tilespmem:v6+s29+$0x0] =	vst.idx.msk $0xffff, v5;
	v6 =	vld.idx.msk [tilespmem:v43+s24+$0x0], $0xffff  }
0x34b: {  	v48 =	vadd.s32 v9, v16;
	v4 =	vadd.s32 v10, v11;
	v38 =	vld.idx.msk [tilespmem:v42+s24+$0x0], $0xffff;
	v46 =	vmul.f32 v59, v26  }
0x34c: {  	v40 =	vadd.s32 v9, v15;
	v5 =	vmul.f32 v30, v26;
	[tilespmem:v53+s29+$0x0] =	vst.idx.msk $0xffff, v0;
	v0 =	vld.idx.msk [tilespmem:v45+s24+$0x0], $0xffff  }
0x34d: {  	v50 =	vadd.s32 v10, v14;
	v53 =	vld.idx.msk [tilespmem:v44+s24+$0x0], $0xffff;
	[tilespmem:v39+s29+$0x0] =	vst.idx.msk $0xffff, v46;
	v2 =	vmul.f32 v2, v19  }
0x34e: {  	[tilespmem:v54+s29+$0x0] =	vst.idx.msk $0xffff, v5;
	v46 =	vadd.s32 v62, v32;
	v5 =	vld.idx.msk [tilespmem:v1+s24+$0x0], $0xffff;
	v39 =	vmul.f32 v49, v26  }
0x34f: {  	v56 =	vadd.s32 v10, v15;
	v34 =	vmul.f32 v34, v26;
	[tilespmem:v37+s29+$0x0] =	vst.idx.msk $0xffff, v2;
	v2 =	vld.idx.msk [tilespmem:v55+s24+$0x0], $0xffff  }
0x350: {  	v41 =	vadd.s32 v9, v18;
	v49 =	vmul.f32 v38, v22;
	[tilespmem:v47+s29+$0x0] =	vst.idx.msk $0xffff, v39;
	v38 =	vld.idx.msk [tilespmem:v4+s24+$0x0], $0xffff  }
0x351: {  	[tilespmem:v52+s29+$0x0] =	vst.idx.msk $0xffff, v34;
	v6 =	vmul.f32 v6, v26;
	v47 =	vadd.s32 v9, v13;
	v39 =	vld.idx.msk [tilespmem:v51+s24+$0x0], $0xffff  }
0x352: {  	v37 =	vadd.s32 v10, v35;
	v0 =	vmul.f32 v0, v24;
	[tilespmem:v42+s29+$0x0] =	vst.idx.msk $0xffff, v49;
	v49 =	vld.idx.msk [tilespmem:v40+s24+$0x0], $0xffff  }
0x353: {  	v52 =	vadd.s32 v62, v28;
	[tilespmem:v43+s29+$0x0] =	vst.idx.msk $0xffff, v6;
	v59 =	vmul.f32 v53, v26;
	v42 =	vld.idx.msk [tilespmem:v46+s24+$0x0], $0xffff  }
0x354: {  	v6 =	vadd.s32 v60, v11;
	[tilespmem:v45+s29+$0x0] =	vst.idx.msk $0xffff, v0;
	v0 =	vmul.f32 v5, v19;
	v5 =	vld.idx.msk [tilespmem:v48+s24+$0x0], $0xffff  }
0x355: {  	v34 =	vadd.s32 v61, v31;
	v31 =	vmul.f32 v36, v24;
	[tilespmem:v44+s29+$0x0] =	vst.idx.msk $0xffff, v59;
	v44 =	vld.idx.msk [tilespmem:v41+s24+$0x0], $0xffff  }
0x356: {  	v36 =	vld.idx.msk [tilespmem:v47+s24+$0x0], $0xffff;
	[tilespmem:v1+s29+$0x0] =	vst.idx.msk $0xffff, v0;
	v0 =	vadd.s32 v58, v12;
	v1 =	vmul.f32 v38, v23  }
0x357: {  	v57 =	vadd.s32 v10, v18;
	[tilespmem:v33+s29+$0x0] =	vst.idx.msk $0xffff, v31;
	v45 =	vld.idx.msk [tilespmem:v37+s24+$0x0], $0xffff;
	v59 =	vmul.f32 v39, v19  }
0x358: {  	v30 =	vadd.s32 v61, v32;
	v31 =	vmul.f32 v49, v19;
	[tilespmem:v4+s29+$0x0] =	vst.idx.msk $0xffff, v1;
	v4 =	vld.idx.msk [tilespmem:v52+s24+$0x0], $0xffff  }
0x359: {  	v54 =	vadd.s32 v10, v16;
	v38 =	vadd.s32 v63, v32;
	[tilespmem:v51+s29+$0x0] =	vst.idx.msk $0xffff, v59;
	v32 =	vld.idx.msk [tilespmem:v6+s24+$0x0], $0xffff  }
0x35a: {  	v43 =	vadd.s32 v63, v28;
	v5 =	vmul.f32 v5, v19;
	[tilespmem:v40+s29+$0x0] =	vst.idx.msk $0xffff, v31;
	v33 =	vld.idx.msk [tilespmem:v50+s24+$0x0], $0xffff  }
0x35b: {  	v9 =	vmov v8;
	v51 =	vadd.s32 v10, v13;
	v59 =	vmul.f32 v44, v19;
	v49 =	vld.idx.msk [tilespmem:v0+s24+$0x0], $0xffff;
	[tilespmem:$0x1FE70] =	vst v19  }
0x35c: {  	v8 =	vmov v58;
	v2 =	vmul.f32 v2, v20;
	v40 =	vadd.s32 v60, v35;
	[tilespmem:v48+s29+$0x0] =	vst.idx.msk $0xffff, v5  }
0x35d: {  	v53 =	vadd.s32 v62, v11;
	v36 =	vmul.f32 v36, v19;
	v44 =	vld.idx.msk [tilespmem:v56+s24+$0x0], $0xffff;
	[tilespmem:v41+s29+$0x0] =	vst.idx.msk $0xffff, v59  }
0x35e: {  	v58 =	vadd.s32 v60, v14;
	v5 =	vmul.f32 v45, v23;
	[tilespmem:v55+s29+$0x0] =	vst.idx.msk $0xffff, v2;
	v41 =	vld.idx.msk [tilespmem:v54+s24+$0x0], $0xffff  }
0x35f: {  	v39 =	vadd.s32 v60, v15;
	[tilespmem:v47+s29+$0x0] =	vst.idx.msk $0xffff, v36;
	v36 =	vld.idx.msk [tilespmem:v57+s24+$0x0], $0xffff;
	v4 =	vmul.f32 v4, v21  }
0x360: {  	v1 =	vmul.f32 v42, v21;
	v45 =	vld.idx.msk [tilespmem:v51+s24+$0x0], $0xffff;
	[tilespmem:v37+s29+$0x0] =	vst.idx.msk $0xffff, v5;
	v5 =	vmul.f32 v32, v22  }
0x361: {  	v42 =	vadd.s32 v9, v12;
	v19 =	vmov v10;
	v10 =	vmov v60;
	v59 =	vld.idx.msk [tilespmem:v40+s24+$0x0], $0xffff;
	[tilespmem:v52+s29+$0x0] =	vst.idx.msk $0xffff, v4  }
0x362: {  	v48 =	vadd.s32 v60, v13;
	v47 =	vmul.f32 v33, v23;
	[tilespmem:v6+s29+$0x0] =	vst.idx.msk $0xffff, v5;
	v5 =	vld.idx.msk [tilespmem:v43+s24+$0x0], $0xffff  }
0x363: {  	[tilespmem:v46+s29+$0x0] =	vst.idx.msk $0xffff, v1;
	v4 =	vmul.f32 v49, v25;
	v49 =	vadd.s32 v60, v18;
	v6 =	vld.idx.msk [tilespmem:v53+s24+$0x0], $0xffff  }
0x364: {  	[tilespmem:v50+s29+$0x0] =	vst.idx.msk $0xffff, v47;
	v50 =	vadd.s32 v60, v16;
	v60 =	vld.idx.msk [tilespmem:v34+s24+$0x0], $0xffff;
	v36 =	vmul.f32 v36, v23  }
0x365: {  	[tilespmem:v0+s29+$0x0] =	vst.idx.msk $0xffff, v4;
	v0 =	vld.idx.msk [tilespmem:v58+s24+$0x0], $0xffff;
	v2 =	vmul.f32 v41, v23  }
0x366: {  	v4 =	vld.idx.msk [tilespmem:v42+s24+$0x0], $0xffff;
	[tilespmem:v57+s29+$0x0] =	vst.idx.msk $0xffff, v36  }
0x367: {  	v1 =	vmul.f32 v44, v23;
	v44 =	vmul.f32 v59, v22;
	v59 =	vld.idx.msk [tilespmem:v38+s24+$0x0], $0xffff;
	[tilespmem:v54+s29+$0x0] =	vst.idx.msk $0xffff, v2  }
0x368: {  	v29 =	vadd.s32 v61, v29;
	v55 =	vld.idx.msk [tilespmem:v49+s24+$0x0], $0xffff;
	[tilespmem:$0x1FE80] =	vst v23  }
0x369: {  	v27 =	vadd.s32 v61, v28;
	v47 =	vadd.s32 v62, v35;
	[tilespmem:v56+s29+$0x0] =	vst.idx.msk $0xffff, v1  }
0x36a: {  	v28 =	vadd.s32 v61, v35;
	v31 =	vadd.s32 v63, v15;
	v56 =	vld.idx.msk [tilespmem:v50+s24+$0x0], $0xffff;
	[tilespmem:$0x1FE90] =	vst v21  }
0x36b: {  	v36 =	vadd.s32 v63, v11;
	v2 =	vmul.f32 v45, v23;
	[tilespmem:v40+s29+$0x0] =	vst.idx.msk $0xffff, v44  }
0x36c: {  	v46 =	vadd.s32 v62, v16;
	v1 =	vmul.f32 v6, v21;
	v54 =	vld.idx.msk [tilespmem:v39+s24+$0x0], $0xffff;
	[tilespmem:$0x1FEA0] =	vst v22  }
0x36d: {  	v32 =	vadd.s32 v63, v18;
	v0 =	vmul.f32 v0, v22;
	[tilespmem:v51+s29+$0x0] =	vst.idx.msk $0xffff, v2  }
0x36e: {  	v37 =	vadd.s32 v3, v12;
	v40 =	vadd.s32 v63, v35;
	v35 =	vld.idx.msk [tilespmem:v47+s24+$0x0], $0xffff;
	[tilespmem:v53+s29+$0x0] =	vst.idx.msk $0xffff, v1  }
0x36f: {  	v33 =	vadd.s32 v63, v16;
	v41 =	vadd.s32 v62, v13;
	[tilespmem:v58+s29+$0x0] =	vst.idx.msk $0xffff, v0;
	v52 =	vld.idx.msk [tilespmem:v48+s24+$0x0], $0xffff  }
0x370: {  	v57 =	vmul.f32 v5, v20;
	v51 =	vmul.f32 v4, v26;
	v44 =	vld.idx.msk [tilespmem:v36+s24+$0x0], $0xffff;
	[tilespmem:$0x1FEB0] =	vst v24  }
0x371: {  	s6 =	simm.s32 $0x10;
	v45 =	vadd.s32 v62, v18;
	v53 =	vmul.f32 v60, v24;
	v58 =	vmul.f32 v59, v20;
	[tilespmem:$0x1FEC0] =	vst v20  }
.LBB2_13:
0x372: {  	v23 =	vld [tilespmem:$0x1FEA0]  }
0x373: {  	v4 =	vld.idx.msk [tilespmem:v29+s24+$0x0], $0xffff  }
0x374: {  	v21 =	vlaneseq.u32;
	v1 =	vadd.s32 s6, v7;
	s7 =	sadd.s32 $0x1, s6;
	s8 =	sadd.s32 $0x2, s6;
	v17 =	vld [tilespmem:$0x1FE60];
	[tilespmem:v43+s29+$0x0] =	vst.idx.msk $0xffff, v57  }
0x375: {  	s10 =	sadd.s32 $0x4, s6;
	v20 =	vld [tilespmem:$0x1FEB0];
	v0 =	vadd.s32 s6, v21;
	v5 =	vadd.s32 s7, v21;
	v6 =	vadd.s32 s8, v7;
	[tilespmem:v38+s29+$0x0] =	vst.idx.msk $0xffff, v58  }
0x376: {  	s11 =	smov.u32 s6;
	v57 =	vadd.s32 s10, v7;
	[tilespmem:v34+s29+$0x0] =	vst.idx.msk $0xffff, v53;
	v53 =	vadd.s32 s7, v7;
	vm3 =	vgt.u32 v0, $0x27  }
0x377: {  	s18 =	sadd.s32 $0x6, s11;
	v34 =	vmovc v13;
	vm2 =	vgt.u32 v5, $0x27;
	v13 =	vsel vm3, v1, v0;
	v2 =	vmul.f32 v55, v23  }
0x378: {  	v38 =	vmovc v14;
	v0 =	vadd.s32 s18, v21;
	v1 =	vadd.s32 s18, v7;
	v22 =	vmul.f32 v56, v23;
	v55 =	vld.idx.msk [tilespmem:v27+s24+$0x0], $0xffff  }
0x379: {  	vm14 =	vgt.u32 v0, $0x27;
	v56 =	vadd.s32 s8, v21;
	s8 =	sadd.s32 $0x3, s11;
	v54 =	vmul.f32 v54, v23;
	[tilespmem:v49+s29+$0x0] =	vst.idx.msk $0xffff, v2;
	v2 =	vld.idx.msk [tilespmem:v30+s24+$0x0], $0xffff  }
0x37a: {  	v14 =	vmul.f32 v52, v23;
	v4 =	vmul.f32 v4, v20;
	[tilespmem:v50+s29+$0x0] =	vst.idx.msk $0xffff, v22;
	v50 =	vadd.s32 s8, v21;
	v22 =	vld [tilespmem:$0x1FE90]  }
0x37b: {  	vm1 =	vgt.u32 v56, $0x27;
	v49 =	vadd.s32 s10, v21;
	s10 =	sadd.s32 $0x5, s11;
	[tilespmem:v39+s29+$0x0] =	vst.idx.msk $0xffff, v54;
	s11 =	sadd.s32 $0x7, s11;
	v58 =	vld.idx.msk [tilespmem:v45+s24+$0x0], $0xffff;
	vm0 =	vgt.u32 v50, $0x27  }
0x37c: {  	v43 =	vmovc v11;
	[tilespmem:v48+s29+$0x0] =	vst.idx.msk $0xffff, v14;
	v39 =	vld.idx.msk [tilespmem:v46+s24+$0x0], $0xffff;
	v52 =	vadd.s32 s10, v21;
	v59 =	vadd.s32 s10, v7;
	v11 =	vadd.s32 s11, v21  }
0x37d: {  	[tilespmem:v29+s29+$0x0] =	vst.idx.msk $0xffff, v4;
	v29 =	vmovc v16;
	v54 =	vld.idx.msk [tilespmem:v17+s24+$0x0], $0xffff;
	v48 =	vadd.s32 s11, v7;
	vm4 =	vgt.u32 v52, $0x27;
	vm13 =	vgt.u32 v11, $0x27  }
0x37e: {  	v60 =	vld.idx.msk [tilespmem:v41+s24+$0x0], $0xffff;
	v14 =	vsel vm4, v59, v52;
	v59 =	vmul.f32 v55, v20;
	v11 =	vsel vm13, v48, v11  }
0x37f: {  	v52 =	vmovc v15;
	v4 =	vadd.s32 v8, v11;
	v15 =	vsel vm2, v53, v5;
	v35 =	vmul.f32 v35, v22  }
0x380: {  	vm15 =	vgt.u32 v49, $0x27;
	v55 =	vmul.f32 v2, v20;
	[tilespmem:v27+s29+$0x0] =	vst.idx.msk $0xffff, v59;
	v16 =	vadd.s32 v62, v15  }
0x381: {  	v24 =	vld [tilespmem:$0x1FE80];
	v5 =	vadd.s32 s8, v7;
	v2 =	vmovc v18;
	v18 =	vsel vm15, v57, v49;
	[tilespmem:$0x1FE60] =	vst v16;
	v16 =	vsel vm14, v1, v0  }
0x382: {  	v21 =	vld [tilespmem:$0x1FEC0];
	v1 =	vmul.f32 v39, v22;
	v39 =	vmov v12;
	v59 =	vmul.f32 v54, v22;
	[tilespmem:v47+s29+$0x0] =	vst.idx.msk $0xffff, v35  }
0x383: {  	v12 =	vsel vm0, v5, v50;
	v5 =	vadd.s32 v8, v18;
	[tilespmem:v30+s29+$0x0] =	vst.idx.msk $0xffff, v55;
	v47 =	vld.idx.msk [tilespmem:v40+s24+$0x0], $0xffff  }
0x384: {  	v27 =	vmov v17;
	v2 =	vadd.s32 v61, v2;
	v35 =	vsel vm1, v6, v56;
	[tilespmem:v17+s29+$0x0] =	vst.idx.msk $0xffff, v59;
	v17 =	vld [tilespmem:$0x1FE70]  }
0x385: {  	v0 =	vadd.s32 v8, v16;
	v30 =	vmul.f32 v58, v22;
	[tilespmem:v46+s29+$0x0] =	vst.idx.msk $0xffff, v1;
	v58 =	vld.idx.msk [tilespmem:v4+s24+$0x0], $0xffff  }
0x386: {  	v6 =	vadd.s32 v8, v15;
	v1 =	vmul.f32 v60, v22;
	[tilespmem:v42+s29+$0x0] =	vst.idx.msk $0xffff, v51;
	v60 =	vld.idx.msk [tilespmem:v33+s24+$0x0], $0xffff  }
0x387: {  	v54 =	vadd.s32 v9, v15;
	v50 =	vadd.s32 v8, v35;
	v51 =	vld.idx.msk [tilespmem:v37+s24+$0x0], $0xffff;
	[tilespmem:v45+s29+$0x0] =	vst.idx.msk $0xffff, v30  }
0x388: {  	v53 =	vadd.s32 v9, v16;
	v46 =	vadd.s32 v8, v14;
	v30 =	vmul.f32 v44, v21;
	v27 =	vld.idx.msk [tilespmem:v32+s24+$0x0], $0xffff  }
0x389: {  	v55 =	vadd.s32 v19, v14;
	[tilespmem:v41+s29+$0x0] =	vst.idx.msk $0xffff, v1;
	v1 =	vld.idx.msk [tilespmem:v31+s24+$0x0], $0xffff;
	v56 =	vmul.f32 v47, v21  }
0x38a: {  	v44 =	vadd.s32 v9, v11;
	[tilespmem:v36+s29+$0x0] =	vst.idx.msk $0xffff, v30;
	v57 =	vld.idx.msk [tilespmem:v0+s24+$0x0], $0xffff;
	v58 =	vmul.f32 v58, v25  }
0x38b: {  	v41 =	vadd.s32 v8, v13;
	v30 =	vld.idx.msk [tilespmem:v6+s24+$0x0], $0xffff;
	v49 =	vmul.f32 v60, v21;
	[tilespmem:v40+s29+$0x0] =	vst.idx.msk $0xffff, v56  }
0x38c: {  	v59 =	vmul.f32 v51, v17;
	v40 =	vadd.s32 v19, v39;
	v48 =	vld.idx.msk [tilespmem:v50+s24+$0x0], $0xffff;
	[tilespmem:v4+s29+$0x0] =	vst.idx.msk $0xffff, v58  }
0x38d: {  	v42 =	vadd.s32 v9, v18;
	v60 =	vmul.f32 v27, v21;
	v56 =	vld.idx.msk [tilespmem:v46+s24+$0x0], $0xffff;
	[tilespmem:v33+s29+$0x0] =	vst.idx.msk $0xffff, v49  }
0x38e: {  	v45 =	vadd.s32 v9, v14;
	v1 =	vmul.f32 v1, v21;
	v4 =	vld.idx.msk [tilespmem:v28+s24+$0x0], $0xffff;
	[tilespmem:v37+s29+$0x0] =	vst.idx.msk $0xffff, v59  }
0x38f: {  	v36 =	vadd.s32 v63, v34;
	v51 =	vld.idx.msk [tilespmem:v44+s24+$0x0], $0xffff;
	v57 =	vmul.f32 v57, v25;
	[tilespmem:v32+s29+$0x0] =	vst.idx.msk $0xffff, v60  }
0x390: {  	v37 =	vadd.s32 v9, v35;
	v59 =	vld.idx.msk [tilespmem:v41+s24+$0x0], $0xffff;
	v30 =	vmul.f32 v30, v25;
	[tilespmem:v31+s29+$0x0] =	vst.idx.msk $0xffff, v1  }
0x391: {  	v34 =	vadd.s32 v61, v34;
	[tilespmem:v0+s29+$0x0] =	vst.idx.msk $0xffff, v57;
	v58 =	vld.idx.msk [tilespmem:v40+s24+$0x0], $0xffff;
	v1 =	vmul.f32 v48, v25  }
0x392: {  	v31 =	vld.idx.msk [tilespmem:v2+s24+$0x0], $0xffff;
	[tilespmem:v6+s29+$0x0] =	vst.idx.msk $0xffff, v30;
	v48 =	vadd.s32 v61, v29;
	v29 =	vmul.f32 v56, v25  }
0x393: {  	v0 =	vadd.s32 v3, v11;
	v6 =	vld.idx.msk [tilespmem:v5+s24+$0x0], $0xffff;
	v4 =	vmul.f32 v4, v20;
	[tilespmem:v50+s29+$0x0] =	vst.idx.msk $0xffff, v1  }
0x394: {  	v30 =	vld.idx.msk [tilespmem:v54+s24+$0x0], $0xffff;
	v1 =	vmul.f32 v51, v26;
	v50 =	vadd.s32 v10, v39;
	[tilespmem:v46+s29+$0x0] =	vst.idx.msk $0xffff, v29  }
0x395: {  	v27 =	vadd.s32 v61, v38;
	v29 =	vadd.s32 v61, v43;
	v60 =	vld.idx.msk [tilespmem:v37+s24+$0x0], $0xffff;
	[tilespmem:v28+s29+$0x0] =	vst.idx.msk $0xffff, v4  }
0x396: {  	v43 =	vadd.s32 v9, v13;
	v28 =	vld.idx.msk [tilespmem:v53+s24+$0x0], $0xffff;
	[tilespmem:v44+s29+$0x0] =	vst.idx.msk $0xffff, v1;
	v1 =	vmul.f32 v58, v24  }
0x397: {  	v49 =	vadd.s32 v61, v52;
	v52 =	vadd.s32 v3, v14;
	v32 =	vmul.f32 v59, v25;
	v58 =	vld.idx.msk [tilespmem:v45+s24+$0x0], $0xffff  }
0x398: {  	v33 =	vadd.s32 v3, v16;
	v57 =	vld.idx.msk [tilespmem:v0+s24+$0x0], $0xffff;
	[tilespmem:v40+s29+$0x0] =	vst.idx.msk $0xffff, v1;
	v1 =	vmul.f32 v31, v20  }
0x399: {  	[tilespmem:v41+s29+$0x0] =	vst.idx.msk $0xffff, v32;
	v6 =	vmul.f32 v6, v25;
	v31 =	vadd.s32 v3, v35;
	v40 =	vld.idx.msk [tilespmem:v50+s24+$0x0], $0xffff  }
0x39a: {  	v56 =	vadd.s32 v19, v15;
	v59 =	vmul.f32 v30, v26;
	[tilespmem:v2+s29+$0x0] =	vst.idx.msk $0xffff, v1;
	v1 =	vld.idx.msk [tilespmem:v48+s24+$0x0], $0xffff  }
0x39b: {  	v46 =	vadd.s32 v62, v39;
	v2 =	vmul.f32 v60, v26;
	v60 =	vld.idx.msk [tilespmem:v43+s24+$0x0], $0xffff;
	[tilespmem:v5+s29+$0x0] =	vst.idx.msk $0xffff, v6  }
0x39c: {  	v5 =	vadd.s32 v19, v11;
	v6 =	vld.idx.msk [tilespmem:v49+s24+$0x0], $0xffff;
	[tilespmem:v54+s29+$0x0] =	vst.idx.msk $0xffff, v59;
	v47 =	vmul.f32 v58, v26  }
0x39d: {  	v4 =	vadd.s32 v3, v15;
	v41 =	vld.idx.msk [tilespmem:v42+s24+$0x0], $0xffff;
	[tilespmem:v37+s29+$0x0] =	vst.idx.msk $0xffff, v2;
	v2 =	vmul.f32 v57, v17  }
0x39e: {  	v51 =	vadd.s32 v19, v13;
	v28 =	vmul.f32 v28, v26;
	v32 =	vld.idx.msk [tilespmem:v31+s24+$0x0], $0xffff;
	[tilespmem:v45+s29+$0x0] =	vst.idx.msk $0xffff, v47  }
0x39f: {  	v44 =	vadd.s32 v3, v18;
	[tilespmem:v0+s29+$0x0] =	vst.idx.msk $0xffff, v2;
	v0 =	vld.idx.msk [tilespmem:v36+s24+$0x0], $0xffff;
	v2 =	vmul.f32 v40, v23  }
0x3a0: {  	[tilespmem:v53+s29+$0x0] =	vst.idx.msk $0xffff, v28;
	v45 =	vadd.s32 v3, v13;
	v47 =	vld.idx.msk [tilespmem:v52+s24+$0x0], $0xffff;
	v1 =	vmul.f32 v1, v20  }
0x3a1: {  	v53 =	vadd.s32 v62, v38;
	v59 =	vmul.f32 v60, v26;
	v37 =	vld.idx.msk [tilespmem:v5+s24+$0x0], $0xffff;
	[tilespmem:v50+s29+$0x0] =	vst.idx.msk $0xffff, v2  }
0x3a2: {  	v30 =	vadd.s32 v61, v39;
	v60 =	vld.idx.msk [tilespmem:v4+s24+$0x0], $0xffff;
	v6 =	vmul.f32 v6, v20;
	[tilespmem:v48+s29+$0x0] =	vst.idx.msk $0xffff, v1  }
0x3a3: {  	v2 =	vadd.s32 v19, v35;
	v41 =	vmul.f32 v41, v26;
	v28 =	vld.idx.msk [tilespmem:v46+s24+$0x0], $0xffff;
	[tilespmem:v43+s29+$0x0] =	vst.idx.msk $0xffff, v59  }
0x3a4: {  	v54 =	vadd.s32 v19, v16;
	v1 =	vmul.f32 v32, v17;
	v57 =	vld.idx.msk [tilespmem:v33+s24+$0x0], $0xffff;
	[tilespmem:v49+s29+$0x0] =	vst.idx.msk $0xffff, v6  }
0x3a5: {  	v58 =	vld.idx.msk [tilespmem:v45+s24+$0x0], $0xffff;
	[tilespmem:v42+s29+$0x0] =	vst.idx.msk $0xffff, v41;
	v41 =	vadd.s32 v10, v11;
	v47 =	vmul.f32 v47, v17  }
0x3a6: {  	v6 =	vld.idx.msk [tilespmem:v53+s24+$0x0], $0xffff;
	[tilespmem:v31+s29+$0x0] =	vst.idx.msk $0xffff, v1;
	v1 =	vadd.s32 v8, v12;
	v31 =	vmul.f32 v37, v24  }
0x3a7: {  	v40 =	vadd.s32 v19, v18;
	v43 =	vadd.s32 v63, v38;
	v42 =	vld.idx.msk [tilespmem:v44+s24+$0x0], $0xffff;
	[tilespmem:v52+s29+$0x0] =	vst.idx.msk $0xffff, v47  }
0x3a8: {  	v38 =	vadd.s32 v63, v39;
	v59 =	vld.idx.msk [tilespmem:v2+s24+$0x0], $0xffff;
	[tilespmem:v5+s29+$0x0] =	vst.idx.msk $0xffff, v31;
	v31 =	vmul.f32 v60, v17  }
0x3a9: {  	v39 =	vadd.s32 v10, v15;
	v0 =	vmul.f32 v0, v21;
	v49 =	vld.idx.msk [tilespmem:v55+s24+$0x0], $0xffff;
	v32 =	vmul.f32 v57, v17  }
0x3aa: {  	v5 =	vmul.f32 v28, v22;
	v48 =	vmul.f32 v58, v17;
	v60 =	vld.idx.msk [tilespmem:v41+s24+$0x0], $0xffff;
	[tilespmem:v4+s29+$0x0] =	vst.idx.msk $0xffff, v31  }
0x3ab: {  	v28 =	vadd.s32 v61, v35;
	v57 =	vadd.s32 v62, v11;
	v50 =	vld.idx.msk [tilespmem:v1+s24+$0x0], $0xffff;
	[tilespmem:v33+s29+$0x0] =	vst.idx.msk $0xffff, v32  }
0x3ac: {  	v4 =	vadd.s32 v10, v35;
	v42 =	vmul.f32 v42, v17;
	[tilespmem:v45+s29+$0x0] =	vst.idx.msk $0xffff, v48;
	v52 =	vld.idx.msk [tilespmem:v56+s24+$0x0], $0xffff  }
0x3ad: {  	v58 =	vadd.s32 v10, v14;
	v37 =	vmul.f32 v59, v24;
	v59 =	vld.idx.msk [tilespmem:v51+s24+$0x0], $0xffff;
	[tilespmem:v36+s29+$0x0] =	vst.idx.msk $0xffff, v0  }
0x3ae: {  	v6 =	vmul.f32 v6, v22;
	v31 =	vadd.s32 v63, v15;
	[tilespmem:v44+s29+$0x0] =	vst.idx.msk $0xffff, v42;
	v44 =	vld.idx.msk [tilespmem:v54+s24+$0x0], $0xffff  }
0x3af: {  	v42 =	vadd.s32 v9, v12;
	v45 =	vld.idx.msk [tilespmem:v40+s24+$0x0], $0xffff;
	[tilespmem:v2+s29+$0x0] =	vst.idx.msk $0xffff, v37;
	v2 =	vmul.f32 v60, v23  }
0x3b0: {  	[tilespmem:v53+s29+$0x0] =	vst.idx.msk $0xffff, v6;
	v17 =	vmov v61;
	v47 =	vmul.f32 v49, v24;
	v61 =	vld.idx.msk [tilespmem:v34+s24+$0x0], $0xffff  }
0x3b1: {  	v32 =	vadd.s32 v63, v18;
	v60 =	vld.idx.msk [tilespmem:v4+s24+$0x0], $0xffff;
	v6 =	vmul.f32 v50, v25;
	[tilespmem:v41+s29+$0x0] =	vst.idx.msk $0xffff, v2  }
0x3b2: {  	v33 =	vadd.s32 v63, v16;
	v50 =	vadd.s32 v10, v16;
	v2 =	vld.idx.msk [tilespmem:v43+s24+$0x0], $0xffff;
	[tilespmem:v55+s29+$0x0] =	vst.idx.msk $0xffff, v47  }
0x3b3: {  	v49 =	vadd.s32 v10, v18;
	v53 =	vld.idx.msk [tilespmem:v57+s24+$0x0], $0xffff;
	[tilespmem:v1+s29+$0x0] =	vst.idx.msk $0xffff, v6;
	v0 =	vmul.f32 v44, v24  }
0x3b4: {  	v48 =	vadd.s32 v10, v13;
	v6 =	vld.idx.msk [tilespmem:v42+s24+$0x0], $0xffff;
	v55 =	vmul.f32 v45, v24;
	[tilespmem:v46+s29+$0x0] =	vst.idx.msk $0xffff, v5  }
0x3b5: {  	v36 =	vadd.s32 v63, v11;
	v1 =	vld.idx.msk [tilespmem:v58+s24+$0x0], $0xffff;
	v5 =	vmul.f32 v52, v24;
	[tilespmem:v54+s29+$0x0] =	vst.idx.msk $0xffff, v0  }
0x3b6: {  	v47 =	vadd.s32 v62, v35;
	v44 =	vmul.f32 v60, v23;
	[tilespmem:v40+s29+$0x0] =	vst.idx.msk $0xffff, v55;
	v60 =	vld.idx.msk [tilespmem:v38+s24+$0x0], $0xffff  }
0x3b7: {  	p0 =	slt.u32 s6, $0x20;
	v37 =	vadd.s32 v3, v12;
	v0 =	vmul.f32 v59, v24;
	[tilespmem:v56+s29+$0x0] =	vst.idx.msk $0xffff, v5;
	v56 =	vld.idx.msk [tilespmem:v50+s24+$0x0], $0xffff  }
.Ltmp5:
0x3b8: {  	v41 =	vadd.s32 v62, v13;
	v46 =	vadd.s32 v62, v16;
	v45 =	vadd.s32 v62, v18;
	v55 =	vld.idx.msk [tilespmem:v49+s24+$0x0], $0xffff;
	(pc) =	sbr.rel @p0 .LBB2_13-.Ltmp5, $4  }
0x3b9: {  	v40 =	vadd.s32 v63, v35;
	v54 =	vld.idx.msk [tilespmem:v39+s24+$0x0], $0xffff;
	[tilespmem:v51+s29+$0x0] =	vst.idx.msk $0xffff, v0;
	v5 =	vmul.f32 v53, v22  }
0x3ba: {  	[tilespmem:v4+s29+$0x0] =	vst.idx.msk $0xffff, v44;
	v1 =	vmul.f32 v1, v23;
	v52 =	vld.idx.msk [tilespmem:v48+s24+$0x0], $0xffff;
	v53 =	vmul.f32 v61, v20  }
0x3bb: {  	v61 =	vmov v17;
	v35 =	vld.idx.msk [tilespmem:v47+s24+$0x0], $0xffff;
	v51 =	vmul.f32 v6, v26;
	[tilespmem:v57+s29+$0x0] =	vst.idx.msk $0xffff, v5  }
0x3bc: {  	s6 =	sadd.s32 $0x8, s6;
	v57 =	vmul.f32 v2, v21;
	[tilespmem:v58+s29+$0x0] =	vst.idx.msk $0xffff, v1;
	v44 =	vld.idx.msk [tilespmem:v36+s24+$0x0], $0xffff;
	v58 =	vmul.f32 v60, v21  }
0x3bd: {  	_ =	sdelay $0x3  }
0x3be: {  	[tilespmem:v42+s29+$0x0] =	vst.idx.msk $0xffff, v51  }
0x3bf: {  	v0 =	vld.idx.msk [tilespmem:v37+s24+$0x0], $0xffff  }
0x3c0: {  	v2 =	vld [tilespmem:$0x1FE70];
	_ =	sdelay $0x2  }
0x3c1: {  	v1 =	vadd.s32 v19, v12;
	_ =	sdelay $0x1  }
0x3c2: {  	v0 =	vmul.f32 v0, v2;
	_ =	sdelay $0x1  }
0x3c3: {  	[tilespmem:v37+s29+$0x0] =	vst.idx.msk $0xffff, v0  }
0x3c4: {  	[tilespmem:v43+s29+$0x0] =	vst.idx.msk $0xffff, v57;
	v0 =	vld.idx.msk [tilespmem:v1+s24+$0x0], $0xffff  }
0x3c5: {  	v4 =	vld [tilespmem:$0x1FE80]  }
0x3c6: {  	v17 =	vld [tilespmem:$0x1FEA0];
	_ =	sdelay $0x3  }
0x3c7: {  	v0 =	vmul.f32 v0, v4  }
0x3c8: {  	[tilespmem:v38+s29+$0x0] =	vst.idx.msk $0xffff, v58;
	v4 =	vmul.f32 v55, v17  }
0x3c9: {  	v6 =	vmul.f32 v56, v17;
	[tilespmem:v1+s29+$0x0] =	vst.idx.msk $0xffff, v0  }
0x3ca: {  	v42 =	vadd.s32 v10, v12;
	v51 =	vmul.f32 v54, v17;
	[tilespmem:v49+s29+$0x0] =	vst.idx.msk $0xffff, v4  }
0x3cb: {  	v5 =	vld.idx.msk [tilespmem:v29+s24+$0x0], $0xffff;
	[tilespmem:v50+s29+$0x0] =	vst.idx.msk $0xffff, v6  }
0x3cc: {  	v22 =	vld.idx.msk [tilespmem:v30+s24+$0x0], $0xffff;
	[tilespmem:v39+s29+$0x0] =	vst.idx.msk $0xffff, v51  }
0x3cd: {  	v21 =	vld [tilespmem:$0x1FE90];
	[tilespmem:v34+s29+$0x0] =	vst.idx.msk $0xffff, v53  }
0x3ce: {  	v23 =	vmul.f32 v52, v17;
	v53 =	vld [tilespmem:$0x1FE60]  }
0x3cf: {  	v1 =	vld.idx.msk [tilespmem:v42+s24+$0x0], $0xffff  }
0x3d0: {  	v24 =	vld.idx.msk [tilespmem:v46+s24+$0x0], $0xffff;
	[tilespmem:v48+s29+$0x0] =	vst.idx.msk $0xffff, v23  }
0x3d1: {  	v20 =	vld [tilespmem:$0x1FEB0]  }
0x3d2: {  	v4 =	vld.idx.msk [tilespmem:v27+s24+$0x0], $0xffff  }
0x3d3: {  	v23 =	vld.idx.msk [tilespmem:v41+s24+$0x0], $0xffff;
	v25 =	vmul.f32 v35, v21  }
0x3d4: {  	v26 =	vadd.s32 v62, v12;
	v6 =	vld.idx.msk [tilespmem:v45+s24+$0x0], $0xffff;
	v1 =	vmul.f32 v1, v17  }
0x3d5: {  	v56 =	vmul.f32 v24, v21;
	[tilespmem:v47+s29+$0x0] =	vst.idx.msk $0xffff, v25  }
0x3d6: {  	v5 =	vmul.f32 v5, v20;
	[tilespmem:v42+s29+$0x0] =	vst.idx.msk $0xffff, v1;
	v54 =	vld.idx.msk [tilespmem:v53+s24+$0x0], $0xffff  }
0x3d7: {  	v52 =	vadd.s32 v62, v14;
	v4 =	vmul.f32 v4, v20;
	[tilespmem:v46+s29+$0x0] =	vst.idx.msk $0xffff, v56  }
0x3d8: {  	v59 =	vmul.f32 v23, v21;
	[tilespmem:v29+s29+$0x0] =	vst.idx.msk $0xffff, v5  }
0x3d9: {  	v22 =	vmul.f32 v22, v20;
	v5 =	vmul.f32 v6, v21;
	[tilespmem:v27+s29+$0x0] =	vst.idx.msk $0xffff, v4;
	v6 =	vld.idx.msk [tilespmem:v26+s24+$0x0], $0xffff  }
0x3da: {  	[tilespmem:v41+s29+$0x0] =	vst.idx.msk $0xffff, v59  }
0x3db: {  	[tilespmem:v30+s29+$0x0] =	vst.idx.msk $0xffff, v22;
	v58 =	vmul.f32 v54, v21  }
0x3dc: {  	v37 =	vadd.s32 v63, v12;
	v55 =	vld.idx.msk [tilespmem:v52+s24+$0x0], $0xffff;
	[tilespmem:v45+s29+$0x0] =	vst.idx.msk $0xffff, v5  }
0x3dd: {  	v57 =	vld.idx.msk [tilespmem:v40+s24+$0x0], $0xffff;
	[tilespmem:v53+s29+$0x0] =	vst.idx.msk $0xffff, v58  }
0x3de: {  	v4 =	vadd.s32 v63, v13;
	v6 =	vmul.f32 v6, v21;
	v25 =	vld [tilespmem:$0x1FEC0]  }
0x3df: {  	v5 =	vld.idx.msk [tilespmem:v32+s24+$0x0], $0xffff  }
0x3e0: {  	v60 =	vadd.s32 v63, v14;
	v34 =	vld.idx.msk [tilespmem:v33+s24+$0x0], $0xffff;
	[tilespmem:v26+s29+$0x0] =	vst.idx.msk $0xffff, v6  }
0x3e1: {  	v46 =	vld.idx.msk [tilespmem:v37+s24+$0x0], $0xffff  }
0x3e2: {  	v18 =	vadd.s32 v61, v18;
	v1 =	vmul.f32 v55, v21;
	v38 =	vld.idx.msk [tilespmem:v31+s24+$0x0], $0xffff  }
0x3e3: {  	v16 =	vadd.s32 v61, v16;
	v39 =	vld.idx.msk [tilespmem:v4+s24+$0x0], $0xffff;
	v41 =	vmul.f32 v57, v25  }
0x3e4: {  	v51 =	vadd.s32 v61, v12;
	[tilespmem:v52+s29+$0x0] =	vst.idx.msk $0xffff, v1;
	v42 =	vmul.f32 v5, v25  }
0x3e5: {  	v43 =	vadd.s32 v61, v15;
	v5 =	vld.idx.msk [tilespmem:v60+s24+$0x0], $0xffff;
	v6 =	vmul.f32 v34, v25;
	[tilespmem:v40+s29+$0x0] =	vst.idx.msk $0xffff, v41  }
0x3e6: {  	v45 =	vadd.s32 v61, v13;
	v53 =	vmul.f32 v46, v25;
	[tilespmem:v32+s29+$0x0] =	vst.idx.msk $0xffff, v42;
	v21 =	vld.idx.msk [tilespmem:v28+s24+$0x0], $0xffff  }
0x3e7: {  	v47 =	vadd.s32 v61, v11;
	v2 =	vmul.f32 v38, v25;
	[tilespmem:v33+s29+$0x0] =	vst.idx.msk $0xffff, v6;
	v6 =	vld.idx.msk [tilespmem:v18+s24+$0x0], $0xffff  }
0x3e8: {  	v11 =	vadd.s32 v61, v14;
	v48 =	vmul.f32 v39, v25;
	v50 =	vld.idx.msk [tilespmem:v16+s24+$0x0], $0xffff;
	[tilespmem:v37+s29+$0x0] =	vst.idx.msk $0xffff, v53  }
0x3e9: {  	v49 =	vmul.f32 v44, v25;
	[tilespmem:v31+s29+$0x0] =	vst.idx.msk $0xffff, v2;
	v56 =	vld.idx.msk [tilespmem:v51+s24+$0x0], $0xffff  }
0x3ea: {  	[tilespmem:v4+s29+$0x0] =	vst.idx.msk $0xffff, v48;
	v52 =	vld.idx.msk [tilespmem:v43+s24+$0x0], $0xffff;
	v4 =	vmul.f32 v5, v25  }
0x3eb: {  	[tilespmem:v36+s29+$0x0] =	vst.idx.msk $0xffff, v49;
	v5 =	vld.idx.msk [tilespmem:v45+s24+$0x0], $0xffff;
	v54 =	vmul.f32 v21, v20  }
0x3ec: {  	[tilespmem:v60+s29+$0x0] =	vst.idx.msk $0xffff, v4;
	v4 =	vld.idx.msk [tilespmem:v47+s24+$0x0], $0xffff;
	v6 =	vmul.f32 v6, v20  }
0x3ed: {  	v55 =	vld.idx.msk [tilespmem:v11+s24+$0x0], $0xffff;
	v2 =	vmul.f32 v50, v20;
	[tilespmem:v28+s29+$0x0] =	vst.idx.msk $0xffff, v54  }
0x3ee: {  	v60 =	vmul.f32 v56, v20;
	[tilespmem:v18+s29+$0x0] =	vst.idx.msk $0xffff, v6  }
0x3ef: {  	s0 =	sadd.s32 $0x1, s0;
	v6 =	vmul.f32 v52, v20;
	[tilespmem:v16+s29+$0x0] =	vst.idx.msk $0xffff, v2  }
0x3f0: {  	p0 =	sne.s32 s0, $0x29;
	v57 =	vmul.f32 v5, v20;
	[tilespmem:v51+s29+$0x0] =	vst.idx.msk $0xffff, v60  }
.Ltmp6:
0x3f1: {  	[tilespmem:v43+s29+$0x0] =	vst.idx.msk $0xffff, v6;
	v58 =	vmul.f32 v4, v20;
	(pc) =	sbr.rel @p0 .LBB2_6-.Ltmp6, $4  }
0x3f2: {  	[tilespmem:v45+s29+$0x0] =	vst.idx.msk $0xffff, v57;
	v59 =	vmul.f32 v55, v20  }
0x3f3: {  	s6 =	sand.u32 $0x3FFFFF80, s17;
	[tilespmem:v47+s29+$0x0] =	vst.idx.msk $0xffff, v58  }
0x3f4: {  	s6 =	sadd.s32 $0x2C00, s6;
	v5 =	vmov v10;
	[tilespmem:v11+s29+$0x0] =	vst.idx.msk $0xffff, v59  }
0x3f5: {  	v10 =	vmovc v19;
	v6 =	vlaneseq.u32;
	v4 =	vmovc v8;
	v8 =	vmov v9;
	v9 =	vmov v3;
	[spmem:s2] =	stream.indirect.scatter.add.f32 [tilespmem:s29], [sflag:$0x4], $0x30, s6, s20, $0xb8;
	[tilespmem:$0x17500] =	vst v63  }
0x3f6: {  	_ =	swait.ge [sflag:s30], $0x1800  }
0x3f7: {  	[sflag:s30] =	ssyncset.done $0x0  }
0x3f8: {  	[sflag:s30] =	ssyncadd.s32 $0xFFFFE800  }
0x3f9: {  	s0 =	stileid.u32;
	_ =	swait.ge [sflag:s31], $0x1800  }
0x3fa: {  	s6 =	sshrl.u32 s9, $0x3;
	s1 =	sadd.s32 $0x1, s1;
	[sflag:s31] =	ssyncset.done $0x0  }
0x3fb: {  	s0 =	sshll.u32 s0, $0x6;
	p0 =	sne.s32 s1, s15;
	[sflag:s31] =	ssyncadd.s32 $0xFFFFE800  }
.Ltmp7:
0x3fc: {  	s0 =	sor.u32 $0x1C05, s0;
	[bflag:$0x0] =	sbarrier.arrive $0xFFFF;
	(pc) =	sbr.rel @p0 .LBB2_1-.Ltmp7, $4  }
0x3fd: {  	[hbm:s14], [sflag:s0] =	dma.local [spmem:s6], $0xF00  }
0x3fe: {  	_ =	swait.ge [sflag:s16], $0xF00  }
0x3ff: {  	[sflag:s16] =	ssyncset.done $0x0  }
0x400: {  	s7 =	simm.s32 $0x300;
	s8 =	simm.s32 $0x2C00;
	v0 =	vimm.f32 $0.0e+00;
	[sflag:s16] =	ssyncadd.s32 $0xFFFFF100  }
0x401: {  	_ =	sfence.sel $0x180000  }
0x402: {  	[bflag:$0x0] =	sbarrier.arrive $0xFFFF  }
0x403: {  	_ =	strace $0x90000047  }
0x404: {  	s0 =	stileid.u32;
	[bflag:$0x2] =	sbarrier.arrive $0xFFFF  }
0x405: {  	p0 =	sne.s32 s0, $0x0;
	s0 =	rddreg [dreg:$0x4]  }
0x406: {  	s0 =	sadd.s32 @!p0 $0x100000, s0  }
0x407: {  	[sflag:s0] =	ssyncadd.tile.s32 @!p0 $0x1;
	_ =	shalt  }
.Lfunc_end2:
_tile_overlayer_lowered:
.L_overlay_start_2:
0x408: {  	(tag) =	ssettag $0x2  }
0x409: {  	s0 =	rddreg [dreg:$0x0];
	s2 =	stileid.u32  }
0x40a: {  	s1 =	rddreg [dreg:$0x1];
	p0 =	sne.s32 s2, $0x0  }
0x40b: {  	s3 =	rddreg [dreg:$0x2];
	[bflag:$0x3] =	sbarrier.arrive $0xFFFF;
	s2 =	simm.s32 @!p0 $0x1C05  }
0x40c: {  	[timem:s3], [sflag:s2] =	dma.local @!p0 [hbm:s0], s1  }
0x40d: {  	s0 =	simm.s32 @!p0 $0x5  }
0x40e: {  	_ =	swait.ge @!p0 [sflag:s0], s1  }
0x40f: {  	s1 =	ssub.s32 @!p0 $0x0, s1;
	[sflag:s0] =	ssyncset.done @!p0 $0x0  }
0x410: {  	[sflag:s0] =	ssyncadd.s32 @!p0 s1  }
0x411: {  	[bflag:$0x3] =	sbarrier.arrive $0xFFFF  }
0x412: {  	_ =	shalt  }

</sc_bundles>
